<compile_context>
chip_gen: v7x
topology: tpu7x:2x2x1
jax: 0.10.2.dev20260603
libtpu: 0.0.44.dev20260713+nightly
codegen_flags: <defaults>
</compile_context>

<pallas_src>
import functools

import jax
import jax.numpy as jnp
from jax import lax
from jax.experimental import pallas as pl
from jax.experimental.pallas import tpu as pltpu
from jax.experimental.pallas import tpu_sc as plsc

B, C, H, W = 16, 256, 128, 128
HW = H * W
K = 128
HIDDEN = 1024
NUM_CLASSES = 117
LANES = 16
GRAN_ROWS = HW // LANES
N_PAIRS = K
N_WORKERS = 32


LAG = 4


def _sc_gather_kernel(table_hbm, inds_hbm, out_hbm, ind_v, idx_v, out_v, sem,
                      osem):
    wid = lax.axis_index("c") * 16 + lax.axis_index("s")
    b = lax.rem(wid, 16)
    base = b * (C * HW)
    pltpu.sync_copy(inds_hbm.at[pl.ds(wid * N_PAIRS, N_PAIRS)], ind_v)

    def fire(j, p):
        def chunk(c16, carry):
            cvec = (lax.iota(jnp.int32, LANES) + c16 * LANES) * HW
            idx_v[pl.ds(j * C + c16 * LANES, LANES)] = cvec + (p + base)
            return carry

        lax.fori_loop(0, C // LANES, chunk, None)
        pltpu.async_copy(table_hbm.at[idx_v.at[pl.ds(j * C, 128)]],
                         out_v.at[j, pl.ds(0, 128)], sem)
        pltpu.async_copy(table_hbm.at[idx_v.at[pl.ds(j * C + 128, 128)]],
                         out_v.at[j, pl.ds(128, 128)], sem)

    def drain(j):
        pltpu.make_async_copy(table_hbm.at[pl.ds(0, C)],
                              out_v.at[j], sem).wait()

    def write_group(g):
        pltpu.async_copy(
            out_v.at[pl.ds(g * LANES, LANES), :],
            out_hbm.at[pl.ds(wid * N_PAIRS + g * LANES, LANES), :], osem)

    def group_body(g, carry):
        p_vec = ind_v[pl.ds(g * LANES, LANES)]
        for j16 in range(LANES):
            fire(g * LANES + j16, p_vec[j16])

        @pl.when(g >= 5)
        def _():
            for j16 in range(LANES):
                drain((g - 5) * LANES + j16)
            write_group(g - 5)

        return carry

    n_groups = N_PAIRS // LANES
    lax.fori_loop(0, n_groups, group_body, None)
    for j in range((n_groups - 5) * LANES, N_PAIRS):
        drain(j)
    for g in range(n_groups - 5, n_groups):
        write_group(g)
    for _ in range(n_groups):
        pltpu.make_async_copy(
            out_v.at[pl.ds(0, LANES), :],
            out_hbm.at[pl.ds(wid * N_PAIRS, LANES), :], osem).wait()


def _mlp_body(sub_ref, obj_ref, w1a_ref, w1b_ref, b1_ref, w2_ref, b2_ref,
              w3_ref, b3_ref, out_ref):
    dn = (((1,), (1,)), ((), ()))
    bf = jnp.bfloat16
    x = lax.dot_general(sub_ref[...].astype(bf), w1a_ref[...], dn,
                        preferred_element_type=jnp.float32)
    x = x + lax.dot_general(obj_ref[...].astype(bf), w1b_ref[...], dn,
                            preferred_element_type=jnp.float32)
    h1 = jnp.maximum(x + b1_ref[...], 0.0).astype(bf)
    h2 = jnp.maximum(
        lax.dot_general(h1, w2_ref[...], dn,
                        preferred_element_type=jnp.float32) + b2_ref[...],
        0.0).astype(bf)
    out = lax.dot_general(
        h2, w3_ref[...], dn, preferred_element_type=jnp.float32) + b3_ref[...]
    out_ref[...] = out.reshape(out_ref.shape)


def kernel(embedding, sub_ind, obj_ind, W1, b1, W2, b2, W3, b3):
    table = embedding.reshape(B * C * HW)
    inds = jnp.concatenate(
        [sub_ind.reshape(-1).astype(jnp.int32),
         obj_ind.reshape(-1).astype(jnp.int32)])

    mesh = plsc.VectorSubcoreMesh(core_axis_name="c", subcore_axis_name="s")
    gathered = pl.kernel(
        _sc_gather_kernel,
        mesh=mesh,
        out_type=jax.ShapeDtypeStruct((2 * B * K, C), jnp.float32),
        scratch_types=[
            pltpu.VMEM((N_PAIRS,), jnp.int32),
            pltpu.VMEM((N_PAIRS * C,), jnp.int32),
            pltpu.VMEM((N_PAIRS, C), jnp.float32),
            pltpu.SemaphoreType.DMA,
            pltpu.SemaphoreType.DMA,
        ],
    )(table, inds)

    feats = gathered
    n_sub_blocks = B * K // 512

    m_tile = 512
    out = pl.pallas_call(
        _mlp_body,
        grid=(B * K // m_tile,),
        in_specs=[
            pl.BlockSpec((m_tile, C), lambda m: (m, 0)),
            pl.BlockSpec((m_tile, C), lambda m: (m + n_sub_blocks, 0)),
            pl.BlockSpec((HIDDEN, C), lambda m: (0, 0)),
            pl.BlockSpec((HIDDEN, C), lambda m: (0, 1)),
            pl.BlockSpec((1, HIDDEN), lambda m: (0, 0)),
            pl.BlockSpec((HIDDEN, HIDDEN), lambda m: (0, 0)),
            pl.BlockSpec((1, HIDDEN), lambda m: (0, 0)),
            pl.BlockSpec((NUM_CLASSES, HIDDEN), lambda m: (0, 0)),
            pl.BlockSpec((1, NUM_CLASSES), lambda m: (0, 0)),
        ],
        out_specs=pl.BlockSpec((m_tile // K, K, NUM_CLASSES),
                               lambda m: (m, 0, 0)),
        out_shape=jax.ShapeDtypeStruct((B, K, NUM_CLASSES), jnp.float32),
        compiler_params=pltpu.CompilerParams(
            dimension_semantics=("parallel",)),
    )(feats, feats, W1.astype(jnp.bfloat16), W1.astype(jnp.bfloat16),
      b1.reshape(1, HIDDEN), W2.astype(jnp.bfloat16),
      b2.reshape(1, HIDDEN), W3.astype(jnp.bfloat16),
      b3.reshape(1, NUM_CLASSES))

    return out

# --- scband reference (transcript-rebuilt; emitter-appended) ---
"""Pipeline reference for scband-relation-net-78975858639672 (READ-ONLY COPY).

The authoritative reference and input builder live on the scoring server;
editing this copy changes nothing except your own understanding.
"""

import jax, jax.numpy as jnp
import numpy as np

B, C, H, W = 16, 256, 128, 128
K = 128
HIDDEN = 1024
NUM_CLASSES = 117
INP_DIM = 2 * C  # combined_way == 'cat'


def setup_inputs(seed: int = 0) -> dict:
    key = jax.random.key(seed)
    ks = jax.random.split(key, 10)
    embedding = jax.random.normal(ks[0], (B, C, H, W), dtype=jnp.float32)
    sub_ind = jax.random.randint(ks[1], (B, K), 0, H * W, dtype=jnp.int64) if jax.config.jax_enable_x64 else jax.random.randint(ks[1], (B, K), 0, H * W).astype(jnp.int32)
    obj_ind = jax.random.randint(ks[2], (B, K), 0, H * W, dtype=jnp.int64) if jax.config.jax_enable_x64 else jax.random.randint(ks[2], (B, K), 0, H * W).astype(jnp.int32)
    # MLP params (torch Linear convention: W is [out, in])
    W1 = jax.random.normal(ks[3], (HIDDEN, INP_DIM), dtype=jnp.float32) * (1.0 / np.sqrt(INP_DIM))
    b1 = jnp.zeros((HIDDEN,), dtype=jnp.float32)
    W2 = jax.random.normal(ks[4], (HIDDEN, HIDDEN), dtype=jnp.float32) * (1.0 / np.sqrt(HIDDEN))
    b2 = jnp.zeros((HIDDEN,), dtype=jnp.float32)
    W3 = jax.random.normal(ks[5], (NUM_CLASSES, HIDDEN), dtype=jnp.float32) * (1.0 / np.sqrt(HIDDEN))
    b3 = jnp.zeros((NUM_CLASSES,), dtype=jnp.float32)
    return {"embedding": embedding, "sub_ind": sub_ind, "obj_ind": obj_ind,
            "W1": W1, "b1": b1, "W2": W2, "b2": b2, "W3": W3, "b3": b3}


def _transpose_and_gather_feat(feat, ind):
    # feat: [B, C, H, W] -> [B, H*W, C], gather along dim 1 by ind [B, K]
    b, c, h, w = feat.shape
    flat = jnp.transpose(feat, (0, 2, 3, 1)).reshape(b, h * w, c)
    return jnp.take_along_axis(flat, ind[:, :, None], axis=1)  # [B, K, C]


def reference(embedding, sub_ind, obj_ind, W1, b1, W2, b2, W3, b3):
    sub_feat = _transpose_and_gather_feat(embedding, sub_ind)
    obj_feat = _transpose_and_gather_feat(embedding, obj_ind)
    # combined_way == 'cat'
    out = jnp.concatenate((sub_feat, obj_feat), axis=-1)  # [B, K, 2C]
    h1 = jax.nn.relu(out @ W1.T + b1)
    h2 = jax.nn.relu(h1 @ W2.T + b2)
    rel_cls = h2 @ W3.T + b3  # [B, K, NUM_CLASSES]
    return rel_cls

if __name__ == "__main__":
    import jax
    _d = setup_inputs()
    print(jax.jit(kernel)(*tuple(_d.values())))

</pallas_src>

<mosaic_0001>
#map = affine_map<(d0, d1) -> (0)>
#map1 = affine_map<(d0, d1) -> (0, 0)>
module attributes {stable_mosaic.version = 14 : i64} {
  func.func @_sc_gather_kernel(%arg0: i32, %arg1: i32, %arg2: memref<67108864xf32, #tpu.memory_space<hbm>>, %arg3: memref<4096xi32, #tpu.memory_space<hbm>>, %arg4: memref<4096x256xf32, #tpu.memory_space<hbm>>, %arg5: memref<128xi32, #tpu.memory_space<vmem>>, %arg6: memref<32768xi32, #tpu.memory_space<vmem>>, %arg7: memref<128x256xf32, #tpu.memory_space<vmem>>, %arg8: memref<!tpu.dma_semaphore, #tpu.memory_space<semaphore_mem>>, %arg9: memref<!tpu.dma_semaphore, #tpu.memory_space<semaphore_mem>>) attributes {dimension_semantics = [#tpu.dimension_semantics<core_parallel>, #tpu.dimension_semantics<subcore_parallel>], iteration_bounds = array<i64: 2, 16>, scalar_prefetch = 0 : i64, scratch_operands = 5 : i64, tpu.core_type = #tpu.core_type<sc_vector_subcore>, window_params = [{transform_indices = #map}, {transform_indices = #map}, {transform_indices = #map1}]} {
    %mul3A = arith.constant 16 : i32
    %mul3A_0 = arith.muli %arg0, %mul3A : i32
    %add3A = arith.addi %mul3A_0, %arg1 : i32
    %rem3A = arith.constant 16 : i32
    %rem3A_1 = arith.remsi %add3A, %rem3A : i32
    %mul3A_2 = arith.constant 4194304 : i32
    %mul3A_3 = arith.muli %rem3A_1, %mul3A_2 : i32
    %mul3A_4 = arith.constant 128 : i32
    %mul3A_5 = arith.muli %add3A, %mul3A_4 : i32
    "tpu.region"() ({
      %run_scoped3A = tpu.sem_alloc : memref<!tpu.dma_semaphore, #tpu.memory_space<semaphore_mem>>
      %dma_start3A_1054 = tpu.memref_slice %arg3[%mul3A_5] : memref<4096xi32, #tpu.memory_space<hbm>> -> memref<128xi32, #tpu.memory_space<hbm>>
      %dma_start3A_1055 = tpu.memref_slice %arg3[%mul3A_5] : memref<4096xi32, #tpu.memory_space<hbm>> -> memref<128xi32, #tpu.memory_space<hbm>>
      tpu.enqueue_dma source(%dma_start3A_1055 : memref<128xi32, #tpu.memory_space<hbm>>) target(%arg5 : memref<128xi32, #tpu.memory_space<vmem>>) target_semaphore(%run_scoped3A : memref<!tpu.dma_semaphore, #tpu.memory_space<semaphore_mem>>)
      %dma_wait3A_1056 = tpu.memref_slice %arg3[%mul3A_5] : memref<4096xi32, #tpu.memory_space<hbm>> -> memref<128xi32, #tpu.memory_space<hbm>>
      %dma_wait3A_1057 = tpu.memref_slice %arg3[%mul3A_5] : memref<4096xi32, #tpu.memory_space<hbm>> -> memref<128xi32, #tpu.memory_space<hbm>>
      tpu.wait_dma2 semaphore(%run_scoped3A : memref<!tpu.dma_semaphore, #tpu.memory_space<semaphore_mem>>) src(%dma_wait3A_1057 : memref<128xi32, #tpu.memory_space<hbm>>) dst(%arg5 : memref<128xi32, #tpu.memory_space<vmem>>)
      tpu.yield
    }) : () -> ()
    %scan3A = arith.constant 0 : i32
    %scan3A_6 = arith.constant 8 : i32
    %scan3A_7 = arith.addi %scan3A, %scan3A_6 : i32
    %scan3A_8 = arith.constant 1 : i32
    scf.for %scan3A_1054 = %scan3A to %scan3A_7 step %scan3A_8  : i32 {
      %mul3A_1055 = arith.constant 16 : i32
      %mul3A_1056 = arith.muli %scan3A_1054, %mul3A_1055 : i32
      %get3A = arith.index_cast %mul3A_1056 : i32 to index
      %get3A_1057 = tpu.vector_load %arg5[%get3A] {strides = array<i32>} : memref<128xi32, #tpu.memory_space<vmem>>, vector<16xi32>,
      %get3A_1058 = vector.shape_cast %get3A_1057 : vector<16xi32> to vector<16xi32>
      %mul3A_1059 = arith.constant 16 : i32
      %mul3A_1060 = arith.muli %scan3A_1054, %mul3A_1059 : i32
      %add3A_1061 = arith.constant 0 : i32
      %add3A_1062 = arith.addi %mul3A_1060, %add3A_1061 : i32
      %slice3A = vector.extract_strided_slice %get3A_1058 {offsets = [0], sizes = [1], strides = [1]} : vector<16xi32> to vector<1xi32>
      %squeeze3A = vector.extract %slice3A[0] : i32 from vector<1xi32>
      %scan3A_1063 = arith.constant 0 : i32
      %scan3A_1064 = arith.constant 16 : i32
      %scan3A_1065 = arith.addi %scan3A_1063, %scan3A_1064 : i32
      %scan3A_1066 = arith.constant 1 : i32
      scf.for %scan3A_1523 = %scan3A_1063 to %scan3A_1065 step %scan3A_1066  : i32 {
        %iota3A = tpu.iota {dimensions = array<i32: 0>} : vector<16xi32>
        %mul3A_1524 = arith.constant 16 : i32
        %mul3A_1525 = arith.muli %scan3A_1523, %mul3A_1524 : i32
        %add3A_1526 = vector.broadcast %mul3A_1525 : i32 to vector<16xi32>
        %add3A_1527 = arith.addi %iota3A, %add3A_1526 : vector<16xi32>
        %mul3A_1528 = arith.constant 16384 : i32
        %mul3A_1529 = vector.broadcast %mul3A_1528 : i32 to vector<16xi32>
        %mul3A_1530 = arith.muli %add3A_1527, %mul3A_1529 : vector<16xi32>
        %add3A_1531 = arith.addi %squeeze3A, %mul3A_3 : i32
        %add3A_1532 = vector.broadcast %add3A_1531 : i32 to vector<16xi32>
        %add3A_1533 = arith.addi %mul3A_1530, %add3A_1532 : vector<16xi32>
        %mul3A_1534 = arith.constant 256 : i32
        %mul3A_1535 = arith.muli %add3A_1062, %mul3A_1534 : i32
        %mul3A_1536 = arith.constant 16 : i32
        %mul3A_1537 = arith.muli %scan3A_1523, %mul3A_1536 : i32
        %add3A_1538 = arith.addi %mul3A_1535, %mul3A_1537 : i32
        %swap3A = arith.index_cast %add3A_1538 : i32 to index
        %swap3A_1539 = tpu.vector_load %arg6[%swap3A] {strides = array<i32>} : memref<32768xi32, #tpu.memory_space<vmem>>, vector<16xi32>,
        %swap3A_1540 = vector.shape_cast %swap3A_1539 : vector<16xi32> to vector<16xi32>
        %swap3A_1541 = vector.shape_cast %add3A_1533 : vector<16xi32> to vector<16xi32>
        tpu.vector_store %arg6[%swap3A], %swap3A_1541 {strides = array<i32>} : memref<32768xi32, #tpu.memory_space<vmem>>, vector<16xi32>,
      }
      %scan3A_1067 = arith.constant 16 : i32
      %mul3A_1068 = arith.constant 256 : i32
      %mul3A_1069 = arith.muli %add3A_1062, %mul3A_1068 : i32
      %dma_start3A_1070 = arith.constant 0 : i32
      %dma_start3A_1071 = tpu.memref_slice %arg7[%add3A_1062, %dma_start3A_1070] : memref<128x256xf32, #tpu.memory_space<vmem>> -> memref<1x128xf32, #tpu.memory_space<vmem>>
      %dma_start3A_1072 = tpu.memref_squeeze %dma_start3A_1071 : memref<1x128xf32, #tpu.memory_space<vmem>> -> memref<128xf32, #tpu.memory_space<vmem>>
      %dma_start3A_1073 = tpu.memref_slice %arg6[%mul3A_1069] : memref<32768xi32, #tpu.memory_space<vmem>> -> memref<128xi32, #tpu.memory_space<vmem>>
      %dma_start3A_1074 = arith.constant 0 : i32
      %dma_start3A_1075 = tpu.memref_slice %arg2[%dma_start3A_1074] : memref<67108864xf32, #tpu.memory_space<hbm>> -> memref<67108864xf32, #tpu.memory_space<hbm>>
      tpu.enqueue_indirect_dma source(%dma_start3A_1075 : memref<67108864xf32, #tpu.memory_space<hbm>>) target(%dma_start3A_1072 : memref<128xf32, #tpu.memory_space<vmem>>) offsets(%dma_start3A_1073 : memref<128xi32, #tpu.memory_space<vmem>>) semaphore(%arg8 : memref<!tpu.dma_semaphore, #tpu.memory_space<semaphore_mem>>)
      %mul3A_1076 = arith.constant 256 : i32
      %mul3A_1077 = arith.muli %add3A_1062, %mul3A_1076 : i32
      %add3A_1078 = arith.constant 128 : i32
      %add3A_1079 = arith.addi %mul3A_1077, %add3A_1078 : i32
      %dma_start3A_1080 = arith.constant 128 : i32
      %dma_start3A_1081 = tpu.memref_slice %arg7[%add3A_1062, %dma_start3A_1080] : memref<128x256xf32, #tpu.memory_space<vmem>> -> memref<1x128xf32, #tpu.memory_space<vmem>>
      %dma_start3A_1082 = tpu.memref_squeeze %dma_start3A_1081 : memref<1x128xf32, #tpu.memory_space<vmem>> -> memref<128xf32, #tpu.memory_space<vmem>>
      %dma_start3A_1083 = tpu.memref_slice %arg6[%add3A_1079] : memref<32768xi32, #tpu.memory_space<vmem>> -> memref<128xi32, #tpu.memory_space<vmem>>
      %dma_start3A_1084 = arith.constant 0 : i32
      %dma_start3A_1085 = tpu.memref_slice %arg2[%dma_start3A_1084] : memref<67108864xf32, #tpu.memory_space<hbm>> -> memref<67108864xf32, #tpu.memory_space<hbm>>
      tpu.enqueue_indirect_dma source(%dma_start3A_1085 : memref<67108864xf32, #tpu.memory_space<hbm>>) target(%dma_start3A_1082 : memref<128xf32, #tpu.memory_space<vmem>>) offsets(%dma_start3A_1083 : memref<128xi32, #tpu.memory_space<vmem>>) semaphore(%arg8 : memref<!tpu.dma_semaphore, #tpu.memory_space<semaphore_mem>>)
      %mul3A_1086 = arith.constant 16 : i32
      %mul3A_1087 = arith.muli %scan3A_1054, %mul3A_1086 : i32
      %add3A_1088 = arith.constant 1 : i32
      %add3A_1089 = arith.addi %mul3A_1087, %add3A_1088 : i32
      %slice3A_1090 = vector.extract_strided_slice %get3A_1058 {offsets = [1], sizes = [1], strides = [1]} : vector<16xi32> to vector<1xi32>
      %squeeze3A_1091 = vector.extract %slice3A_1090[0] : i32 from vector<1xi32>
      %scan3A_1092 = arith.constant 0 : i32
      %scan3A_1093 = arith.constant 16 : i32
      %scan3A_1094 = arith.addi %scan3A_1092, %scan3A_1093 : i32
      %scan3A_1095 = arith.constant 1 : i32
      scf.for %scan3A_1523 = %scan3A_1092 to %scan3A_1094 step %scan3A_1095  : i32 {
        %iota3A = tpu.iota {dimensions = array<i32: 0>} : vector<16xi32>
        %mul3A_1524 = arith.constant 16 : i32
        %mul3A_1525 = arith.muli %scan3A_1523, %mul3A_1524 : i32
        %add3A_1526 = vector.broadcast %mul3A_1525 : i32 to vector<16xi32>
        %add3A_1527 = arith.addi %iota3A, %add3A_1526 : vector<16xi32>
        %mul3A_1528 = arith.constant 16384 : i32
        %mul3A_1529 = vector.broadcast %mul3A_1528 : i32 to vector<16xi32>
        %mul3A_1530 = arith.muli %add3A_1527, %mul3A_1529 : vector<16xi32>
        %add3A_1531 = arith.addi %squeeze3A_1091, %mul3A_3 : i32
        %add3A_1532 = vector.broadcast %add3A_1531 : i32 to vector<16xi32>
        %add3A_1533 = arith.addi %mul3A_1530, %add3A_1532 : vector<16xi32>
        %mul3A_1534 = arith.constant 256 : i32
        %mul3A_1535 = arith.muli %add3A_1089, %mul3A_1534 : i32
        %mul3A_1536 = arith.constant 16 : i32
        %mul3A_1537 = arith.muli %scan3A_1523, %mul3A_1536 : i32
        %add3A_1538 = arith.addi %mul3A_1535, %mul3A_1537 : i32
        %swap3A = arith.index_cast %add3A_1538 : i32 to index
        %swap3A_1539 = tpu.vector_load %arg6[%swap3A] {strides = array<i32>} : memref<32768xi32, #tpu.memory_space<vmem>>, vector<16xi32>,
        %swap3A_1540 = vector.shape_cast %swap3A_1539 : vector<16xi32> to vector<16xi32>
        %swap3A_1541 = vector.shape_cast %add3A_1533 : vector<16xi32> to vector<16xi32>
        tpu.vector_store %arg6[%swap3A], %swap3A_1541 {strides = array<i32>} : memref<32768xi32, #tpu.memory_space<vmem>>, vector<16xi32>,
      }
      %scan3A_1096 = arith.constant 16 : i32
      %mul3A_1097 = arith.constant 256 : i32
      %mul3A_1098 = arith.muli %add3A_1089, %mul3A_1097 : i32
      %dma_start3A_1099 = arith.constant 0 : i32
      %dma_start3A_1100 = tpu.memref_slice %arg7[%add3A_1089, %dma_start3A_1099] : memref<128x256xf32, #tpu.memory_space<vmem>> -> memref<1x128xf32, #tpu.memory_space<vmem>>
      %dma_start3A_1101 = tpu.memref_squeeze %dma_start3A_1100 : memref<1x128xf32, #tpu.memory_space<vmem>> -> memref<128xf32, #tpu.memory_space<vmem>>
      %dma_start3A_1102 = tpu.memref_slice %arg6[%mul3A_1098] : memref<32768xi32, #tpu.memory_space<vmem>> -> memref<128xi32, #tpu.memory_space<vmem>>
      %dma_start3A_1103 = arith.constant 0 : i32
      %dma_start3A_1104 = tpu.memref_slice %arg2[%dma_start3A_1103] : memref<67108864xf32, #tpu.memory_space<hbm>> -> memref<67108864xf32, #tpu.memory_space<hbm>>
      tpu.enqueue_indirect_dma source(%dma_start3A_1104 : memref<67108864xf32, #tpu.memory_space<hbm>>) target(%dma_start3A_1101 : memref<128xf32, #tpu.memory_space<vmem>>) offsets(%dma_start3A_1102 : memref<128xi32, #tpu.memory_space<vmem>>) semaphore(%arg8 : memref<!tpu.dma_semaphore, #tpu.memory_space<semaphore_mem>>)
      %mul3A_1105 = arith.constant 256 : i32
      %mul3A_1106 = arith.muli %add3A_1089, %mul3A_1105 : i32
      %add3A_1107 = arith.constant 128 : i32
      %add3A_1108 = arith.addi %mul3A_1106, %add3A_1107 : i32
      %dma_start3A_1109 = arith.constant 128 : i32
      %dma_start3A_1110 = tpu.memref_slice %arg7[%add3A_1089, %dma_start3A_1109] : memref<128x256xf32, #tpu.memory_space<vmem>> -> memref<1x128xf32, #tpu.memory_space<vmem>>
      %dma_start3A_1111 = tpu.memref_squeeze %dma_start3A_1110 : memref<1x128xf32, #tpu.memory_space<vmem>> -> memref<128xf32, #tpu.memory_space<vmem>>
      %dma_start3A_1112 = tpu.memref_slice %arg6[%add3A_1108] : memref<32768xi32, #tpu.memory_space<vmem>> -> memref<128xi32, #tpu.memory_space<vmem>>
      %dma_start3A_1113 = arith.constant 0 : i32
      %dma_start3A_1114 = tpu.memref_slice %arg2[%dma_start3A_1113] : memref<67108864xf32, #tpu.memory_space<hbm>> -> memref<67108864xf32, #tpu.memory_space<hbm>>
      tpu.enqueue_indirect_dma source(%dma_start3A_1114 : memref<67108864xf32, #tpu.memory_space<hbm>>) target(%dma_start3A_1111 : memref<128xf32, #tpu.memory_space<vmem>>) offsets(%dma_start3A_1112 : memref<128xi32, #tpu.memory_space<vmem>>) semaphore(%arg8 : memref<!tpu.dma_semaphore, #tpu.memory_space<semaphore_mem>>)
      %mul3A_1115 = arith.constant 16 : i32
      %mul3A_1116 = arith.muli %scan3A_1054, %mul3A_1115 : i32
      %add3A_1117 = arith.constant 2 : i32
      %add3A_1118 = arith.addi %mul3A_1116, %add3A_1117 : i32
      %slice3A_1119 = vector.extract_strided_slice %get3A_1058 {offsets = [2], sizes = [1], strides = [1]} : vector<16xi32> to vector<1xi32>
      %squeeze3A_1120 = vector.extract %slice3A_1119[0] : i32 from vector<1xi32>
      %scan3A_1121 = arith.constant 0 : i32
      %scan3A_1122 = arith.constant 16 : i32
      %scan3A_1123 = arith.addi %scan3A_1121, %scan3A_1122 : i32
      %scan3A_1124 = arith.constant 1 : i32
      scf.for %scan3A_1523 = %scan3A_1121 to %scan3A_1123 step %scan3A_1124  : i32 {
        %iota3A = tpu.iota {dimensions = array<i32: 0>} : vector<16xi32>
        %mul3A_1524 = arith.constant 16 : i32
        %mul3A_1525 = arith.muli %scan3A_1523, %mul3A_1524 : i32
        %add3A_1526 = vector.broadcast %mul3A_1525 : i32 to vector<16xi32>
        %add3A_1527 = arith.addi %iota3A, %add3A_1526 : vector<16xi32>
        %mul3A_1528 = arith.constant 16384 : i32
        %mul3A_1529 = vector.broadcast %mul3A_1528 : i32 to vector<16xi32>
        %mul3A_1530 = arith.muli %add3A_1527, %mul3A_1529 : vector<16xi32>
        %add3A_1531 = arith.addi %squeeze3A_1120, %mul3A_3 : i32
        %add3A_1532 = vector.broadcast %add3A_1531 : i32 to vector<16xi32>
        %add3A_1533 = arith.addi %mul3A_1530, %add3A_1532 : vector<16xi32>
        %mul3A_1534 = arith.constant 256 : i32
        %mul3A_1535 = arith.muli %add3A_1118, %mul3A_1534 : i32
        %mul3A_1536 = arith.constant 16 : i32
        %mul3A_1537 = arith.muli %scan3A_1523, %mul3A_1536 : i32
        %add3A_1538 = arith.addi %mul3A_1535, %mul3A_1537 : i32
        %swap3A = arith.index_cast %add3A_1538 : i32 to index
        %swap3A_1539 = tpu.vector_load %arg6[%swap3A] {strides = array<i32>} : memref<32768xi32, #tpu.memory_space<vmem>>, vector<16xi32>,
        %swap3A_1540 = vector.shape_cast %swap3A_1539 : vector<16xi32> to vector<16xi32>
        %swap3A_1541 = vector.shape_cast %add3A_1533 : vector<16xi32> to vector<16xi32>
        tpu.vector_store %arg6[%swap3A], %swap3A_1541 {strides = array<i32>} : memref<32768xi32, #tpu.memory_space<vmem>>, vector<16xi32>,
      }
      %scan3A_1125 = arith.constant 16 : i32
      %mul3A_1126 = arith.constant 256 : i32
      %mul3A_1127 = arith.muli %add3A_1118, %mul3A_1126 : i32
      %dma_start3A_1128 = arith.constant 0 : i32
      %dma_start3A_1129 = tpu.memref_slice %arg7[%add3A_1118, %dma_start3A_1128] : memref<128x256xf32, #tpu.memory_space<vmem>> -> memref<1x128xf32, #tpu.memory_space<vmem>>
      %dma_start3A_1130 = tpu.memref_squeeze %dma_start3A_1129 : memref<1x128xf32, #tpu.memory_space<vmem>> -> memref<128xf32, #tpu.memory_space<vmem>>
      %dma_start3A_1131 = tpu.memref_slice %arg6[%mul3A_1127] : memref<32768xi32, #tpu.memory_space<vmem>> -> memref<128xi32, #tpu.memory_space<vmem>>
      %dma_start3A_1132 = arith.constant 0 : i32
      %dma_start3A_1133 = tpu.memref_slice %arg2[%dma_start3A_1132] : memref<67108864xf32, #tpu.memory_space<hbm>> -> memref<67108864xf32, #tpu.memory_space<hbm>>
      tpu.enqueue_indirect_dma source(%dma_start3A_1133 : memref<67108864xf32, #tpu.memory_space<hbm>>) target(%dma_start3A_1130 : memref<128xf32, #tpu.memory_space<vmem>>) offsets(%dma_start3A_1131 : memref<128xi32, #tpu.memory_space<vmem>>) semaphore(%arg8 : memref<!tpu.dma_semaphore, #tpu.memory_space<semaphore_mem>>)
      %mul3A_1134 = arith.constant 256 : i32
      %mul3A_1135 = arith.muli %add3A_1118, %mul3A_1134 : i32
      %add3A_1136 = arith.constant 128 : i32
      %add3A_1137 = arith.addi %mul3A_1135, %add3A_1136 : i32
      %dma_start3A_1138 = arith.constant 128 : i32
      %dma_start3A_1139 = tpu.memref_slice %arg7[%add3A_1118, %dma_start3A_1138] : memref<128x256xf32, #tpu.memory_space<vmem>> -> memref<1x128xf32, #tpu.memory_space<vmem>>
      %dma_start3A_1140 = tpu.memref_squeeze %dma_start3A_1139 : memref<1x128xf32, #tpu.memory_space<vmem>> -> memref<128xf32, #tpu.memory_space<vmem>>
      %dma_start3A_1141 = tpu.memref_slice %arg6[%add3A_1137] : memref<32768xi32, #tpu.memory_space<vmem>> -> memref<128xi32, #tpu.memory_space<vmem>>
      %dma_start3A_1142 = arith.constant 0 : i32
      %dma_start3A_1143 = tpu.memref_slice %arg2[%dma_start3A_1142] : memref<67108864xf32, #tpu.memory_space<hbm>> -> memref<67108864xf32, #tpu.memory_space<hbm>>
      tpu.enqueue_indirect_dma source(%dma_start3A_1143 : memref<67108864xf32, #tpu.memory_space<hbm>>) target(%dma_start3A_1140 : memref<128xf32, #tpu.memory_space<vmem>>) offsets(%dma_start3A_1141 : memref<128xi32, #tpu.memory_space<vmem>>) semaphore(%arg8 : memref<!tpu.dma_semaphore, #tpu.memory_space<semaphore_mem>>)
      %mul3A_1144 = arith.constant 16 : i32
      %mul3A_1145 = arith.muli %scan3A_1054, %mul3A_1144 : i32
      %add3A_1146 = arith.constant 3 : i32
      %add3A_1147 = arith.addi %mul3A_1145, %add3A_1146 : i32
      %slice3A_1148 = vector.extract_strided_slice %get3A_1058 {offsets = [3], sizes = [1], strides = [1]} : vector<16xi32> to vector<1xi32>
      %squeeze3A_1149 = vector.extract %slice3A_1148[0] : i32 from vector<1xi32>
      %scan3A_1150 = arith.constant 0 : i32
      %scan3A_1151 = arith.constant 16 : i32
      %scan3A_1152 = arith.addi %scan3A_1150, %scan3A_1151 : i32
      %scan3A_1153 = arith.constant 1 : i32
      scf.for %scan3A_1523 = %scan3A_1150 to %scan3A_1152 step %scan3A_1153  : i32 {
        %iota3A = tpu.iota {dimensions = array<i32: 0>} : vector<16xi32>
        %mul3A_1524 = arith.constant 16 : i32
        %mul3A_1525 = arith.muli %scan3A_1523, %mul3A_1524 : i32
        %add3A_1526 = vector.broadcast %mul3A_1525 : i32 to vector<16xi32>
        %add3A_1527 = arith.addi %iota3A, %add3A_1526 : vector<16xi32>
        %mul3A_1528 = arith.constant 16384 : i32
        %mul3A_1529 = vector.broadcast %mul3A_1528 : i32 to vector<16xi32>
        %mul3A_1530 = arith.muli %add3A_1527, %mul3A_1529 : vector<16xi32>
        %add3A_1531 = arith.addi %squeeze3A_1149, %mul3A_3 : i32
        %add3A_1532 = vector.broadcast %add3A_1531 : i32 to vector<16xi32>
        %add3A_1533 = arith.addi %mul3A_1530, %add3A_1532 : vector<16xi32>
        %mul3A_1534 = arith.constant 256 : i32
        %mul3A_1535 = arith.muli %add3A_1147, %mul3A_1534 : i32
        %mul3A_1536 = arith.constant 16 : i32
        %mul3A_1537 = arith.muli %scan3A_1523, %mul3A_1536 : i32
        %add3A_1538 = arith.addi %mul3A_1535, %mul3A_1537 : i32
        %swap3A = arith.index_cast %add3A_1538 : i32 to index
        %swap3A_1539 = tpu.vector_load %arg6[%swap3A] {strides = array<i32>} : memref<32768xi32, #tpu.memory_space<vmem>>, vector<16xi32>,
        %swap3A_1540 = vector.shape_cast %swap3A_1539 : vector<16xi32> to vector<16xi32>
        %swap3A_1541 = vector.shape_cast %add3A_1533 : vector<16xi32> to vector<16xi32>
        tpu.vector_store %arg6[%swap3A], %swap3A_1541 {strides = array<i32>} : memref<32768xi32, #tpu.memory_space<vmem>>, vector<16xi32>,
      }
      %scan3A_1154 = arith.constant 16 : i32
      %mul3A_1155 = arith.constant 256 : i32
      %mul3A_1156 = arith.muli %add3A_1147, %mul3A_1155 : i32
      %dma_start3A_1157 = arith.constant 0 : i32
      %dma_start3A_1158 = tpu.memref_slice %arg7[%add3A_1147, %dma_start3A_1157] : memref<128x256xf32, #tpu.memory_space<vmem>> -> memref<1x128xf32, #tpu.memory_space<vmem>>
      %dma_start3A_1159 = tpu.memref_squeeze %dma_start3A_1158 : memref<1x128xf32, #tpu.memory_space<vmem>> -> memref<128xf32, #tpu.memory_space<vmem>>
      %dma_start3A_1160 = tpu.memref_slice %arg6[%mul3A_1156] : memref<32768xi32, #tpu.memory_space<vmem>> -> memref<128xi32, #tpu.memory_space<vmem>>
      %dma_start3A_1161 = arith.constant 0 : i32
      %dma_start3A_1162 = tpu.memref_slice %arg2[%dma_start3A_1161] : memref<67108864xf32, #tpu.memory_space<hbm>> -> memref<67108864xf32, #tpu.memory_space<hbm>>
      tpu.enqueue_indirect_dma source(%dma_start3A_1162 : memref<67108864xf32, #tpu.memory_space<hbm>>) target(%dma_start3A_1159 : memref<128xf32, #tpu.memory_space<vmem>>) offsets(%dma_start3A_1160 : memref<128xi32, #tpu.memory_space<vmem>>) semaphore(%arg8 : memref<!tpu.dma_semaphore, #tpu.memory_space<semaphore_mem>>)
      %mul3A_1163 = arith.constant 256 : i32
      %mul3A_1164 = arith.muli %add3A_1147, %mul3A_1163 : i32
      %add3A_1165 = arith.constant 128 : i32
      %add3A_1166 = arith.addi %mul3A_1164, %add3A_1165 : i32
      %dma_start3A_1167 = arith.constant 128 : i32
      %dma_start3A_1168 = tpu.memref_slice %arg7[%add3A_1147, %dma_start3A_1167] : memref<128x256xf32, #tpu.memory_space<vmem>> -> memref<1x128xf32, #tpu.memory_space<vmem>>
      %dma_start3A_1169 = tpu.memref_squeeze %dma_start3A_1168 : memref<1x128xf32, #tpu.memory_space<vmem>> -> memref<128xf32, #tpu.memory_space<vmem>>
      %dma_start3A_1170 = tpu.memref_slice %arg6[%add3A_1166] : memref<32768xi32, #tpu.memory_space<vmem>> -> memref<128xi32, #tpu.memory_space<vmem>>
      %dma_start3A_1171 = arith.constant 0 : i32
      %dma_start3A_1172 = tpu.memref_slice %arg2[%dma_start3A_1171] : memref<67108864xf32, #tpu.memory_space<hbm>> -> memref<67108864xf32, #tpu.memory_space<hbm>>
      tpu.enqueue_indirect_dma source(%dma_start3A_1172 : memref<67108864xf32, #tpu.memory_space<hbm>>) target(%dma_start3A_1169 : memref<128xf32, #tpu.memory_space<vmem>>) offsets(%dma_start3A_1170 : memref<128xi32, #tpu.memory_space<vmem>>) semaphore(%arg8 : memref<!tpu.dma_semaphore, #tpu.memory_space<semaphore_mem>>)
      %mul3A_1173 = arith.constant 16 : i32
      %mul3A_1174 = arith.muli %scan3A_1054, %mul3A_1173 : i32
      %add3A_1175 = arith.constant 4 : i32
      %add3A_1176 = arith.addi %mul3A_1174, %add3A_1175 : i32
      %slice3A_1177 = vector.extract_strided_slice %get3A_1058 {offsets = [4], sizes = [1], strides = [1]} : vector<16xi32> to vector<1xi32>
      %squeeze3A_1178 = vector.extract %slice3A_1177[0] : i32 from vector<1xi32>
      %scan3A_1179 = arith.constant 0 : i32
      %scan3A_1180 = arith.constant 16 : i32
      %scan3A_1181 = arith.addi %scan3A_1179, %scan3A_1180 : i32
      %scan3A_1182 = arith.constant 1 : i32
      scf.for %scan3A_1523 = %scan3A_1179 to %scan3A_1181 step %scan3A_1182  : i32 {
        %iota3A = tpu.iota {dimensions = array<i32: 0>} : vector<16xi32>
        %mul3A_1524 = arith.constant 16 : i32
        %mul3A_1525 = arith.muli %scan3A_1523, %mul3A_1524 : i32
        %add3A_1526 = vector.broadcast %mul3A_1525 : i32 to vector<16xi32>
        %add3A_1527 = arith.addi %iota3A, %add3A_1526 : vector<16xi32>
        %mul3A_1528 = arith.constant 16384 : i32
        %mul3A_1529 = vector.broadcast %mul3A_1528 : i32 to vector<16xi32>
        %mul3A_1530 = arith.muli %add3A_1527, %mul3A_1529 : vector<16xi32>
        %add3A_1531 = arith.addi %squeeze3A_1178, %mul3A_3 : i32
        %add3A_1532 = vector.broadcast %add3A_1531 : i32 to vector<16xi32>
        %add3A_1533 = arith.addi %mul3A_1530, %add3A_1532 : vector<16xi32>
        %mul3A_1534 = arith.constant 256 : i32
        %mul3A_1535 = arith.muli %add3A_1176, %mul3A_1534 : i32
        %mul3A_1536 = arith.constant 16 : i32
        %mul3A_1537 = arith.muli %scan3A_1523, %mul3A_1536 : i32
        %add3A_1538 = arith.addi %mul3A_1535, %mul3A_1537 : i32
        %swap3A = arith.index_cast %add3A_1538 : i32 to index
        %swap3A_1539 = tpu.vector_load %arg6[%swap3A] {strides = array<i32>} : memref<32768xi32, #tpu.memory_space<vmem>>, vector<16xi32>,
        %swap3A_1540 = vector.shape_cast %swap3A_1539 : vector<16xi32> to vector<16xi32>
        %swap3A_1541 = vector.shape_cast %add3A_1533 : vector<16xi32> to vector<16xi32>
        tpu.vector_store %arg6[%swap3A], %swap3A_1541 {strides = array<i32>} : memref<32768xi32, #tpu.memory_space<vmem>>, vector<16xi32>,
      }
      %scan3A_1183 = arith.constant 16 : i32
      %mul3A_1184 = arith.constant 256 : i32
      %mul3A_1185 = arith.muli %add3A_1176, %mul3A_1184 : i32
      %dma_start3A_1186 = arith.constant 0 : i32
      %dma_start3A_1187 = tpu.memref_slice %arg7[%add3A_1176, %dma_start3A_1186] : memref<128x256xf32, #tpu.memory_space<vmem>> -> memref<1x128xf32, #tpu.memory_space<vmem>>
      %dma_start3A_1188 = tpu.memref_squeeze %dma_start3A_1187 : memref<1x128xf32, #tpu.memory_space<vmem>> -> memref<128xf32, #tpu.memory_space<vmem>>
      %dma_start3A_1189 = tpu.memref_slice %arg6[%mul3A_1185] : memref<32768xi32, #tpu.memory_space<vmem>> -> memref<128xi32, #tpu.memory_space<vmem>>
      %dma_start3A_1190 = arith.constant 0 : i32
      %dma_start3A_1191 = tpu.memref_slice %arg2[%dma_start3A_1190] : memref<67108864xf32, #tpu.memory_space<hbm>> -> memref<67108864xf32, #tpu.memory_space<hbm>>
      tpu.enqueue_indirect_dma source(%dma_start3A_1191 : memref<67108864xf32, #tpu.memory_space<hbm>>) target(%dma_start3A_1188 : memref<128xf32, #tpu.memory_space<vmem>>) offsets(%dma_start3A_1189 : memref<128xi32, #tpu.memory_space<vmem>>) semaphore(%arg8 : memref<!tpu.dma_semaphore, #tpu.memory_space<semaphore_mem>>)
      %mul3A_1192 = arith.constant 256 : i32
      %mul3A_1193 = arith.muli %add3A_1176, %mul3A_1192 : i32
      %add3A_1194 = arith.constant 128 : i32
      %add3A_1195 = arith.addi %mul3A_1193, %add3A_1194 : i32
      %dma_start3A_1196 = arith.constant 128 : i32
      %dma_start3A_1197 = tpu.memref_slice %arg7[%add3A_1176, %dma_start3A_1196] : memref<128x256xf32, #tpu.memory_space<vmem>> -> memref<1x128xf32, #tpu.memory_space<vmem>>
      %dma_start3A_1198 = tpu.memref_squeeze %dma_start3A_1197 : memref<1x128xf32, #tpu.memory_space<vmem>> -> memref<128xf32, #tpu.memory_space<vmem>>
      %dma_start3A_1199 = tpu.memref_slice %arg6[%add3A_1195] : memref<32768xi32, #tpu.memory_space<vmem>> -> memref<128xi32, #tpu.memory_space<vmem>>
      %dma_start3A_1200 = arith.constant 0 : i32
      %dma_start3A_1201 = tpu.memref_slice %arg2[%dma_start3A_1200] : memref<67108864xf32, #tpu.memory_space<hbm>> -> memref<67108864xf32, #tpu.memory_space<hbm>>
      tpu.enqueue_indirect_dma source(%dma_start3A_1201 : memref<67108864xf32, #tpu.memory_space<hbm>>) target(%dma_start3A_1198 : memref<128xf32, #tpu.memory_space<vmem>>) offsets(%dma_start3A_1199 : memref<128xi32, #tpu.memory_space<vmem>>) semaphore(%arg8 : memref<!tpu.dma_semaphore, #tpu.memory_space<semaphore_mem>>)
      %mul3A_1202 = arith.constant 16 : i32
      %mul3A_1203 = arith.muli %scan3A_1054, %mul3A_1202 : i32
      %add3A_1204 = arith.constant 5 : i32
      %add3A_1205 = arith.addi %mul3A_1203, %add3A_1204 : i32
      %slice3A_1206 = vector.extract_strided_slice %get3A_1058 {offsets = [5], sizes = [1], strides = [1]} : vector<16xi32> to vector<1xi32>
      %squeeze3A_1207 = vector.extract %slice3A_1206[0] : i32 from vector<1xi32>
      %scan3A_1208 = arith.constant 0 : i32
      %scan3A_1209 = arith.constant 16 : i32
      %scan3A_1210 = arith.addi %scan3A_1208, %scan3A_1209 : i32
      %scan3A_1211 = arith.constant 1 : i32
      scf.for %scan3A_1523 = %scan3A_1208 to %scan3A_1210 step %scan3A_1211  : i32 {
        %iota3A = tpu.iota {dimensions = array<i32: 0>} : vector<16xi32>
        %mul3A_1524 = arith.constant 16 : i32
        %mul3A_1525 = arith.muli %scan3A_1523, %mul3A_1524 : i32
        %add3A_1526 = vector.broadcast %mul3A_1525 : i32 to vector<16xi32>
        %add3A_1527 = arith.addi %iota3A, %add3A_1526 : vector<16xi32>
        %mul3A_1528 = arith.constant 16384 : i32
        %mul3A_1529 = vector.broadcast %mul3A_1528 : i32 to vector<16xi32>
        %mul3A_1530 = arith.muli %add3A_1527, %mul3A_1529 : vector<16xi32>
        %add3A_1531 = arith.addi %squeeze3A_1207, %mul3A_3 : i32
        %add3A_1532 = vector.broadcast %add3A_1531 : i32 to vector<16xi32>
        %add3A_1533 = arith.addi %mul3A_1530, %add3A_1532 : vector<16xi32>
        %mul3A_1534 = arith.constant 256 : i32
        %mul3A_1535 = arith.muli %add3A_1205, %mul3A_1534 : i32
        %mul3A_1536 = arith.constant 16 : i32
        %mul3A_1537 = arith.muli %scan3A_1523, %mul3A_1536 : i32
        %add3A_1538 = arith.addi %mul3A_1535, %mul3A_1537 : i32
        %swap3A = arith.index_cast %add3A_1538 : i32 to index
        %swap3A_1539 = tpu.vector_load %arg6[%swap3A] {strides = array<i32>} : memref<32768xi32, #tpu.memory_space<vmem>>, vector<16xi32>,
        %swap3A_1540 = vector.shape_cast %swap3A_1539 : vector<16xi32> to vector<16xi32>
        %swap3A_1541 = vector.shape_cast %add3A_1533 : vector<16xi32> to vector<16xi32>
        tpu.vector_store %arg6[%swap3A], %swap3A_1541 {strides = array<i32>} : memref<32768xi32, #tpu.memory_space<vmem>>, vector<16xi32>,
      }
      %scan3A_1212 = arith.constant 16 : i32
      %mul3A_1213 = arith.constant 256 : i32
      %mul3A_1214 = arith.muli %add3A_1205, %mul3A_1213 : i32
      %dma_start3A_1215 = arith.constant 0 : i32
      %dma_start3A_1216 = tpu.memref_slice %arg7[%add3A_1205, %dma_start3A_1215] : memref<128x256xf32, #tpu.memory_space<vmem>> -> memref<1x128xf32, #tpu.memory_space<vmem>>
      %dma_start3A_1217 = tpu.memref_squeeze %dma_start3A_1216 : memref<1x128xf32, #tpu.memory_space<vmem>> -> memref<128xf32, #tpu.memory_space<vmem>>
      %dma_start3A_1218 = tpu.memref_slice %arg6[%mul3A_1214] : memref<32768xi32, #tpu.memory_space<vmem>> -> memref<128xi32, #tpu.memory_space<vmem>>
      %dma_start3A_1219 = arith.constant 0 : i32
      %dma_start3A_1220 = tpu.memref_slice %arg2[%dma_start3A_1219] : memref<67108864xf32, #tpu.memory_space<hbm>> -> memref<67108864xf32, #tpu.memory_space<hbm>>
      tpu.enqueue_indirect_dma source(%dma_start3A_1220 : memref<67108864xf32, #tpu.memory_space<hbm>>) target(%dma_start3A_1217 : memref<128xf32, #tpu.memory_space<vmem>>) offsets(%dma_start3A_1218 : memref<128xi32, #tpu.memory_space<vmem>>) semaphore(%arg8 : memref<!tpu.dma_semaphore, #tpu.memory_space<semaphore_mem>>)
      %mul3A_1221 = arith.constant 256 : i32
      %mul3A_1222 = arith.muli %add3A_1205, %mul3A_1221 : i32
      %add3A_1223 = arith.constant 128 : i32
      %add3A_1224 = arith.addi %mul3A_1222, %add3A_1223 : i32
      %dma_start3A_1225 = arith.constant 128 : i32
      %dma_start3A_1226 = tpu.memref_slice %arg7[%add3A_1205, %dma_start3A_1225] : memref<128x256xf32, #tpu.memory_space<vmem>> -> memref<1x128xf32, #tpu.memory_space<vmem>>
      %dma_start3A_1227 = tpu.memref_squeeze %dma_start3A_1226 : memref<1x128xf32, #tpu.memory_space<vmem>> -> memref<128xf32, #tpu.memory_space<vmem>>
      %dma_start3A_1228 = tpu.memref_slice %arg6[%add3A_1224] : memref<32768xi32, #tpu.memory_space<vmem>> -> memref<128xi32, #tpu.memory_space<vmem>>
      %dma_start3A_1229 = arith.constant 0 : i32
      %dma_start3A_1230 = tpu.memref_slice %arg2[%dma_start3A_1229] : memref<67108864xf32, #tpu.memory_space<hbm>> -> memref<67108864xf32, #tpu.memory_space<hbm>>
      tpu.enqueue_indirect_dma source(%dma_start3A_1230 : memref<67108864xf32, #tpu.memory_space<hbm>>) target(%dma_start3A_1227 : memref<128xf32, #tpu.memory_space<vmem>>) offsets(%dma_start3A_1228 : memref<128xi32, #tpu.memory_space<vmem>>) semaphore(%arg8 : memref<!tpu.dma_semaphore, #tpu.memory_space<semaphore_mem>>)
      %mul3A_1231 = arith.constant 16 : i32
      %mul3A_1232 = arith.muli %scan3A_1054, %mul3A_1231 : i32
      %add3A_1233 = arith.constant 6 : i32
      %add3A_1234 = arith.addi %mul3A_1232, %add3A_1233 : i32
      %slice3A_1235 = vector.extract_strided_slice %get3A_1058 {offsets = [6], sizes = [1], strides = [1]} : vector<16xi32> to vector<1xi32>
      %squeeze3A_1236 = vector.extract %slice3A_1235[0] : i32 from vector<1xi32>
      %scan3A_1237 = arith.constant 0 : i32
      %scan3A_1238 = arith.constant 16 : i32
      %scan3A_1239 = arith.addi %scan3A_1237, %scan3A_1238 : i32
      %scan3A_1240 = arith.constant 1 : i32
      scf.for %scan3A_1523 = %scan3A_1237 to %scan3A_1239 step %scan3A_1240  : i32 {
        %iota3A = tpu.iota {dimensions = array<i32: 0>} : vector<16xi32>
        %mul3A_1524 = arith.constant 16 : i32
        %mul3A_1525 = arith.muli %scan3A_1523, %mul3A_1524 : i32
        %add3A_1526 = vector.broadcast %mul3A_1525 : i32 to vector<16xi32>
        %add3A_1527 = arith.addi %iota3A, %add3A_1526 : vector<16xi32>
        %mul3A_1528 = arith.constant 16384 : i32
        %mul3A_1529 = vector.broadcast %mul3A_1528 : i32 to vector<16xi32>
        %mul3A_1530 = arith.muli %add3A_1527, %mul3A_1529 : vector<16xi32>
        %add3A_1531 = arith.addi %squeeze3A_1236, %mul3A_3 : i32
        %add3A_1532 = vector.broadcast %add3A_1531 : i32 to vector<16xi32>
        %add3A_1533 = arith.addi %mul3A_1530, %add3A_1532 : vector<16xi32>
        %mul3A_1534 = arith.constant 256 : i32
        %mul3A_1535 = arith.muli %add3A_1234, %mul3A_1534 : i32
        %mul3A_1536 = arith.constant 16 : i32
        %mul3A_1537 = arith.muli %scan3A_1523, %mul3A_1536 : i32
        %add3A_1538 = arith.addi %mul3A_1535, %mul3A_1537 : i32
        %swap3A = arith.index_cast %add3A_1538 : i32 to index
        %swap3A_1539 = tpu.vector_load %arg6[%swap3A] {strides = array<i32>} : memref<32768xi32, #tpu.memory_space<vmem>>, vector<16xi32>,
        %swap3A_1540 = vector.shape_cast %swap3A_1539 : vector<16xi32> to vector<16xi32>
        %swap3A_1541 = vector.shape_cast %add3A_1533 : vector<16xi32> to vector<16xi32>
        tpu.vector_store %arg6[%swap3A], %swap3A_1541 {strides = array<i32>} : memref<32768xi32, #tpu.memory_space<vmem>>, vector<16xi32>,
      }
      %scan3A_1241 = arith.constant 16 : i32
      %mul3A_1242 = arith.constant 256 : i32
      %mul3A_1243 = arith.muli %add3A_1234, %mul3A_1242 : i32
      %dma_start3A_1244 = arith.constant 0 : i32
      %dma_start3A_1245 = tpu.memref_slice %arg7[%add3A_1234, %dma_start3A_1244] : memref<128x256xf32, #tpu.memory_space<vmem>> -> memref<1x128xf32, #tpu.memory_space<vmem>>
      %dma_start3A_1246 = tpu.memref_squeeze %dma_start3A_1245 : memref<1x128xf32, #tpu.memory_space<vmem>> -> memref<128xf32, #tpu.memory_space<vmem>>
      %dma_start3A_1247 = tpu.memref_slice %arg6[%mul3A_1243] : memref<32768xi32, #tpu.memory_space<vmem>> -> memref<128xi32, #tpu.memory_space<vmem>>
      %dma_start3A_1248 = arith.constant 0 : i32
      %dma_start3A_1249 = tpu.memref_slice %arg2[%dma_start3A_1248] : memref<67108864xf32, #tpu.memory_space<hbm>> -> memref<67108864xf32, #tpu.memory_space<hbm>>
      tpu.enqueue_indirect_dma source(%dma_start3A_1249 : memref<67108864xf32, #tpu.memory_space<hbm>>) target(%dma_start3A_1246 : memref<128xf32, #tpu.memory_space<vmem>>) offsets(%dma_start3A_1247 : memref<128xi32, #tpu.memory_space<vmem>>) semaphore(%arg8 : memref<!tpu.dma_semaphore, #tpu.memory_space<semaphore_mem>>)
      %mul3A_1250 = arith.constant 256 : i32
      %mul3A_1251 = arith.muli %add3A_1234, %mul3A_1250 : i32
      %add3A_1252 = arith.constant 128 : i32
      %add3A_1253 = arith.addi %mul3A_1251, %add3A_1252 : i32
      %dma_start3A_1254 = arith.constant 128 : i32
      %dma_start3A_1255 = tpu.memref_slice %arg7[%add3A_1234, %dma_start3A_1254] : memref<128x256xf32, #tpu.memory_space<vmem>> -> memref<1x128xf32, #tpu.memory_space<vmem>>
      %dma_start3A_1256 = tpu.memref_squeeze %dma_start3A_1255 : memref<1x128xf32, #tpu.memory_space<vmem>> -> memref<128xf32, #tpu.memory_space<vmem>>
      %dma_start3A_1257 = tpu.memref_slice %arg6[%add3A_1253] : memref<32768xi32, #tpu.memory_space<vmem>> -> memref<128xi32, #tpu.memory_space<vmem>>
      %dma_start3A_1258 = arith.constant 0 : i32
      %dma_start3A_1259 = tpu.memref_slice %arg2[%dma_start3A_1258] : memref<67108864xf32, #tpu.memory_space<hbm>> -> memref<67108864xf32, #tpu.memory_space<hbm>>
      tpu.enqueue_indirect_dma source(%dma_start3A_1259 : memref<67108864xf32, #tpu.memory_space<hbm>>) target(%dma_start3A_1256 : memref<128xf32, #tpu.memory_space<vmem>>) offsets(%dma_start3A_1257 : memref<128xi32, #tpu.memory_space<vmem>>) semaphore(%arg8 : memref<!tpu.dma_semaphore, #tpu.memory_space<semaphore_mem>>)
      %mul3A_1260 = arith.constant 16 : i32
      %mul3A_1261 = arith.muli %scan3A_1054, %mul3A_1260 : i32
      %add3A_1262 = arith.constant 7 : i32
      %add3A_1263 = arith.addi %mul3A_1261, %add3A_1262 : i32
      %slice3A_1264 = vector.extract_strided_slice %get3A_1058 {offsets = [7], sizes = [1], strides = [1]} : vector<16xi32> to vector<1xi32>
      %squeeze3A_1265 = vector.extract %slice3A_1264[0] : i32 from vector<1xi32>
      %scan3A_1266 = arith.constant 0 : i32
      %scan3A_1267 = arith.constant 16 : i32
      %scan3A_1268 = arith.addi %scan3A_1266, %scan3A_1267 : i32
      %scan3A_1269 = arith.constant 1 : i32
      scf.for %scan3A_1523 = %scan3A_1266 to %scan3A_1268 step %scan3A_1269  : i32 {
        %iota3A = tpu.iota {dimensions = array<i32: 0>} : vector<16xi32>
        %mul3A_1524 = arith.constant 16 : i32
        %mul3A_1525 = arith.muli %scan3A_1523, %mul3A_1524 : i32
        %add3A_1526 = vector.broadcast %mul3A_1525 : i32 to vector<16xi32>
        %add3A_1527 = arith.addi %iota3A, %add3A_1526 : vector<16xi32>
        %mul3A_1528 = arith.constant 16384 : i32
        %mul3A_1529 = vector.broadcast %mul3A_1528 : i32 to vector<16xi32>
        %mul3A_1530 = arith.muli %add3A_1527, %mul3A_1529 : vector<16xi32>
        %add3A_1531 = arith.addi %squeeze3A_1265, %mul3A_3 : i32
        %add3A_1532 = vector.broadcast %add3A_1531 : i32 to vector<16xi32>
        %add3A_1533 = arith.addi %mul3A_1530, %add3A_1532 : vector<16xi32>
        %mul3A_1534 = arith.constant 256 : i32
        %mul3A_1535 = arith.muli %add3A_1263, %mul3A_1534 : i32
        %mul3A_1536 = arith.constant 16 : i32
        %mul3A_1537 = arith.muli %scan3A_1523, %mul3A_1536 : i32
        %add3A_1538 = arith.addi %mul3A_1535, %mul3A_1537 : i32
        %swap3A = arith.index_cast %add3A_1538 : i32 to index
        %swap3A_1539 = tpu.vector_load %arg6[%swap3A] {strides = array<i32>} : memref<32768xi32, #tpu.memory_space<vmem>>, vector<16xi32>,
        %swap3A_1540 = vector.shape_cast %swap3A_1539 : vector<16xi32> to vector<16xi32>
        %swap3A_1541 = vector.shape_cast %add3A_1533 : vector<16xi32> to vector<16xi32>
        tpu.vector_store %arg6[%swap3A], %swap3A_1541 {strides = array<i32>} : memref<32768xi32, #tpu.memory_space<vmem>>, vector<16xi32>,
      }
      %scan3A_1270 = arith.constant 16 : i32
      %mul3A_1271 = arith.constant 256 : i32
      %mul3A_1272 = arith.muli %add3A_1263, %mul3A_1271 : i32
      %dma_start3A_1273 = arith.constant 0 : i32
      %dma_start3A_1274 = tpu.memref_slice %arg7[%add3A_1263, %dma_start3A_1273] : memref<128x256xf32, #tpu.memory_space<vmem>> -> memref<1x128xf32, #tpu.memory_space<vmem>>
      %dma_start3A_1275 = tpu.memref_squeeze %dma_start3A_1274 : memref<1x128xf32, #tpu.memory_space<vmem>> -> memref<128xf32, #tpu.memory_space<vmem>>
      %dma_start3A_1276 = tpu.memref_slice %arg6[%mul3A_1272] : memref<32768xi32, #tpu.memory_space<vmem>> -> memref<128xi32, #tpu.memory_space<vmem>>
      %dma_start3A_1277 = arith.constant 0 : i32
      %dma_start3A_1278 = tpu.memref_slice %arg2[%dma_start3A_1277] : memref<67108864xf32, #tpu.memory_space<hbm>> -> memref<67108864xf32, #tpu.memory_space<hbm>>
      tpu.enqueue_indirect_dma source(%dma_start3A_1278 : memref<67108864xf32, #tpu.memory_space<hbm>>) target(%dma_start3A_1275 : memref<128xf32, #tpu.memory_space<vmem>>) offsets(%dma_start3A_1276 : memref<128xi32, #tpu.memory_space<vmem>>) semaphore(%arg8 : memref<!tpu.dma_semaphore, #tpu.memory_space<semaphore_mem>>)
      %mul3A_1279 = arith.constant 256 : i32
      %mul3A_1280 = arith.muli %add3A_1263, %mul3A_1279 : i32
      %add3A_1281 = arith.constant 128 : i32
      %add3A_1282 = arith.addi %mul3A_1280, %add3A_1281 : i32
      %dma_start3A_1283 = arith.constant 128 : i32
      %dma_start3A_1284 = tpu.memref_slice %arg7[%add3A_1263, %dma_start3A_1283] : memref<128x256xf32, #tpu.memory_space<vmem>> -> memref<1x128xf32, #tpu.memory_space<vmem>>
      %dma_start3A_1285 = tpu.memref_squeeze %dma_start3A_1284 : memref<1x128xf32, #tpu.memory_space<vmem>> -> memref<128xf32, #tpu.memory_space<vmem>>
      %dma_start3A_1286 = tpu.memref_slice %arg6[%add3A_1282] : memref<32768xi32, #tpu.memory_space<vmem>> -> memref<128xi32, #tpu.memory_space<vmem>>
      %dma_start3A_1287 = arith.constant 0 : i32
      %dma_start3A_1288 = tpu.memref_slice %arg2[%dma_start3A_1287] : memref<67108864xf32, #tpu.memory_space<hbm>> -> memref<67108864xf32, #tpu.memory_space<hbm>>
      tpu.enqueue_indirect_dma source(%dma_start3A_1288 : memref<67108864xf32, #tpu.memory_space<hbm>>) target(%dma_start3A_1285 : memref<128xf32, #tpu.memory_space<vmem>>) offsets(%dma_start3A_1286 : memref<128xi32, #tpu.memory_space<vmem>>) semaphore(%arg8 : memref<!tpu.dma_semaphore, #tpu.memory_space<semaphore_mem>>)
      %mul3A_1289 = arith.constant 16 : i32
      %mul3A_1290 = arith.muli %scan3A_1054, %mul3A_1289 : i32
      %add3A_1291 = arith.constant 8 : i32
      %add3A_1292 = arith.addi %mul3A_1290, %add3A_1291 : i32
      %slice3A_1293 = vector.extract_strided_slice %get3A_1058 {offsets = [8], sizes = [1], strides = [1]} : vector<16xi32> to vector<1xi32>
      %squeeze3A_1294 = vector.extract %slice3A_1293[0] : i32 from vector<1xi32>
      %scan3A_1295 = arith.constant 0 : i32
      %scan3A_1296 = arith.constant 16 : i32
      %scan3A_1297 = arith.addi %scan3A_1295, %scan3A_1296 : i32
      %scan3A_1298 = arith.constant 1 : i32
      scf.for %scan3A_1523 = %scan3A_1295 to %scan3A_1297 step %scan3A_1298  : i32 {
        %iota3A = tpu.iota {dimensions = array<i32: 0>} : vector<16xi32>
        %mul3A_1524 = arith.constant 16 : i32
        %mul3A_1525 = arith.muli %scan3A_1523, %mul3A_1524 : i32
        %add3A_1526 = vector.broadcast %mul3A_1525 : i32 to vector<16xi32>
        %add3A_1527 = arith.addi %iota3A, %add3A_1526 : vector<16xi32>
        %mul3A_1528 = arith.constant 16384 : i32
        %mul3A_1529 = vector.broadcast %mul3A_1528 : i32 to vector<16xi32>
        %mul3A_1530 = arith.muli %add3A_1527, %mul3A_1529 : vector<16xi32>
        %add3A_1531 = arith.addi %squeeze3A_1294, %mul3A_3 : i32
        %add3A_1532 = vector.broadcast %add3A_1531 : i32 to vector<16xi32>
        %add3A_1533 = arith.addi %mul3A_1530, %add3A_1532 : vector<16xi32>
        %mul3A_1534 = arith.constant 256 : i32
        %mul3A_1535 = arith.muli %add3A_1292, %mul3A_1534 : i32
        %mul3A_1536 = arith.constant 16 : i32
        %mul3A_1537 = arith.muli %scan3A_1523, %mul3A_1536 : i32
        %add3A_1538 = arith.addi %mul3A_1535, %mul3A_1537 : i32
        %swap3A = arith.index_cast %add3A_1538 : i32 to index
        %swap3A_1539 = tpu.vector_load %arg6[%swap3A] {strides = array<i32>} : memref<32768xi32, #tpu.memory_space<vmem>>, vector<16xi32>,
        %swap3A_1540 = vector.shape_cast %swap3A_1539 : vector<16xi32> to vector<16xi32>
        %swap3A_1541 = vector.shape_cast %add3A_1533 : vector<16xi32> to vector<16xi32>
        tpu.vector_store %arg6[%swap3A], %swap3A_1541 {strides = array<i32>} : memref<32768xi32, #tpu.memory_space<vmem>>, vector<16xi32>,
      }
      %scan3A_1299 = arith.constant 16 : i32
      %mul3A_1300 = arith.constant 256 : i32
      %mul3A_1301 = arith.muli %add3A_1292, %mul3A_1300 : i32
      %dma_start3A_1302 = arith.constant 0 : i32
      %dma_start3A_1303 = tpu.memref_slice %arg7[%add3A_1292, %dma_start3A_1302] : memref<128x256xf32, #tpu.memory_space<vmem>> -> memref<1x128xf32, #tpu.memory_space<vmem>>
      %dma_start3A_1304 = tpu.memref_squeeze %dma_start3A_1303 : memref<1x128xf32, #tpu.memory_space<vmem>> -> memref<128xf32, #tpu.memory_space<vmem>>
      %dma_start3A_1305 = tpu.memref_slice %arg6[%mul3A_1301] : memref<32768xi32, #tpu.memory_space<vmem>> -> memref<128xi32, #tpu.memory_space<vmem>>
      %dma_start3A_1306 = arith.constant 0 : i32
      %dma_start3A_1307 = tpu.memref_slice %arg2[%dma_start3A_1306] : memref<67108864xf32, #tpu.memory_space<hbm>> -> memref<67108864xf32, #tpu.memory_space<hbm>>
      tpu.enqueue_indirect_dma source(%dma_start3A_1307 : memref<67108864xf32, #tpu.memory_space<hbm>>) target(%dma_start3A_1304 : memref<128xf32, #tpu.memory_space<vmem>>) offsets(%dma_start3A_1305 : memref<128xi32, #tpu.memory_space<vmem>>) semaphore(%arg8 : memref<!tpu.dma_semaphore, #tpu.memory_space<semaphore_mem>>)
      %mul3A_1308 = arith.constant 256 : i32
      %mul3A_1309 = arith.muli %add3A_1292, %mul3A_1308 : i32
      %add3A_1310 = arith.constant 128 : i32
      %add3A_1311 = arith.addi %mul3A_1309, %add3A_1310 : i32
      %dma_start3A_1312 = arith.constant 128 : i32
      %dma_start3A_1313 = tpu.memref_slice %arg7[%add3A_1292, %dma_start3A_1312] : memref<128x256xf32, #tpu.memory_space<vmem>> -> memref<1x128xf32, #tpu.memory_space<vmem>>
      %dma_start3A_1314 = tpu.memref_squeeze %dma_start3A_1313 : memref<1x128xf32, #tpu.memory_space<vmem>> -> memref<128xf32, #tpu.memory_space<vmem>>
      %dma_start3A_1315 = tpu.memref_slice %arg6[%add3A_1311] : memref<32768xi32, #tpu.memory_space<vmem>> -> memref<128xi32, #tpu.memory_space<vmem>>
      %dma_start3A_1316 = arith.constant 0 : i32
      %dma_start3A_1317 = tpu.memref_slice %arg2[%dma_start3A_1316] : memref<67108864xf32, #tpu.memory_space<hbm>> -> memref<67108864xf32, #tpu.memory_space<hbm>>
      tpu.enqueue_indirect_dma source(%dma_start3A_1317 : memref<67108864xf32, #tpu.memory_space<hbm>>) target(%dma_start3A_1314 : memref<128xf32, #tpu.memory_space<vmem>>) offsets(%dma_start3A_1315 : memref<128xi32, #tpu.memory_space<vmem>>) semaphore(%arg8 : memref<!tpu.dma_semaphore, #tpu.memory_space<semaphore_mem>>)
      %mul3A_1318 = arith.constant 16 : i32
      %mul3A_1319 = arith.muli %scan3A_1054, %mul3A_1318 : i32
      %add3A_1320 = arith.constant 9 : i32
      %add3A_1321 = arith.addi %mul3A_1319, %add3A_1320 : i32
      %slice3A_1322 = vector.extract_strided_slice %get3A_1058 {offsets = [9], sizes = [1], strides = [1]} : vector<16xi32> to vector<1xi32>
      %squeeze3A_1323 = vector.extract %slice3A_1322[0] : i32 from vector<1xi32>
      %scan3A_1324 = arith.constant 0 : i32
      %scan3A_1325 = arith.constant 16 : i32
      %scan3A_1326 = arith.addi %scan3A_1324, %scan3A_1325 : i32
      %scan3A_1327 = arith.constant 1 : i32
      scf.for %scan3A_1523 = %scan3A_1324 to %scan3A_1326 step %scan3A_1327  : i32 {
        %iota3A = tpu.iota {dimensions = array<i32: 0>} : vector<16xi32>
        %mul3A_1524 = arith.constant 16 : i32
        %mul3A_1525 = arith.muli %scan3A_1523, %mul3A_1524 : i32
        %add3A_1526 = vector.broadcast %mul3A_1525 : i32 to vector<16xi32>
        %add3A_1527 = arith.addi %iota3A, %add3A_1526 : vector<16xi32>
        %mul3A_1528 = arith.constant 16384 : i32
        %mul3A_1529 = vector.broadcast %mul3A_1528 : i32 to vector<16xi32>
        %mul3A_1530 = arith.muli %add3A_1527, %mul3A_1529 : vector<16xi32>
        %add3A_1531 = arith.addi %squeeze3A_1323, %mul3A_3 : i32
        %add3A_1532 = vector.broadcast %add3A_1531 : i32 to vector<16xi32>
        %add3A_1533 = arith.addi %mul3A_1530, %add3A_1532 : vector<16xi32>
        %mul3A_1534 = arith.constant 256 : i32
        %mul3A_1535 = arith.muli %add3A_1321, %mul3A_1534 : i32
        %mul3A_1536 = arith.constant 16 : i32
        %mul3A_1537 = arith.muli %scan3A_1523, %mul3A_1536 : i32
        %add3A_1538 = arith.addi %mul3A_1535, %mul3A_1537 : i32
        %swap3A = arith.index_cast %add3A_1538 : i32 to index
        %swap3A_1539 = tpu.vector_load %arg6[%swap3A] {strides = array<i32>} : memref<32768xi32, #tpu.memory_space<vmem>>, vector<16xi32>,
        %swap3A_1540 = vector.shape_cast %swap3A_1539 : vector<16xi32> to vector<16xi32>
        %swap3A_1541 = vector.shape_cast %add3A_1533 : vector<16xi32> to vector<16xi32>
        tpu.vector_store %arg6[%swap3A], %swap3A_1541 {strides = array<i32>} : memref<32768xi32, #tpu.memory_space<vmem>>, vector<16xi32>,
      }
      %scan3A_1328 = arith.constant 16 : i32
      %mul3A_1329 = arith.constant 256 : i32
      %mul3A_1330 = arith.muli %add3A_1321, %mul3A_1329 : i32
      %dma_start3A_1331 = arith.constant 0 : i32
      %dma_start3A_1332 = tpu.memref_slice %arg7[%add3A_1321, %dma_start3A_1331] : memref<128x256xf32, #tpu.memory_space<vmem>> -> memref<1x128xf32, #tpu.memory_space<vmem>>
      %dma_start3A_1333 = tpu.memref_squeeze %dma_start3A_1332 : memref<1x128xf32, #tpu.memory_space<vmem>> -> memref<128xf32, #tpu.memory_space<vmem>>
      %dma_start3A_1334 = tpu.memref_slice %arg6[%mul3A_1330] : memref<32768xi32, #tpu.memory_space<vmem>> -> memref<128xi32, #tpu.memory_space<vmem>>
      %dma_start3A_1335 = arith.constant 0 : i32
      %dma_start3A_1336 = tpu.memref_slice %arg2[%dma_start3A_1335] : memref<67108864xf32, #tpu.memory_space<hbm>> -> memref<67108864xf32, #tpu.memory_space<hbm>>
      tpu.enqueue_indirect_dma source(%dma_start3A_1336 : memref<67108864xf32, #tpu.memory_space<hbm>>) target(%dma_start3A_1333 : memref<128xf32, #tpu.memory_space<vmem>>) offsets(%dma_start3A_1334 : memref<128xi32, #tpu.memory_space<vmem>>) semaphore(%arg8 : memref<!tpu.dma_semaphore, #tpu.memory_space<semaphore_mem>>)
      %mul3A_1337 = arith.constant 256 : i32
      %mul3A_1338 = arith.muli %add3A_1321, %mul3A_1337 : i32
      %add3A_1339 = arith.constant 128 : i32
      %add3A_1340 = arith.addi %mul3A_1338, %add3A_1339 : i32
      %dma_start3A_1341 = arith.constant 128 : i32
      %dma_start3A_1342 = tpu.memref_slice %arg7[%add3A_1321, %dma_start3A_1341] : memref<128x256xf32, #tpu.memory_space<vmem>> -> memref<1x128xf32, #tpu.memory_space<vmem>>
      %dma_start3A_1343 = tpu.memref_squeeze %dma_start3A_1342 : memref<1x128xf32, #tpu.memory_space<vmem>> -> memref<128xf32, #tpu.memory_space<vmem>>
      %dma_start3A_1344 = tpu.memref_slice %arg6[%add3A_1340] : memref<32768xi32, #tpu.memory_space<vmem>> -> memref<128xi32, #tpu.memory_space<vmem>>
      %dma_start3A_1345 = arith.constant 0 : i32
      %dma_start3A_1346 = tpu.memref_slice %arg2[%dma_start3A_1345] : memref<67108864xf32, #tpu.memory_space<hbm>> -> memref<67108864xf32, #tpu.memory_space<hbm>>
      tpu.enqueue_indirect_dma source(%dma_start3A_1346 : memref<67108864xf32, #tpu.memory_space<hbm>>) target(%dma_start3A_1343 : memref<128xf32, #tpu.memory_space<vmem>>) offsets(%dma_start3A_1344 : memref<128xi32, #tpu.memory_space<vmem>>) semaphore(%arg8 : memref<!tpu.dma_semaphore, #tpu.memory_space<semaphore_mem>>)
      %mul3A_1347 = arith.constant 16 : i32
      %mul3A_1348 = arith.muli %scan3A_1054, %mul3A_1347 : i32
      %add3A_1349 = arith.constant 10 : i32
      %add3A_1350 = arith.addi %mul3A_1348, %add3A_1349 : i32
      %slice3A_1351 = vector.extract_strided_slice %get3A_1058 {offsets = [10], sizes = [1], strides = [1]} : vector<16xi32> to vector<1xi32>
      %squeeze3A_1352 = vector.extract %slice3A_1351[0] : i32 from vector<1xi32>
      %scan3A_1353 = arith.constant 0 : i32
      %scan3A_1354 = arith.constant 16 : i32
      %scan3A_1355 = arith.addi %scan3A_1353, %scan3A_1354 : i32
      %scan3A_1356 = arith.constant 1 : i32
      scf.for %scan3A_1523 = %scan3A_1353 to %scan3A_1355 step %scan3A_1356  : i32 {
        %iota3A = tpu.iota {dimensions = array<i32: 0>} : vector<16xi32>
        %mul3A_1524 = arith.constant 16 : i32
        %mul3A_1525 = arith.muli %scan3A_1523, %mul3A_1524 : i32
        %add3A_1526 = vector.broadcast %mul3A_1525 : i32 to vector<16xi32>
        %add3A_1527 = arith.addi %iota3A, %add3A_1526 : vector<16xi32>
        %mul3A_1528 = arith.constant 16384 : i32
        %mul3A_1529 = vector.broadcast %mul3A_1528 : i32 to vector<16xi32>
        %mul3A_1530 = arith.muli %add3A_1527, %mul3A_1529 : vector<16xi32>
        %add3A_1531 = arith.addi %squeeze3A_1352, %mul3A_3 : i32
        %add3A_1532 = vector.broadcast %add3A_1531 : i32 to vector<16xi32>
        %add3A_1533 = arith.addi %mul3A_1530, %add3A_1532 : vector<16xi32>
        %mul3A_1534 = arith.constant 256 : i32
        %mul3A_1535 = arith.muli %add3A_1350, %mul3A_1534 : i32
        %mul3A_1536 = arith.constant 16 : i32
        %mul3A_1537 = arith.muli %scan3A_1523, %mul3A_1536 : i32
        %add3A_1538 = arith.addi %mul3A_1535, %mul3A_1537 : i32
        %swap3A = arith.index_cast %add3A_1538 : i32 to index
        %swap3A_1539 = tpu.vector_load %arg6[%swap3A] {strides = array<i32>} : memref<32768xi32, #tpu.memory_space<vmem>>, vector<16xi32>,
        %swap3A_1540 = vector.shape_cast %swap3A_1539 : vector<16xi32> to vector<16xi32>
        %swap3A_1541 = vector.shape_cast %add3A_1533 : vector<16xi32> to vector<16xi32>
        tpu.vector_store %arg6[%swap3A], %swap3A_1541 {strides = array<i32>} : memref<32768xi32, #tpu.memory_space<vmem>>, vector<16xi32>,
      }
      %scan3A_1357 = arith.constant 16 : i32
      %mul3A_1358 = arith.constant 256 : i32
      %mul3A_1359 = arith.muli %add3A_1350, %mul3A_1358 : i32
      %dma_start3A_1360 = arith.constant 0 : i32
      %dma_start3A_1361 = tpu.memref_slice %arg7[%add3A_1350, %dma_start3A_1360] : memref<128x256xf32, #tpu.memory_space<vmem>> -> memref<1x128xf32, #tpu.memory_space<vmem>>
      %dma_start3A_1362 = tpu.memref_squeeze %dma_start3A_1361 : memref<1x128xf32, #tpu.memory_space<vmem>> -> memref<128xf32, #tpu.memory_space<vmem>>
      %dma_start3A_1363 = tpu.memref_slice %arg6[%mul3A_1359] : memref<32768xi32, #tpu.memory_space<vmem>> -> memref<128xi32, #tpu.memory_space<vmem>>
      %dma_start3A_1364 = arith.constant 0 : i32
      %dma_start3A_1365 = tpu.memref_slice %arg2[%dma_start3A_1364] : memref<67108864xf32, #tpu.memory_space<hbm>> -> memref<67108864xf32, #tpu.memory_space<hbm>>
      tpu.enqueue_indirect_dma source(%dma_start3A_1365 : memref<67108864xf32, #tpu.memory_space<hbm>>) target(%dma_start3A_1362 : memref<128xf32, #tpu.memory_space<vmem>>) offsets(%dma_start3A_1363 : memref<128xi32, #tpu.memory_space<vmem>>) semaphore(%arg8 : memref<!tpu.dma_semaphore, #tpu.memory_space<semaphore_mem>>)
      %mul3A_1366 = arith.constant 256 : i32
      %mul3A_1367 = arith.muli %add3A_1350, %mul3A_1366 : i32
      %add3A_1368 = arith.constant 128 : i32
      %add3A_1369 = arith.addi %mul3A_1367, %add3A_1368 : i32
      %dma_start3A_1370 = arith.constant 128 : i32
      %dma_start3A_1371 = tpu.memref_slice %arg7[%add3A_1350, %dma_start3A_1370] : memref<128x256xf32, #tpu.memory_space<vmem>> -> memref<1x128xf32, #tpu.memory_space<vmem>>
      %dma_start3A_1372 = tpu.memref_squeeze %dma_start3A_1371 : memref<1x128xf32, #tpu.memory_space<vmem>> -> memref<128xf32, #tpu.memory_space<vmem>>
      %dma_start3A_1373 = tpu.memref_slice %arg6[%add3A_1369] : memref<32768xi32, #tpu.memory_space<vmem>> -> memref<128xi32, #tpu.memory_space<vmem>>
      %dma_start3A_1374 = arith.constant 0 : i32
      %dma_start3A_1375 = tpu.memref_slice %arg2[%dma_start3A_1374] : memref<67108864xf32, #tpu.memory_space<hbm>> -> memref<67108864xf32, #tpu.memory_space<hbm>>
      tpu.enqueue_indirect_dma source(%dma_start3A_1375 : memref<67108864xf32, #tpu.memory_space<hbm>>) target(%dma_start3A_1372 : memref<128xf32, #tpu.memory_space<vmem>>) offsets(%dma_start3A_1373 : memref<128xi32, #tpu.memory_space<vmem>>) semaphore(%arg8 : memref<!tpu.dma_semaphore, #tpu.memory_space<semaphore_mem>>)
      %mul3A_1376 = arith.constant 16 : i32
      %mul3A_1377 = arith.muli %scan3A_1054, %mul3A_1376 : i32
      %add3A_1378 = arith.constant 11 : i32
      %add3A_1379 = arith.addi %mul3A_1377, %add3A_1378 : i32
      %slice3A_1380 = vector.extract_strided_slice %get3A_1058 {offsets = [11], sizes = [1], strides = [1]} : vector<16xi32> to vector<1xi32>
      %squeeze3A_1381 = vector.extract %slice3A_1380[0] : i32 from vector<1xi32>
      %scan3A_1382 = arith.constant 0 : i32
      %scan3A_1383 = arith.constant 16 : i32
      %scan3A_1384 = arith.addi %scan3A_1382, %scan3A_1383 : i32
      %scan3A_1385 = arith.constant 1 : i32
      scf.for %scan3A_1523 = %scan3A_1382 to %scan3A_1384 step %scan3A_1385  : i32 {
        %iota3A = tpu.iota {dimensions = array<i32: 0>} : vector<16xi32>
        %mul3A_1524 = arith.constant 16 : i32
        %mul3A_1525 = arith.muli %scan3A_1523, %mul3A_1524 : i32
        %add3A_1526 = vector.broadcast %mul3A_1525 : i32 to vector<16xi32>
        %add3A_1527 = arith.addi %iota3A, %add3A_1526 : vector<16xi32>
        %mul3A_1528 = arith.constant 16384 : i32
        %mul3A_1529 = vector.broadcast %mul3A_1528 : i32 to vector<16xi32>
        %mul3A_1530 = arith.muli %add3A_1527, %mul3A_1529 : vector<16xi32>
        %add3A_1531 = arith.addi %squeeze3A_1381, %mul3A_3 : i32
        %add3A_1532 = vector.broadcast %add3A_1531 : i32 to vector<16xi32>
        %add3A_1533 = arith.addi %mul3A_1530, %add3A_1532 : vector<16xi32>
        %mul3A_1534 = arith.constant 256 : i32
        %mul3A_1535 = arith.muli %add3A_1379, %mul3A_1534 : i32
        %mul3A_1536 = arith.constant 16 : i32
        %mul3A_1537 = arith.muli %scan3A_1523, %mul3A_1536 : i32
        %add3A_1538 = arith.addi %mul3A_1535, %mul3A_1537 : i32
        %swap3A = arith.index_cast %add3A_1538 : i32 to index
        %swap3A_1539 = tpu.vector_load %arg6[%swap3A] {strides = array<i32>} : memref<32768xi32, #tpu.memory_space<vmem>>, vector<16xi32>,
        %swap3A_1540 = vector.shape_cast %swap3A_1539 : vector<16xi32> to vector<16xi32>
        %swap3A_1541 = vector.shape_cast %add3A_1533 : vector<16xi32> to vector<16xi32>
        tpu.vector_store %arg6[%swap3A], %swap3A_1541 {strides = array<i32>} : memref<32768xi32, #tpu.memory_space<vmem>>, vector<16xi32>,
      }
      %scan3A_1386 = arith.constant 16 : i32
      %mul3A_1387 = arith.constant 256 : i32
      %mul3A_1388 = arith.muli %add3A_1379, %mul3A_1387 : i32
      %dma_start3A_1389 = arith.constant 0 : i32
      %dma_start3A_1390 = tpu.memref_slice %arg7[%add3A_1379, %dma_start3A_1389] : memref<128x256xf32, #tpu.memory_space<vmem>> -> memref<1x128xf32, #tpu.memory_space<vmem>>
      %dma_start3A_1391 = tpu.memref_squeeze %dma_start3A_1390 : memref<1x128xf32, #tpu.memory_space<vmem>> -> memref<128xf32, #tpu.memory_space<vmem>>
      %dma_start3A_1392 = tpu.memref_slice %arg6[%mul3A_1388] : memref<32768xi32, #tpu.memory_space<vmem>> -> memref<128xi32, #tpu.memory_space<vmem>>
      %dma_start3A_1393 = arith.constant 0 : i32
      %dma_start3A_1394 = tpu.memref_slice %arg2[%dma_start3A_1393] : memref<67108864xf32, #tpu.memory_space<hbm>> -> memref<67108864xf32, #tpu.memory_space<hbm>>
      tpu.enqueue_indirect_dma source(%dma_start3A_1394 : memref<67108864xf32, #tpu.memory_space<hbm>>) target(%dma_start3A_1391 : memref<128xf32, #tpu.memory_space<vmem>>) offsets(%dma_start3A_1392 : memref<128xi32, #tpu.memory_space<vmem>>) semaphore(%arg8 : memref<!tpu.dma_semaphore, #tpu.memory_space<semaphore_mem>>)
      %mul3A_1395 = arith.constant 256 : i32
      %mul3A_1396 = arith.muli %add3A_1379, %mul3A_1395 : i32
      %add3A_1397 = arith.constant 128 : i32
      %add3A_1398 = arith.addi %mul3A_1396, %add3A_1397 : i32
      %dma_start3A_1399 = arith.constant 128 : i32
      %dma_start3A_1400 = tpu.memref_slice %arg7[%add3A_1379, %dma_start3A_1399] : memref<128x256xf32, #tpu.memory_space<vmem>> -> memref<1x128xf32, #tpu.memory_space<vmem>>
      %dma_start3A_1401 = tpu.memref_squeeze %dma_start3A_1400 : memref<1x128xf32, #tpu.memory_space<vmem>> -> memref<128xf32, #tpu.memory_space<vmem>>
      %dma_start3A_1402 = tpu.memref_slice %arg6[%add3A_1398] : memref<32768xi32, #tpu.memory_space<vmem>> -> memref<128xi32, #tpu.memory_space<vmem>>
      %dma_start3A_1403 = arith.constant 0 : i32
      %dma_start3A_1404 = tpu.memref_slice %arg2[%dma_start3A_1403] : memref<67108864xf32, #tpu.memory_space<hbm>> -> memref<67108864xf32, #tpu.memory_space<hbm>>
      tpu.enqueue_indirect_dma source(%dma_start3A_1404 : memref<67108864xf32, #tpu.memory_space<hbm>>) target(%dma_start3A_1401 : memref<128xf32, #tpu.memory_space<vmem>>) offsets(%dma_start3A_1402 : memref<128xi32, #tpu.memory_space<vmem>>) semaphore(%arg8 : memref<!tpu.dma_semaphore, #tpu.memory_space<semaphore_mem>>)
      %mul3A_1405 = arith.constant 16 : i32
      %mul3A_1406 = arith.muli %scan3A_1054, %mul3A_1405 : i32
      %add3A_1407 = arith.constant 12 : i32
      %add3A_1408 = arith.addi %mul3A_1406, %add3A_1407 : i32
      %slice3A_1409 = vector.extract_strided_slice %get3A_1058 {offsets = [12], sizes = [1], strides = [1]} : vector<16xi32> to vector<1xi32>
      %squeeze3A_1410 = vector.extract %slice3A_1409[0] : i32 from vector<1xi32>
      %scan3A_1411 = arith.constant 0 : i32
      %scan3A_1412 = arith.constant 16 : i32
      %scan3A_1413 = arith.addi %scan3A_1411, %scan3A_1412 : i32
      %scan3A_1414 = arith.constant 1 : i32
      scf.for %scan3A_1523 = %scan3A_1411 to %scan3A_1413 step %scan3A_1414  : i32 {
        %iota3A = tpu.iota {dimensions = array<i32: 0>} : vector<16xi32>
        %mul3A_1524 = arith.constant 16 : i32
        %mul3A_1525 = arith.muli %scan3A_1523, %mul3A_1524 : i32
        %add3A_1526 = vector.broadcast %mul3A_1525 : i32 to vector<16xi32>
        %add3A_1527 = arith.addi %iota3A, %add3A_1526 : vector<16xi32>
        %mul3A_1528 = arith.constant 16384 : i32
        %mul3A_1529 = vector.broadcast %mul3A_1528 : i32 to vector<16xi32>
        %mul3A_1530 = arith.muli %add3A_1527, %mul3A_1529 : vector<16xi32>
        %add3A_1531 = arith.addi %squeeze3A_1410, %mul3A_3 : i32
        %add3A_1532 = vector.broadcast %add3A_1531 : i32 to vector<16xi32>
        %add3A_1533 = arith.addi %mul3A_1530, %add3A_1532 : vector<16xi32>
        %mul3A_1534 = arith.constant 256 : i32
        %mul3A_1535 = arith.muli %add3A_1408, %mul3A_1534 : i32
        %mul3A_1536 = arith.constant 16 : i32
        %mul3A_1537 = arith.muli %scan3A_1523, %mul3A_1536 : i32
        %add3A_1538 = arith.addi %mul3A_1535, %mul3A_1537 : i32
        %swap3A = arith.index_cast %add3A_1538 : i32 to index
        %swap3A_1539 = tpu.vector_load %arg6[%swap3A] {strides = array<i32>} : memref<32768xi32, #tpu.memory_space<vmem>>, vector<16xi32>,
        %swap3A_1540 = vector.shape_cast %swap3A_1539 : vector<16xi32> to vector<16xi32>
        %swap3A_1541 = vector.shape_cast %add3A_1533 : vector<16xi32> to vector<16xi32>
        tpu.vector_store %arg6[%swap3A], %swap3A_1541 {strides = array<i32>} : memref<32768xi32, #tpu.memory_space<vmem>>, vector<16xi32>,
      }
      %scan3A_1415 = arith.constant 16 : i32
      %mul3A_1416 = arith.constant 256 : i32
      %mul3A_1417 = arith.muli %add3A_1408, %mul3A_1416 : i32
      %dma_start3A_1418 = arith.constant 0 : i32
      %dma_start3A_1419 = tpu.memref_slice %arg7[%add3A_1408, %dma_start3A_1418] : memref<128x256xf32, #tpu.memory_space<vmem>> -> memref<1x128xf32, #tpu.memory_space<vmem>>
      %dma_start3A_1420 = tpu.memref_squeeze %dma_start3A_1419 : memref<1x128xf32, #tpu.memory_space<vmem>> -> memref<128xf32, #tpu.memory_space<vmem>>
      %dma_start3A_1421 = tpu.memref_slice %arg6[%mul3A_1417] : memref<32768xi32, #tpu.memory_space<vmem>> -> memref<128xi32, #tpu.memory_space<vmem>>
      %dma_start3A_1422 = arith.constant 0 : i32
      %dma_start3A_1423 = tpu.memref_slice %arg2[%dma_start3A_1422] : memref<67108864xf32, #tpu.memory_space<hbm>> -> memref<67108864xf32, #tpu.memory_space<hbm>>
      tpu.enqueue_indirect_dma source(%dma_start3A_1423 : memref<67108864xf32, #tpu.memory_space<hbm>>) target(%dma_start3A_1420 : memref<128xf32, #tpu.memory_space<vmem>>) offsets(%dma_start3A_1421 : memref<128xi32, #tpu.memory_space<vmem>>) semaphore(%arg8 : memref<!tpu.dma_semaphore, #tpu.memory_space<semaphore_mem>>)
      %mul3A_1424 = arith.constant 256 : i32
      %mul3A_1425 = arith.muli %add3A_1408, %mul3A_1424 : i32
      %add3A_1426 = arith.constant 128 : i32
      %add3A_1427 = arith.addi %mul3A_1425, %add3A_1426 : i32
      %dma_start3A_1428 = arith.constant 128 : i32
      %dma_start3A_1429 = tpu.memref_slice %arg7[%add3A_1408, %dma_start3A_1428] : memref<128x256xf32, #tpu.memory_space<vmem>> -> memref<1x128xf32, #tpu.memory_space<vmem>>
      %dma_start3A_1430 = tpu.memref_squeeze %dma_start3A_1429 : memref<1x128xf32, #tpu.memory_space<vmem>> -> memref<128xf32, #tpu.memory_space<vmem>>
      %dma_start3A_1431 = tpu.memref_slice %arg6[%add3A_1427] : memref<32768xi32, #tpu.memory_space<vmem>> -> memref<128xi32, #tpu.memory_space<vmem>>
      %dma_start3A_1432 = arith.constant 0 : i32
      %dma_start3A_1433 = tpu.memref_slice %arg2[%dma_start3A_1432] : memref<67108864xf32, #tpu.memory_space<hbm>> -> memref<67108864xf32, #tpu.memory_space<hbm>>
      tpu.enqueue_indirect_dma source(%dma_start3A_1433 : memref<67108864xf32, #tpu.memory_space<hbm>>) target(%dma_start3A_1430 : memref<128xf32, #tpu.memory_space<vmem>>) offsets(%dma_start3A_1431 : memref<128xi32, #tpu.memory_space<vmem>>) semaphore(%arg8 : memref<!tpu.dma_semaphore, #tpu.memory_space<semaphore_mem>>)
      %mul3A_1434 = arith.constant 16 : i32
      %mul3A_1435 = arith.muli %scan3A_1054, %mul3A_1434 : i32
      %add3A_1436 = arith.constant 13 : i32
      %add3A_1437 = arith.addi %mul3A_1435, %add3A_1436 : i32
      %slice3A_1438 = vector.extract_strided_slice %get3A_1058 {offsets = [13], sizes = [1], strides = [1]} : vector<16xi32> to vector<1xi32>
      %squeeze3A_1439 = vector.extract %slice3A_1438[0] : i32 from vector<1xi32>
      %scan3A_1440 = arith.constant 0 : i32
      %scan3A_1441 = arith.constant 16 : i32
      %scan3A_1442 = arith.addi %scan3A_1440, %scan3A_1441 : i32
      %scan3A_1443 = arith.constant 1 : i32
      scf.for %scan3A_1523 = %scan3A_1440 to %scan3A_1442 step %scan3A_1443  : i32 {
        %iota3A = tpu.iota {dimensions = array<i32: 0>} : vector<16xi32>
        %mul3A_1524 = arith.constant 16 : i32
        %mul3A_1525 = arith.muli %scan3A_1523, %mul3A_1524 : i32
        %add3A_1526 = vector.broadcast %mul3A_1525 : i32 to vector<16xi32>
        %add3A_1527 = arith.addi %iota3A, %add3A_1526 : vector<16xi32>
        %mul3A_1528 = arith.constant 16384 : i32
        %mul3A_1529 = vector.broadcast %mul3A_1528 : i32 to vector<16xi32>
        %mul3A_1530 = arith.muli %add3A_1527, %mul3A_1529 : vector<16xi32>
        %add3A_1531 = arith.addi %squeeze3A_1439, %mul3A_3 : i32
        %add3A_1532 = vector.broadcast %add3A_1531 : i32 to vector<16xi32>
        %add3A_1533 = arith.addi %mul3A_1530, %add3A_1532 : vector<16xi32>
        %mul3A_1534 = arith.constant 256 : i32
        %mul3A_1535 = arith.muli %add3A_1437, %mul3A_1534 : i32
        %mul3A_1536 = arith.constant 16 : i32
        %mul3A_1537 = arith.muli %scan3A_1523, %mul3A_1536 : i32
        %add3A_1538 = arith.addi %mul3A_1535, %mul3A_1537 : i32
        %swap3A = arith.index_cast %add3A_1538 : i32 to index
        %swap3A_1539 = tpu.vector_load %arg6[%swap3A] {strides = array<i32>} : memref<32768xi32, #tpu.memory_space<vmem>>, vector<16xi32>,
        %swap3A_1540 = vector.shape_cast %swap3A_1539 : vector<16xi32> to vector<16xi32>
        %swap3A_1541 = vector.shape_cast %add3A_1533 : vector<16xi32> to vector<16xi32>
        tpu.vector_store %arg6[%swap3A], %swap3A_1541 {strides = array<i32>} : memref<32768xi32, #tpu.memory_space<vmem>>, vector<16xi32>,
      }
      %scan3A_1444 = arith.constant 16 : i32
      %mul3A_1445 = arith.constant 256 : i32
      %mul3A_1446 = arith.muli %add3A_1437, %mul3A_1445 : i32
      %dma_start3A_1447 = arith.constant 0 : i32
      %dma_start3A_1448 = tpu.memref_slice %arg7[%add3A_1437, %dma_start3A_1447] : memref<128x256xf32, #tpu.memory_space<vmem>> -> memref<1x128xf32, #tpu.memory_space<vmem>>
      %dma_start3A_1449 = tpu.memref_squeeze %dma_start3A_1448 : memref<1x128xf32, #tpu.memory_space<vmem>> -> memref<128xf32, #tpu.memory_space<vmem>>
      %dma_start3A_1450 = tpu.memref_slice %arg6[%mul3A_1446] : memref<32768xi32, #tpu.memory_space<vmem>> -> memref<128xi32, #tpu.memory_space<vmem>>
      %dma_start3A_1451 = arith.constant 0 : i32
      %dma_start3A_1452 = tpu.memref_slice %arg2[%dma_start3A_1451] : memref<67108864xf32, #tpu.memory_space<hbm>> -> memref<67108864xf32, #tpu.memory_space<hbm>>
      tpu.enqueue_indirect_dma source(%dma_start3A_1452 : memref<67108864xf32, #tpu.memory_space<hbm>>) target(%dma_start3A_1449 : memref<128xf32, #tpu.memory_space<vmem>>) offsets(%dma_start3A_1450 : memref<128xi32, #tpu.memory_space<vmem>>) semaphore(%arg8 : memref<!tpu.dma_semaphore, #tpu.memory_space<semaphore_mem>>)
      %mul3A_1453 = arith.constant 256 : i32
      %mul3A_1454 = arith.muli %add3A_1437, %mul3A_1453 : i32
      %add3A_1455 = arith.constant 128 : i32
      %add3A_1456 = arith.addi %mul3A_1454, %add3A_1455 : i32
      %dma_start3A_1457 = arith.constant 128 : i32
      %dma_start3A_1458 = tpu.memref_slice %arg7[%add3A_1437, %dma_start3A_1457] : memref<128x256xf32, #tpu.memory_space<vmem>> -> memref<1x128xf32, #tpu.memory_space<vmem>>
      %dma_start3A_1459 = tpu.memref_squeeze %dma_start3A_1458 : memref<1x128xf32, #tpu.memory_space<vmem>> -> memref<128xf32, #tpu.memory_space<vmem>>
      %dma_start3A_1460 = tpu.memref_slice %arg6[%add3A_1456] : memref<32768xi32, #tpu.memory_space<vmem>> -> memref<128xi32, #tpu.memory_space<vmem>>
      %dma_start3A_1461 = arith.constant 0 : i32
      %dma_start3A_1462 = tpu.memref_slice %arg2[%dma_start3A_1461] : memref<67108864xf32, #tpu.memory_space<hbm>> -> memref<67108864xf32, #tpu.memory_space<hbm>>
      tpu.enqueue_indirect_dma source(%dma_start3A_1462 : memref<67108864xf32, #tpu.memory_space<hbm>>) target(%dma_start3A_1459 : memref<128xf32, #tpu.memory_space<vmem>>) offsets(%dma_start3A_1460 : memref<128xi32, #tpu.memory_space<vmem>>) semaphore(%arg8 : memref<!tpu.dma_semaphore, #tpu.memory_space<semaphore_mem>>)
      %mul3A_1463 = arith.constant 16 : i32
      %mul3A_1464 = arith.muli %scan3A_1054, %mul3A_1463 : i32
      %add3A_1465 = arith.constant 14 : i32
      %add3A_1466 = arith.addi %mul3A_1464, %add3A_1465 : i32
      %slice3A_1467 = vector.extract_strided_slice %get3A_1058 {offsets = [14], sizes = [1], strides = [1]} : vector<16xi32> to vector<1xi32>
      %squeeze3A_1468 = vector.extract %slice3A_1467[0] : i32 from vector<1xi32>
      %scan3A_1469 = arith.constant 0 : i32
      %scan3A_1470 = arith.constant 16 : i32
      %scan3A_1471 = arith.addi %scan3A_1469, %scan3A_1470 : i32
      %scan3A_1472 = arith.constant 1 : i32
      scf.for %scan3A_1523 = %scan3A_1469 to %scan3A_1471 step %scan3A_1472  : i32 {
        %iota3A = tpu.iota {dimensions = array<i32: 0>} : vector<16xi32>
        %mul3A_1524 = arith.constant 16 : i32
        %mul3A_1525 = arith.muli %scan3A_1523, %mul3A_1524 : i32
        %add3A_1526 = vector.broadcast %mul3A_1525 : i32 to vector<16xi32>
        %add3A_1527 = arith.addi %iota3A, %add3A_1526 : vector<16xi32>
        %mul3A_1528 = arith.constant 16384 : i32
        %mul3A_1529 = vector.broadcast %mul3A_1528 : i32 to vector<16xi32>
        %mul3A_1530 = arith.muli %add3A_1527, %mul3A_1529 : vector<16xi32>
        %add3A_1531 = arith.addi %squeeze3A_1468, %mul3A_3 : i32
        %add3A_1532 = vector.broadcast %add3A_1531 : i32 to vector<16xi32>
        %add3A_1533 = arith.addi %mul3A_1530, %add3A_1532 : vector<16xi32>
        %mul3A_1534 = arith.constant 256 : i32
        %mul3A_1535 = arith.muli %add3A_1466, %mul3A_1534 : i32
        %mul3A_1536 = arith.constant 16 : i32
        %mul3A_1537 = arith.muli %scan3A_1523, %mul3A_1536 : i32
        %add3A_1538 = arith.addi %mul3A_1535, %mul3A_1537 : i32
        %swap3A = arith.index_cast %add3A_1538 : i32 to index
        %swap3A_1539 = tpu.vector_load %arg6[%swap3A] {strides = array<i32>} : memref<32768xi32, #tpu.memory_space<vmem>>, vector<16xi32>,
        %swap3A_1540 = vector.shape_cast %swap3A_1539 : vector<16xi32> to vector<16xi32>
        %swap3A_1541 = vector.shape_cast %add3A_1533 : vector<16xi32> to vector<16xi32>
        tpu.vector_store %arg6[%swap3A], %swap3A_1541 {strides = array<i32>} : memref<32768xi32, #tpu.memory_space<vmem>>, vector<16xi32>,
      }
      %scan3A_1473 = arith.constant 16 : i32
      %mul3A_1474 = arith.constant 256 : i32
      %mul3A_1475 = arith.muli %add3A_1466, %mul3A_1474 : i32
      %dma_start3A_1476 = arith.constant 0 : i32
      %dma_start3A_1477 = tpu.memref_slice %arg7[%add3A_1466, %dma_start3A_1476] : memref<128x256xf32, #tpu.memory_space<vmem>> -> memref<1x128xf32, #tpu.memory_space<vmem>>
      %dma_start3A_1478 = tpu.memref_squeeze %dma_start3A_1477 : memref<1x128xf32, #tpu.memory_space<vmem>> -> memref<128xf32, #tpu.memory_space<vmem>>
      %dma_start3A_1479 = tpu.memref_slice %arg6[%mul3A_1475] : memref<32768xi32, #tpu.memory_space<vmem>> -> memref<128xi32, #tpu.memory_space<vmem>>
      %dma_start3A_1480 = arith.constant 0 : i32
      %dma_start3A_1481 = tpu.memref_slice %arg2[%dma_start3A_1480] : memref<67108864xf32, #tpu.memory_space<hbm>> -> memref<67108864xf32, #tpu.memory_space<hbm>>
      tpu.enqueue_indirect_dma source(%dma_start3A_1481 : memref<67108864xf32, #tpu.memory_space<hbm>>) target(%dma_start3A_1478 : memref<128xf32, #tpu.memory_space<vmem>>) offsets(%dma_start3A_1479 : memref<128xi32, #tpu.memory_space<vmem>>) semaphore(%arg8 : memref<!tpu.dma_semaphore, #tpu.memory_space<semaphore_mem>>)
      %mul3A_1482 = arith.constant 256 : i32
      %mul3A_1483 = arith.muli %add3A_1466, %mul3A_1482 : i32
      %add3A_1484 = arith.constant 128 : i32
      %add3A_1485 = arith.addi %mul3A_1483, %add3A_1484 : i32
      %dma_start3A_1486 = arith.constant 128 : i32
      %dma_start3A_1487 = tpu.memref_slice %arg7[%add3A_1466, %dma_start3A_1486] : memref<128x256xf32, #tpu.memory_space<vmem>> -> memref<1x128xf32, #tpu.memory_space<vmem>>
      %dma_start3A_1488 = tpu.memref_squeeze %dma_start3A_1487 : memref<1x128xf32, #tpu.memory_space<vmem>> -> memref<128xf32, #tpu.memory_space<vmem>>
      %dma_start3A_1489 = tpu.memref_slice %arg6[%add3A_1485] : memref<32768xi32, #tpu.memory_space<vmem>> -> memref<128xi32, #tpu.memory_space<vmem>>
      %dma_start3A_1490 = arith.constant 0 : i32
      %dma_start3A_1491 = tpu.memref_slice %arg2[%dma_start3A_1490] : memref<67108864xf32, #tpu.memory_space<hbm>> -> memref<67108864xf32, #tpu.memory_space<hbm>>
      tpu.enqueue_indirect_dma source(%dma_start3A_1491 : memref<67108864xf32, #tpu.memory_space<hbm>>) target(%dma_start3A_1488 : memref<128xf32, #tpu.memory_space<vmem>>) offsets(%dma_start3A_1489 : memref<128xi32, #tpu.memory_space<vmem>>) semaphore(%arg8 : memref<!tpu.dma_semaphore, #tpu.memory_space<semaphore_mem>>)
      %mul3A_1492 = arith.constant 16 : i32
      %mul3A_1493 = arith.muli %scan3A_1054, %mul3A_1492 : i32
      %add3A_1494 = arith.constant 15 : i32
      %add3A_1495 = arith.addi %mul3A_1493, %add3A_1494 : i32
      %slice3A_1496 = vector.extract_strided_slice %get3A_1058 {offsets = [15], sizes = [1], strides = [1]} : vector<16xi32> to vector<1xi32>
      %squeeze3A_1497 = vector.extract %slice3A_1496[0] : i32 from vector<1xi32>
      %scan3A_1498 = arith.constant 0 : i32
      %scan3A_1499 = arith.constant 16 : i32
      %scan3A_1500 = arith.addi %scan3A_1498, %scan3A_1499 : i32
      %scan3A_1501 = arith.constant 1 : i32
      scf.for %scan3A_1523 = %scan3A_1498 to %scan3A_1500 step %scan3A_1501  : i32 {
        %iota3A = tpu.iota {dimensions = array<i32: 0>} : vector<16xi32>
        %mul3A_1524 = arith.constant 16 : i32
        %mul3A_1525 = arith.muli %scan3A_1523, %mul3A_1524 : i32
        %add3A_1526 = vector.broadcast %mul3A_1525 : i32 to vector<16xi32>
        %add3A_1527 = arith.addi %iota3A, %add3A_1526 : vector<16xi32>
        %mul3A_1528 = arith.constant 16384 : i32
        %mul3A_1529 = vector.broadcast %mul3A_1528 : i32 to vector<16xi32>
        %mul3A_1530 = arith.muli %add3A_1527, %mul3A_1529 : vector<16xi32>
        %add3A_1531 = arith.addi %squeeze3A_1497, %mul3A_3 : i32
        %add3A_1532 = vector.broadcast %add3A_1531 : i32 to vector<16xi32>
        %add3A_1533 = arith.addi %mul3A_1530, %add3A_1532 : vector<16xi32>
        %mul3A_1534 = arith.constant 256 : i32
        %mul3A_1535 = arith.muli %add3A_1495, %mul3A_1534 : i32
        %mul3A_1536 = arith.constant 16 : i32
        %mul3A_1537 = arith.muli %scan3A_1523, %mul3A_1536 : i32
        %add3A_1538 = arith.addi %mul3A_1535, %mul3A_1537 : i32
        %swap3A = arith.index_cast %add3A_1538 : i32 to index
        %swap3A_1539 = tpu.vector_load %arg6[%swap3A] {strides = array<i32>} : memref<32768xi32, #tpu.memory_space<vmem>>, vector<16xi32>,
        %swap3A_1540 = vector.shape_cast %swap3A_1539 : vector<16xi32> to vector<16xi32>
        %swap3A_1541 = vector.shape_cast %add3A_1533 : vector<16xi32> to vector<16xi32>
        tpu.vector_store %arg6[%swap3A], %swap3A_1541 {strides = array<i32>} : memref<32768xi32, #tpu.memory_space<vmem>>, vector<16xi32>,
      }
      %scan3A_1502 = arith.constant 16 : i32
      %mul3A_1503 = arith.constant 256 : i32
      %mul3A_1504 = arith.muli %add3A_1495, %mul3A_1503 : i32
      %dma_start3A_1505 = arith.constant 0 : i32
      %dma_start3A_1506 = tpu.memref_slice %arg7[%add3A_1495, %dma_start3A_1505] : memref<128x256xf32, #tpu.memory_space<vmem>> -> memref<1x128xf32, #tpu.memory_space<vmem>>
      %dma_start3A_1507 = tpu.memref_squeeze %dma_start3A_1506 : memref<1x128xf32, #tpu.memory_space<vmem>> -> memref<128xf32, #tpu.memory_space<vmem>>
      %dma_start3A_1508 = tpu.memref_slice %arg6[%mul3A_1504] : memref<32768xi32, #tpu.memory_space<vmem>> -> memref<128xi32, #tpu.memory_space<vmem>>
      %dma_start3A_1509 = arith.constant 0 : i32
      %dma_start3A_1510 = tpu.memref_slice %arg2[%dma_start3A_1509] : memref<67108864xf32, #tpu.memory_space<hbm>> -> memref<67108864xf32, #tpu.memory_space<hbm>>
      tpu.enqueue_indirect_dma source(%dma_start3A_1510 : memref<67108864xf32, #tpu.memory_space<hbm>>) target(%dma_start3A_1507 : memref<128xf32, #tpu.memory_space<vmem>>) offsets(%dma_start3A_1508 : memref<128xi32, #tpu.memory_space<vmem>>) semaphore(%arg8 : memref<!tpu.dma_semaphore, #tpu.memory_space<semaphore_mem>>)
      %mul3A_1511 = arith.constant 256 : i32
      %mul3A_1512 = arith.muli %add3A_1495, %mul3A_1511 : i32
      %add3A_1513 = arith.constant 128 : i32
      %add3A_1514 = arith.addi %mul3A_1512, %add3A_1513 : i32
      %dma_start3A_1515 = arith.constant 128 : i32
      %dma_start3A_1516 = tpu.memref_slice %arg7[%add3A_1495, %dma_start3A_1515] : memref<128x256xf32, #tpu.memory_space<vmem>> -> memref<1x128xf32, #tpu.memory_space<vmem>>
      %dma_start3A_1517 = tpu.memref_squeeze %dma_start3A_1516 : memref<1x128xf32, #tpu.memory_space<vmem>> -> memref<128xf32, #tpu.memory_space<vmem>>
      %dma_start3A_1518 = tpu.memref_slice %arg6[%add3A_1514] : memref<32768xi32, #tpu.memory_space<vmem>> -> memref<128xi32, #tpu.memory_space<vmem>>
      %dma_start3A_1519 = arith.constant 0 : i32
      %dma_start3A_1520 = tpu.memref_slice %arg2[%dma_start3A_1519] : memref<67108864xf32, #tpu.memory_space<hbm>> -> memref<67108864xf32, #tpu.memory_space<hbm>>
      tpu.enqueue_indirect_dma source(%dma_start3A_1520 : memref<67108864xf32, #tpu.memory_space<hbm>>) target(%dma_start3A_1517 : memref<128xf32, #tpu.memory_space<vmem>>) offsets(%dma_start3A_1518 : memref<128xi32, #tpu.memory_space<vmem>>) semaphore(%arg8 : memref<!tpu.dma_semaphore, #tpu.memory_space<semaphore_mem>>)
      %ge3A = arith.constant 5 : i32
      %ge3A_1521 = arith.cmpi sge, %scan3A_1054, %ge3A : i32
      %convert_element_type3A = arith.extui %ge3A_1521 : i1 to i32
      %cond3A = arith.constant 0 : i32
      %cond3A_1522 = arith.cmpi ne, %convert_element_type3A, %cond3A : i32
      scf.if %cond3A_1522 {
        %sub3A = arith.constant 5 : i32
        %sub3A_1523 = arith.subi %scan3A_1054, %sub3A : i32
        %mul3A_1524 = arith.constant 16 : i32
        %mul3A_1525 = arith.muli %sub3A_1523, %mul3A_1524 : i32
        %add3A_1526 = arith.constant 0 : i32
        %add3A_1527 = arith.addi %mul3A_1525, %add3A_1526 : i32
        %dma_wait3A_1528 = arith.constant 0 : i32
        %dma_wait3A_1529 = tpu.memref_slice %arg7[%add3A_1527, %dma_wait3A_1528] : memref<128x256xf32, #tpu.memory_space<vmem>> -> memref<1x256xf32, #tpu.memory_space<vmem>>
        %dma_wait3A_1530 = tpu.memref_squeeze %dma_wait3A_1529 : memref<1x256xf32, #tpu.memory_space<vmem>> -> memref<256xf32, #tpu.memory_space<vmem>>
        %dma_wait3A_1531 = arith.constant 0 : i32
        %dma_wait3A_1532 = tpu.memref_slice %arg2[%dma_wait3A_1531] : memref<67108864xf32, #tpu.memory_space<hbm>> -> memref<256xf32, #tpu.memory_space<hbm>>
        %dma_wait3A_1533 = arith.constant 0 : i32
        %dma_wait3A_1534 = tpu.memref_slice %arg7[%add3A_1527, %dma_wait3A_1533] : memref<128x256xf32, #tpu.memory_space<vmem>> -> memref<1x256xf32, #tpu.memory_space<vmem>>
        %dma_wait3A_1535 = tpu.memref_squeeze %dma_wait3A_1534 : memref<1x256xf32, #tpu.memory_space<vmem>> -> memref<256xf32, #tpu.memory_space<vmem>>
        %dma_wait3A_1536 = arith.constant 0 : i32
        %dma_wait3A_1537 = tpu.memref_slice %arg2[%dma_wait3A_1536] : memref<67108864xf32, #tpu.memory_space<hbm>> -> memref<256xf32, #tpu.memory_space<hbm>>
        tpu.wait_dma2 semaphore(%arg8 : memref<!tpu.dma_semaphore, #tpu.memory_space<semaphore_mem>>) src(%dma_wait3A_1537 : memref<256xf32, #tpu.memory_space<hbm>>) dst(%dma_wait3A_1535 : memref<256xf32, #tpu.memory_space<vmem>>)
        %sub3A_1538 = arith.constant 5 : i32
        %sub3A_1539 = arith.subi %scan3A_1054, %sub3A_1538 : i32
        %mul3A_1540 = arith.constant 16 : i32
        %mul3A_1541 = arith.muli %sub3A_1539, %mul3A_1540 : i32
        %add3A_1542 = arith.constant 1 : i32
        %add3A_1543 = arith.addi %mul3A_1541, %add3A_1542 : i32
        %dma_wait3A_1544 = arith.constant 0 : i32
        %dma_wait3A_1545 = tpu.memref_slice %arg7[%add3A_1543, %dma_wait3A_1544] : memref<128x256xf32, #tpu.memory_space<vmem>> -> memref<1x256xf32, #tpu.memory_space<vmem>>
        %dma_wait3A_1546 = tpu.memref_squeeze %dma_wait3A_1545 : memref<1x256xf32, #tpu.memory_space<vmem>> -> memref<256xf32, #tpu.memory_space<vmem>>
        %dma_wait3A_1547 = arith.constant 0 : i32
        %dma_wait3A_1548 = tpu.memref_slice %arg2[%dma_wait3A_1547] : memref<67108864xf32, #tpu.memory_space<hbm>> -> memref<256xf32, #tpu.memory_space<hbm>>
        %dma_wait3A_1549 = arith.constant 0 : i32
        %dma_wait3A_1550 = tpu.memref_slice %arg7[%add3A_1543, %dma_wait3A_1549] : memref<128x256xf32, #tpu.memory_space<vmem>> -> memref<1x256xf32, #tpu.memory_space<vmem>>
        %dma_wait3A_1551 = tpu.memref_squeeze %dma_wait3A_1550 : memref<1x256xf32, #tpu.memory_space<vmem>> -> memref<256xf32, #tpu.memory_space<vmem>>
        %dma_wait3A_1552 = arith.constant 0 : i32
        %dma_wait3A_1553 = tpu.memref_slice %arg2[%dma_wait3A_1552] : memref<67108864xf32, #tpu.memory_space<hbm>> -> memref<256xf32, #tpu.memory_space<hbm>>
        tpu.wait_dma2 semaphore(%arg8 : memref<!tpu.dma_semaphore, #tpu.memory_space<semaphore_mem>>) src(%dma_wait3A_1553 : memref<256xf32, #tpu.memory_space<hbm>>) dst(%dma_wait3A_1551 : memref<256xf32, #tpu.memory_space<vmem>>)
        %sub3A_1554 = arith.constant 5 : i32
        %sub3A_1555 = arith.subi %scan3A_1054, %sub3A_1554 : i32
        %mul3A_1556 = arith.constant 16 : i32
        %mul3A_1557 = arith.muli %sub3A_1555, %mul3A_1556 : i32
        %add3A_1558 = arith.constant 2 : i32
        %add3A_1559 = arith.addi %mul3A_1557, %add3A_1558 : i32
        %dma_wait3A_1560 = arith.constant 0 : i32
        %dma_wait3A_1561 = tpu.memref_slice %arg7[%add3A_1559, %dma_wait3A_1560] : memref<128x256xf32, #tpu.memory_space<vmem>> -> memref<1x256xf32, #tpu.memory_space<vmem>>
        %dma_wait3A_1562 = tpu.memref_squeeze %dma_wait3A_1561 : memref<1x256xf32, #tpu.memory_space<vmem>> -> memref<256xf32, #tpu.memory_space<vmem>>
        %dma_wait3A_1563 = arith.constant 0 : i32
        %dma_wait3A_1564 = tpu.memref_slice %arg2[%dma_wait3A_1563] : memref<67108864xf32, #tpu.memory_space<hbm>> -> memref<256xf32, #tpu.memory_space<hbm>>
        %dma_wait3A_1565 = arith.constant 0 : i32
        %dma_wait3A_1566 = tpu.memref_slice %arg7[%add3A_1559, %dma_wait3A_1565] : memref<128x256xf32, #tpu.memory_space<vmem>> -> memref<1x256xf32, #tpu.memory_space<vmem>>
        %dma_wait3A_1567 = tpu.memref_squeeze %dma_wait3A_1566 : memref<1x256xf32, #tpu.memory_space<vmem>> -> memref<256xf32, #tpu.memory_space<vmem>>
        %dma_wait3A_1568 = arith.constant 0 : i32
        %dma_wait3A_1569 = tpu.memref_slice %arg2[%dma_wait3A_1568] : memref<67108864xf32, #tpu.memory_space<hbm>> -> memref<256xf32, #tpu.memory_space<hbm>>
        tpu.wait_dma2 semaphore(%arg8 : memref<!tpu.dma_semaphore, #tpu.memory_space<semaphore_mem>>) src(%dma_wait3A_1569 : memref<256xf32, #tpu.memory_space<hbm>>) dst(%dma_wait3A_1567 : memref<256xf32, #tpu.memory_space<vmem>>)
        %sub3A_1570 = arith.constant 5 : i32
        %sub3A_1571 = arith.subi %scan3A_1054, %sub3A_1570 : i32
        %mul3A_1572 = arith.constant 16 : i32
        %mul3A_1573 = arith.muli %sub3A_1571, %mul3A_1572 : i32
        %add3A_1574 = arith.constant 3 : i32
        %add3A_1575 = arith.addi %mul3A_1573, %add3A_1574 : i32
        %dma_wait3A_1576 = arith.constant 0 : i32
        %dma_wait3A_1577 = tpu.memref_slice %arg7[%add3A_1575, %dma_wait3A_1576] : memref<128x256xf32, #tpu.memory_space<vmem>> -> memref<1x256xf32, #tpu.memory_space<vmem>>
        %dma_wait3A_1578 = tpu.memref_squeeze %dma_wait3A_1577 : memref<1x256xf32, #tpu.memory_space<vmem>> -> memref<256xf32, #tpu.memory_space<vmem>>
        %dma_wait3A_1579 = arith.constant 0 : i32
        %dma_wait3A_1580 = tpu.memref_slice %arg2[%dma_wait3A_1579] : memref<67108864xf32, #tpu.memory_space<hbm>> -> memref<256xf32, #tpu.memory_space<hbm>>
        %dma_wait3A_1581 = arith.constant 0 : i32
        %dma_wait3A_1582 = tpu.memref_slice %arg7[%add3A_1575, %dma_wait3A_1581] : memref<128x256xf32, #tpu.memory_space<vmem>> -> memref<1x256xf32, #tpu.memory_space<vmem>>
        %dma_wait3A_1583 = tpu.memref_squeeze %dma_wait3A_1582 : memref<1x256xf32, #tpu.memory_space<vmem>> -> memref<256xf32, #tpu.memory_space<vmem>>
        %dma_wait3A_1584 = arith.constant 0 : i32
        %dma_wait3A_1585 = tpu.memref_slice %arg2[%dma_wait3A_1584] : memref<67108864xf32, #tpu.memory_space<hbm>> -> memref<256xf32, #tpu.memory_space<hbm>>
        tpu.wait_dma2 semaphore(%arg8 : memref<!tpu.dma_semaphore, #tpu.memory_space<semaphore_mem>>) src(%dma_wait3A_1585 : memref<256xf32, #tpu.memory_space<hbm>>) dst(%dma_wait3A_1583 : memref<256xf32, #tpu.memory_space<vmem>>)
        %sub3A_1586 = arith.constant 5 : i32
        %sub3A_1587 = arith.subi %scan3A_1054, %sub3A_1586 : i32
        %mul3A_1588 = arith.constant 16 : i32
        %mul3A_1589 = arith.muli %sub3A_1587, %mul3A_1588 : i32
        %add3A_1590 = arith.constant 4 : i32
        %add3A_1591 = arith.addi %mul3A_1589, %add3A_1590 : i32
        %dma_wait3A_1592 = arith.constant 0 : i32
        %dma_wait3A_1593 = tpu.memref_slice %arg7[%add3A_1591, %dma_wait3A_1592] : memref<128x256xf32, #tpu.memory_space<vmem>> -> memref<1x256xf32, #tpu.memory_space<vmem>>
        %dma_wait3A_1594 = tpu.memref_squeeze %dma_wait3A_1593 : memref<1x256xf32, #tpu.memory_space<vmem>> -> memref<256xf32, #tpu.memory_space<vmem>>
        %dma_wait3A_1595 = arith.constant 0 : i32
        %dma_wait3A_1596 = tpu.memref_slice %arg2[%dma_wait3A_1595] : memref<67108864xf32, #tpu.memory_space<hbm>> -> memref<256xf32, #tpu.memory_space<hbm>>
        %dma_wait3A_1597 = arith.constant 0 : i32
        %dma_wait3A_1598 = tpu.memref_slice %arg7[%add3A_1591, %dma_wait3A_1597] : memref<128x256xf32, #tpu.memory_space<vmem>> -> memref<1x256xf32, #tpu.memory_space<vmem>>
        %dma_wait3A_1599 = tpu.memref_squeeze %dma_wait3A_1598 : memref<1x256xf32, #tpu.memory_space<vmem>> -> memref<256xf32, #tpu.memory_space<vmem>>
        %dma_wait3A_1600 = arith.constant 0 : i32
        %dma_wait3A_1601 = tpu.memref_slice %arg2[%dma_wait3A_1600] : memref<67108864xf32, #tpu.memory_space<hbm>> -> memref<256xf32, #tpu.memory_space<hbm>>
        tpu.wait_dma2 semaphore(%arg8 : memref<!tpu.dma_semaphore, #tpu.memory_space<semaphore_mem>>) src(%dma_wait3A_1601 : memref<256xf32, #tpu.memory_space<hbm>>) dst(%dma_wait3A_1599 : memref<256xf32, #tpu.memory_space<vmem>>)
        %sub3A_1602 = arith.constant 5 : i32
        %sub3A_1603 = arith.subi %scan3A_1054, %sub3A_1602 : i32
        %mul3A_1604 = arith.constant 16 : i32
        %mul3A_1605 = arith.muli %sub3A_1603, %mul3A_1604 : i32
        %add3A_1606 = arith.constant 5 : i32
        %add3A_1607 = arith.addi %mul3A_1605, %add3A_1606 : i32
        %dma_wait3A_1608 = arith.constant 0 : i32
        %dma_wait3A_1609 = tpu.memref_slice %arg7[%add3A_1607, %dma_wait3A_1608] : memref<128x256xf32, #tpu.memory_space<vmem>> -> memref<1x256xf32, #tpu.memory_space<vmem>>
        %dma_wait3A_1610 = tpu.memref_squeeze %dma_wait3A_1609 : memref<1x256xf32, #tpu.memory_space<vmem>> -> memref<256xf32, #tpu.memory_space<vmem>>
        %dma_wait3A_1611 = arith.constant 0 : i32
        %dma_wait3A_1612 = tpu.memref_slice %arg2[%dma_wait3A_1611] : memref<67108864xf32, #tpu.memory_space<hbm>> -> memref<256xf32, #tpu.memory_space<hbm>>
        %dma_wait3A_1613 = arith.constant 0 : i32
        %dma_wait3A_1614 = tpu.memref_slice %arg7[%add3A_1607, %dma_wait3A_1613] : memref<128x256xf32, #tpu.memory_space<vmem>> -> memref<1x256xf32, #tpu.memory_space<vmem>>
        %dma_wait3A_1615 = tpu.memref_squeeze %dma_wait3A_1614 : memref<1x256xf32, #tpu.memory_space<vmem>> -> memref<256xf32, #tpu.memory_space<vmem>>
        %dma_wait3A_1616 = arith.constant 0 : i32
        %dma_wait3A_1617 = tpu.memref_slice %arg2[%dma_wait3A_1616] : memref<67108864xf32, #tpu.memory_space<hbm>> -> memref<256xf32, #tpu.memory_space<hbm>>
        tpu.wait_dma2 semaphore(%arg8 : memref<!tpu.dma_semaphore, #tpu.memory_space<semaphore_mem>>) src(%dma_wait3A_1617 : memref<256xf32, #tpu.memory_space<hbm>>) dst(%dma_wait3A_1615 : memref<256xf32, #tpu.memory_space<vmem>>)
        %sub3A_1618 = arith.constant 5 : i32
        %sub3A_1619 = arith.subi %scan3A_1054, %sub3A_1618 : i32
        %mul3A_1620 = arith.constant 16 : i32
        %mul3A_1621 = arith.muli %sub3A_1619, %mul3A_1620 : i32
        %add3A_1622 = arith.constant 6 : i32
        %add3A_1623 = arith.addi %mul3A_1621, %add3A_1622 : i32
        %dma_wait3A_1624 = arith.constant 0 : i32
        %dma_wait3A_1625 = tpu.memref_slice %arg7[%add3A_1623, %dma_wait3A_1624] : memref<128x256xf32, #tpu.memory_space<vmem>> -> memref<1x256xf32, #tpu.memory_space<vmem>>
        %dma_wait3A_1626 = tpu.memref_squeeze %dma_wait3A_1625 : memref<1x256xf32, #tpu.memory_space<vmem>> -> memref<256xf32, #tpu.memory_space<vmem>>
        %dma_wait3A_1627 = arith.constant 0 : i32
        %dma_wait3A_1628 = tpu.memref_slice %arg2[%dma_wait3A_1627] : memref<67108864xf32, #tpu.memory_space<hbm>> -> memref<256xf32, #tpu.memory_space<hbm>>
        %dma_wait3A_1629 = arith.constant 0 : i32
        %dma_wait3A_1630 = tpu.memref_slice %arg7[%add3A_1623, %dma_wait3A_1629] : memref<128x256xf32, #tpu.memory_space<vmem>> -> memref<1x256xf32, #tpu.memory_space<vmem>>
        %dma_wait3A_1631 = tpu.memref_squeeze %dma_wait3A_1630 : memref<1x256xf32, #tpu.memory_space<vmem>> -> memref<256xf32, #tpu.memory_space<vmem>>
        %dma_wait3A_1632 = arith.constant 0 : i32
        %dma_wait3A_1633 = tpu.memref_slice %arg2[%dma_wait3A_1632] : memref<67108864xf32, #tpu.memory_space<hbm>> -> memref<256xf32, #tpu.memory_space<hbm>>
        tpu.wait_dma2 semaphore(%arg8 : memref<!tpu.dma_semaphore, #tpu.memory_space<semaphore_mem>>) src(%dma_wait3A_1633 : memref<256xf32, #tpu.memory_space<hbm>>) dst(%dma_wait3A_1631 : memref<256xf32, #tpu.memory_space<vmem>>)
        %sub3A_1634 = arith.constant 5 : i32
        %sub3A_1635 = arith.subi %scan3A_1054, %sub3A_1634 : i32
        %mul3A_1636 = arith.constant 16 : i32
        %mul3A_1637 = arith.muli %sub3A_1635, %mul3A_1636 : i32
        %add3A_1638 = arith.constant 7 : i32
        %add3A_1639 = arith.addi %mul3A_1637, %add3A_1638 : i32
        %dma_wait3A_1640 = arith.constant 0 : i32
        %dma_wait3A_1641 = tpu.memref_slice %arg7[%add3A_1639, %dma_wait3A_1640] : memref<128x256xf32, #tpu.memory_space<vmem>> -> memref<1x256xf32, #tpu.memory_space<vmem>>
        %dma_wait3A_1642 = tpu.memref_squeeze %dma_wait3A_1641 : memref<1x256xf32, #tpu.memory_space<vmem>> -> memref<256xf32, #tpu.memory_space<vmem>>
        %dma_wait3A_1643 = arith.constant 0 : i32
        %dma_wait3A_1644 = tpu.memref_slice %arg2[%dma_wait3A_1643] : memref<67108864xf32, #tpu.memory_space<hbm>> -> memref<256xf32, #tpu.memory_space<hbm>>
        %dma_wait3A_1645 = arith.constant 0 : i32
        %dma_wait3A_1646 = tpu.memref_slice %arg7[%add3A_1639, %dma_wait3A_1645] : memref<128x256xf32, #tpu.memory_space<vmem>> -> memref<1x256xf32, #tpu.memory_space<vmem>>
        %dma_wait3A_1647 = tpu.memref_squeeze %dma_wait3A_1646 : memref<1x256xf32, #tpu.memory_space<vmem>> -> memref<256xf32, #tpu.memory_space<vmem>>
        %dma_wait3A_1648 = arith.constant 0 : i32
        %dma_wait3A_1649 = tpu.memref_slice %arg2[%dma_wait3A_1648] : memref<67108864xf32, #tpu.memory_space<hbm>> -> memref<256xf32, #tpu.memory_space<hbm>>
        tpu.wait_dma2 semaphore(%arg8 : memref<!tpu.dma_semaphore, #tpu.memory_space<semaphore_mem>>) src(%dma_wait3A_1649 : memref<256xf32, #tpu.memory_space<hbm>>) dst(%dma_wait3A_1647 : memref<256xf32, #tpu.memory_space<vmem>>)
        %sub3A_1650 = arith.constant 5 : i32
        %sub3A_1651 = arith.subi %scan3A_1054, %sub3A_1650 : i32
        %mul3A_1652 = arith.constant 16 : i32
        %mul3A_1653 = arith.muli %sub3A_1651, %mul3A_1652 : i32
        %add3A_1654 = arith.constant 8 : i32
        %add3A_1655 = arith.addi %mul3A_1653, %add3A_1654 : i32
        %dma_wait3A_1656 = arith.constant 0 : i32
        %dma_wait3A_1657 = tpu.memref_slice %arg7[%add3A_1655, %dma_wait3A_1656] : memref<128x256xf32, #tpu.memory_space<vmem>> -> memref<1x256xf32, #tpu.memory_space<vmem>>
        %dma_wait3A_1658 = tpu.memref_squeeze %dma_wait3A_1657 : memref<1x256xf32, #tpu.memory_space<vmem>> -> memref<256xf32, #tpu.memory_space<vmem>>
        %dma_wait3A_1659 = arith.constant 0 : i32
        %dma_wait3A_1660 = tpu.memref_slice %arg2[%dma_wait3A_1659] : memref<67108864xf32, #tpu.memory_space<hbm>> -> memref<256xf32, #tpu.memory_space<hbm>>
        %dma_wait3A_1661 = arith.constant 0 : i32
        %dma_wait3A_1662 = tpu.memref_slice %arg7[%add3A_1655, %dma_wait3A_1661] : memref<128x256xf32, #tpu.memory_space<vmem>> -> memref<1x256xf32, #tpu.memory_space<vmem>>
        %dma_wait3A_1663 = tpu.memref_squeeze %dma_wait3A_1662 : memref<1x256xf32, #tpu.memory_space<vmem>> -> memref<256xf32, #tpu.memory_space<vmem>>
        %dma_wait3A_1664 = arith.constant 0 : i32
        %dma_wait3A_1665 = tpu.memref_slice %arg2[%dma_wait3A_1664] : memref<67108864xf32, #tpu.memory_space<hbm>> -> memref<256xf32, #tpu.memory_space<hbm>>
        tpu.wait_dma2 semaphore(%arg8 : memref<!tpu.dma_semaphore, #tpu.memory_space<semaphore_mem>>) src(%dma_wait3A_1665 : memref<256xf32, #tpu.memory_space<hbm>>) dst(%dma_wait3A_1663 : memref<256xf32, #tpu.memory_space<vmem>>)
        %sub3A_1666 = arith.constant 5 : i32
        %sub3A_1667 = arith.subi %scan3A_1054, %sub3A_1666 : i32
        %mul3A_1668 = arith.constant 16 : i32
        %mul3A_1669 = arith.muli %sub3A_1667, %mul3A_1668 : i32
        %add3A_1670 = arith.constant 9 : i32
        %add3A_1671 = arith.addi %mul3A_1669, %add3A_1670 : i32
        %dma_wait3A_1672 = arith.constant 0 : i32
        %dma_wait3A_1673 = tpu.memref_slice %arg7[%add3A_1671, %dma_wait3A_1672] : memref<128x256xf32, #tpu.memory_space<vmem>> -> memref<1x256xf32, #tpu.memory_space<vmem>>
        %dma_wait3A_1674 = tpu.memref_squeeze %dma_wait3A_1673 : memref<1x256xf32, #tpu.memory_space<vmem>> -> memref<256xf32, #tpu.memory_space<vmem>>
        %dma_wait3A_1675 = arith.constant 0 : i32
        %dma_wait3A_1676 = tpu.memref_slice %arg2[%dma_wait3A_1675] : memref<67108864xf32, #tpu.memory_space<hbm>> -> memref<256xf32, #tpu.memory_space<hbm>>
        %dma_wait3A_1677 = arith.constant 0 : i32
        %dma_wait3A_1678 = tpu.memref_slice %arg7[%add3A_1671, %dma_wait3A_1677] : memref<128x256xf32, #tpu.memory_space<vmem>> -> memref<1x256xf32, #tpu.memory_space<vmem>>
        %dma_wait3A_1679 = tpu.memref_squeeze %dma_wait3A_1678 : memref<1x256xf32, #tpu.memory_space<vmem>> -> memref<256xf32, #tpu.memory_space<vmem>>
        %dma_wait3A_1680 = arith.constant 0 : i32
        %dma_wait3A_1681 = tpu.memref_slice %arg2[%dma_wait3A_1680] : memref<67108864xf32, #tpu.memory_space<hbm>> -> memref<256xf32, #tpu.memory_space<hbm>>
        tpu.wait_dma2 semaphore(%arg8 : memref<!tpu.dma_semaphore, #tpu.memory_space<semaphore_mem>>) src(%dma_wait3A_1681 : memref<256xf32, #tpu.memory_space<hbm>>) dst(%dma_wait3A_1679 : memref<256xf32, #tpu.memory_space<vmem>>)
        %sub3A_1682 = arith.constant 5 : i32
        %sub3A_1683 = arith.subi %scan3A_1054, %sub3A_1682 : i32
        %mul3A_1684 = arith.constant 16 : i32
        %mul3A_1685 = arith.muli %sub3A_1683, %mul3A_1684 : i32
        %add3A_1686 = arith.constant 10 : i32
        %add3A_1687 = arith.addi %mul3A_1685, %add3A_1686 : i32
        %dma_wait3A_1688 = arith.constant 0 : i32
        %dma_wait3A_1689 = tpu.memref_slice %arg7[%add3A_1687, %dma_wait3A_1688] : memref<128x256xf32, #tpu.memory_space<vmem>> -> memref<1x256xf32, #tpu.memory_space<vmem>>
        %dma_wait3A_1690 = tpu.memref_squeeze %dma_wait3A_1689 : memref<1x256xf32, #tpu.memory_space<vmem>> -> memref<256xf32, #tpu.memory_space<vmem>>
        %dma_wait3A_1691 = arith.constant 0 : i32
        %dma_wait3A_1692 = tpu.memref_slice %arg2[%dma_wait3A_1691] : memref<67108864xf32, #tpu.memory_space<hbm>> -> memref<256xf32, #tpu.memory_space<hbm>>
        %dma_wait3A_1693 = arith.constant 0 : i32
        %dma_wait3A_1694 = tpu.memref_slice %arg7[%add3A_1687, %dma_wait3A_1693] : memref<128x256xf32, #tpu.memory_space<vmem>> -> memref<1x256xf32, #tpu.memory_space<vmem>>
        %dma_wait3A_1695 = tpu.memref_squeeze %dma_wait3A_1694 : memref<1x256xf32, #tpu.memory_space<vmem>> -> memref<256xf32, #tpu.memory_space<vmem>>
        %dma_wait3A_1696 = arith.constant 0 : i32
        %dma_wait3A_1697 = tpu.memref_slice %arg2[%dma_wait3A_1696] : memref<67108864xf32, #tpu.memory_space<hbm>> -> memref<256xf32, #tpu.memory_space<hbm>>
        tpu.wait_dma2 semaphore(%arg8 : memref<!tpu.dma_semaphore, #tpu.memory_space<semaphore_mem>>) src(%dma_wait3A_1697 : memref<256xf32, #tpu.memory_space<hbm>>) dst(%dma_wait3A_1695 : memref<256xf32, #tpu.memory_space<vmem>>)
        %sub3A_1698 = arith.constant 5 : i32
        %sub3A_1699 = arith.subi %scan3A_1054, %sub3A_1698 : i32
        %mul3A_1700 = arith.constant 16 : i32
        %mul3A_1701 = arith.muli %sub3A_1699, %mul3A_1700 : i32
        %add3A_1702 = arith.constant 11 : i32
        %add3A_1703 = arith.addi %mul3A_1701, %add3A_1702 : i32
        %dma_wait3A_1704 = arith.constant 0 : i32
        %dma_wait3A_1705 = tpu.memref_slice %arg7[%add3A_1703, %dma_wait3A_1704] : memref<128x256xf32, #tpu.memory_space<vmem>> -> memref<1x256xf32, #tpu.memory_space<vmem>>
        %dma_wait3A_1706 = tpu.memref_squeeze %dma_wait3A_1705 : memref<1x256xf32, #tpu.memory_space<vmem>> -> memref<256xf32, #tpu.memory_space<vmem>>
        %dma_wait3A_1707 = arith.constant 0 : i32
        %dma_wait3A_1708 = tpu.memref_slice %arg2[%dma_wait3A_1707] : memref<67108864xf32, #tpu.memory_space<hbm>> -> memref<256xf32, #tpu.memory_space<hbm>>
        %dma_wait3A_1709 = arith.constant 0 : i32
        %dma_wait3A_1710 = tpu.memref_slice %arg7[%add3A_1703, %dma_wait3A_1709] : memref<128x256xf32, #tpu.memory_space<vmem>> -> memref<1x256xf32, #tpu.memory_space<vmem>>
        %dma_wait3A_1711 = tpu.memref_squeeze %dma_wait3A_1710 : memref<1x256xf32, #tpu.memory_space<vmem>> -> memref<256xf32, #tpu.memory_space<vmem>>
        %dma_wait3A_1712 = arith.constant 0 : i32
        %dma_wait3A_1713 = tpu.memref_slice %arg2[%dma_wait3A_1712] : memref<67108864xf32, #tpu.memory_space<hbm>> -> memref<256xf32, #tpu.memory_space<hbm>>
        tpu.wait_dma2 semaphore(%arg8 : memref<!tpu.dma_semaphore, #tpu.memory_space<semaphore_mem>>) src(%dma_wait3A_1713 : memref<256xf32, #tpu.memory_space<hbm>>) dst(%dma_wait3A_1711 : memref<256xf32, #tpu.memory_space<vmem>>)
        %sub3A_1714 = arith.constant 5 : i32
        %sub3A_1715 = arith.subi %scan3A_1054, %sub3A_1714 : i32
        %mul3A_1716 = arith.constant 16 : i32
        %mul3A_1717 = arith.muli %sub3A_1715, %mul3A_1716 : i32
        %add3A_1718 = arith.constant 12 : i32
        %add3A_1719 = arith.addi %mul3A_1717, %add3A_1718 : i32
        %dma_wait3A_1720 = arith.constant 0 : i32
        %dma_wait3A_1721 = tpu.memref_slice %arg7[%add3A_1719, %dma_wait3A_1720] : memref<128x256xf32, #tpu.memory_space<vmem>> -> memref<1x256xf32, #tpu.memory_space<vmem>>
        %dma_wait3A_1722 = tpu.memref_squeeze %dma_wait3A_1721 : memref<1x256xf32, #tpu.memory_space<vmem>> -> memref<256xf32, #tpu.memory_space<vmem>>
        %dma_wait3A_1723 = arith.constant 0 : i32
        %dma_wait3A_1724 = tpu.memref_slice %arg2[%dma_wait3A_1723] : memref<67108864xf32, #tpu.memory_space<hbm>> -> memref<256xf32, #tpu.memory_space<hbm>>
        %dma_wait3A_1725 = arith.constant 0 : i32
        %dma_wait3A_1726 = tpu.memref_slice %arg7[%add3A_1719, %dma_wait3A_1725] : memref<128x256xf32, #tpu.memory_space<vmem>> -> memref<1x256xf32, #tpu.memory_space<vmem>>
        %dma_wait3A_1727 = tpu.memref_squeeze %dma_wait3A_1726 : memref<1x256xf32, #tpu.memory_space<vmem>> -> memref<256xf32, #tpu.memory_space<vmem>>
        %dma_wait3A_1728 = arith.constant 0 : i32
        %dma_wait3A_1729 = tpu.memref_slice %arg2[%dma_wait3A_1728] : memref<67108864xf32, #tpu.memory_space<hbm>> -> memref<256xf32, #tpu.memory_space<hbm>>
        tpu.wait_dma2 semaphore(%arg8 : memref<!tpu.dma_semaphore, #tpu.memory_space<semaphore_mem>>) src(%dma_wait3A_1729 : memref<256xf32, #tpu.memory_space<hbm>>) dst(%dma_wait3A_1727 : memref<256xf32, #tpu.memory_space<vmem>>)
        %sub3A_1730 = arith.constant 5 : i32
        %sub3A_1731 = arith.subi %scan3A_1054, %sub3A_1730 : i32
        %mul3A_1732 = arith.constant 16 : i32
        %mul3A_1733 = arith.muli %sub3A_1731, %mul3A_1732 : i32
        %add3A_1734 = arith.constant 13 : i32
        %add3A_1735 = arith.addi %mul3A_1733, %add3A_1734 : i32
        %dma_wait3A_1736 = arith.constant 0 : i32
        %dma_wait3A_1737 = tpu.memref_slice %arg7[%add3A_1735, %dma_wait3A_1736] : memref<128x256xf32, #tpu.memory_space<vmem>> -> memref<1x256xf32, #tpu.memory_space<vmem>>
        %dma_wait3A_1738 = tpu.memref_squeeze %dma_wait3A_1737 : memref<1x256xf32, #tpu.memory_space<vmem>> -> memref<256xf32, #tpu.memory_space<vmem>>
        %dma_wait3A_1739 = arith.constant 0 : i32
        %dma_wait3A_1740 = tpu.memref_slice %arg2[%dma_wait3A_1739] : memref<67108864xf32, #tpu.memory_space<hbm>> -> memref<256xf32, #tpu.memory_space<hbm>>
        %dma_wait3A_1741 = arith.constant 0 : i32
        %dma_wait3A_1742 = tpu.memref_slice %arg7[%add3A_1735, %dma_wait3A_1741] : memref<128x256xf32, #tpu.memory_space<vmem>> -> memref<1x256xf32, #tpu.memory_space<vmem>>
        %dma_wait3A_1743 = tpu.memref_squeeze %dma_wait3A_1742 : memref<1x256xf32, #tpu.memory_space<vmem>> -> memref<256xf32, #tpu.memory_space<vmem>>
        %dma_wait3A_1744 = arith.constant 0 : i32
        %dma_wait3A_1745 = tpu.memref_slice %arg2[%dma_wait3A_1744] : memref<67108864xf32, #tpu.memory_space<hbm>> -> memref<256xf32, #tpu.memory_space<hbm>>
        tpu.wait_dma2 semaphore(%arg8 : memref<!tpu.dma_semaphore, #tpu.memory_space<semaphore_mem>>) src(%dma_wait3A_1745 : memref<256xf32, #tpu.memory_space<hbm>>) dst(%dma_wait3A_1743 : memref<256xf32, #tpu.memory_space<vmem>>)
        %sub3A_1746 = arith.constant 5 : i32
        %sub3A_1747 = arith.subi %scan3A_1054, %sub3A_1746 : i32
        %mul3A_1748 = arith.constant 16 : i32
        %mul3A_1749 = arith.muli %sub3A_1747, %mul3A_1748 : i32
        %add3A_1750 = arith.constant 14 : i32
        %add3A_1751 = arith.addi %mul3A_1749, %add3A_1750 : i32
        %dma_wait3A_1752 = arith.constant 0 : i32
        %dma_wait3A_1753 = tpu.memref_slice %arg7[%add3A_1751, %dma_wait3A_1752] : memref<128x256xf32, #tpu.memory_space<vmem>> -> memref<1x256xf32, #tpu.memory_space<vmem>>
        %dma_wait3A_1754 = tpu.memref_squeeze %dma_wait3A_1753 : memref<1x256xf32, #tpu.memory_space<vmem>> -> memref<256xf32, #tpu.memory_space<vmem>>
        %dma_wait3A_1755 = arith.constant 0 : i32
        %dma_wait3A_1756 = tpu.memref_slice %arg2[%dma_wait3A_1755] : memref<67108864xf32, #tpu.memory_space<hbm>> -> memref<256xf32, #tpu.memory_space<hbm>>
        %dma_wait3A_1757 = arith.constant 0 : i32
        %dma_wait3A_1758 = tpu.memref_slice %arg7[%add3A_1751, %dma_wait3A_1757] : memref<128x256xf32, #tpu.memory_space<vmem>> -> memref<1x256xf32, #tpu.memory_space<vmem>>
        %dma_wait3A_1759 = tpu.memref_squeeze %dma_wait3A_1758 : memref<1x256xf32, #tpu.memory_space<vmem>> -> memref<256xf32, #tpu.memory_space<vmem>>
        %dma_wait3A_1760 = arith.constant 0 : i32
        %dma_wait3A_1761 = tpu.memref_slice %arg2[%dma_wait3A_1760] : memref<67108864xf32, #tpu.memory_space<hbm>> -> memref<256xf32, #tpu.memory_space<hbm>>
        tpu.wait_dma2 semaphore(%arg8 : memref<!tpu.dma_semaphore, #tpu.memory_space<semaphore_mem>>) src(%dma_wait3A_1761 : memref<256xf32, #tpu.memory_space<hbm>>) dst(%dma_wait3A_1759 : memref<256xf32, #tpu.memory_space<vmem>>)
        %sub3A_1762 = arith.constant 5 : i32
        %sub3A_1763 = arith.subi %scan3A_1054, %sub3A_1762 : i32
        %mul3A_1764 = arith.constant 16 : i32
        %mul3A_1765 = arith.muli %sub3A_1763, %mul3A_1764 : i32
        %add3A_1766 = arith.constant 15 : i32
        %add3A_1767 = arith.addi %mul3A_1765, %add3A_1766 : i32
        %dma_wait3A_1768 = arith.constant 0 : i32
        %dma_wait3A_1769 = tpu.memref_slice %arg7[%add3A_1767, %dma_wait3A_1768] : memref<128x256xf32, #tpu.memory_space<vmem>> -> memref<1x256xf32, #tpu.memory_space<vmem>>
        %dma_wait3A_1770 = tpu.memref_squeeze %dma_wait3A_1769 : memref<1x256xf32, #tpu.memory_space<vmem>> -> memref<256xf32, #tpu.memory_space<vmem>>
        %dma_wait3A_1771 = arith.constant 0 : i32
        %dma_wait3A_1772 = tpu.memref_slice %arg2[%dma_wait3A_1771] : memref<67108864xf32, #tpu.memory_space<hbm>> -> memref<256xf32, #tpu.memory_space<hbm>>
        %dma_wait3A_1773 = arith.constant 0 : i32
        %dma_wait3A_1774 = tpu.memref_slice %arg7[%add3A_1767, %dma_wait3A_1773] : memref<128x256xf32, #tpu.memory_space<vmem>> -> memref<1x256xf32, #tpu.memory_space<vmem>>
        %dma_wait3A_1775 = tpu.memref_squeeze %dma_wait3A_1774 : memref<1x256xf32, #tpu.memory_space<vmem>> -> memref<256xf32, #tpu.memory_space<vmem>>
        %dma_wait3A_1776 = arith.constant 0 : i32
        %dma_wait3A_1777 = tpu.memref_slice %arg2[%dma_wait3A_1776] : memref<67108864xf32, #tpu.memory_space<hbm>> -> memref<256xf32, #tpu.memory_space<hbm>>
        tpu.wait_dma2 semaphore(%arg8 : memref<!tpu.dma_semaphore, #tpu.memory_space<semaphore_mem>>) src(%dma_wait3A_1777 : memref<256xf32, #tpu.memory_space<hbm>>) dst(%dma_wait3A_1775 : memref<256xf32, #tpu.memory_space<vmem>>)
        %sub3A_1778 = arith.constant 5 : i32
        %sub3A_1779 = arith.subi %scan3A_1054, %sub3A_1778 : i32
        %mul3A_1780 = arith.constant 16 : i32
        %mul3A_1781 = arith.muli %sub3A_1779, %mul3A_1780 : i32
        %mul3A_1782 = arith.constant 128 : i32
        %mul3A_1783 = arith.muli %add3A, %mul3A_1782 : i32
        %mul3A_1784 = arith.constant 16 : i32
        %mul3A_1785 = arith.muli %sub3A_1779, %mul3A_1784 : i32
        %add3A_1786 = arith.addi %mul3A_1783, %mul3A_1785 : i32
        %dma_start3A_1787 = arith.constant 0 : i32
        %dma_start3A_1788 = tpu.memref_slice %arg7[%mul3A_1781, %dma_start3A_1787] : memref<128x256xf32, #tpu.memory_space<vmem>> -> memref<16x256xf32, #tpu.memory_space<vmem>>
        %dma_start3A_1789 = arith.constant 0 : i32
        %dma_start3A_1790 = tpu.memref_slice %arg4[%add3A_1786, %dma_start3A_1789] : memref<4096x256xf32, #tpu.memory_space<hbm>> -> memref<16x256xf32, #tpu.memory_space<hbm>>
        %dma_start3A_1791 = arith.constant 0 : i32
        %dma_start3A_1792 = tpu.memref_slice %arg4[%add3A_1786, %dma_start3A_1791] : memref<4096x256xf32, #tpu.memory_space<hbm>> -> memref<16x256xf32, #tpu.memory_space<hbm>>
        %dma_start3A_1793 = arith.constant 0 : i32
        %dma_start3A_1794 = tpu.memref_slice %arg7[%mul3A_1781, %dma_start3A_1793] : memref<128x256xf32, #tpu.memory_space<vmem>> -> memref<16x256xf32, #tpu.memory_space<vmem>>
        tpu.enqueue_dma source(%dma_start3A_1794 : memref<16x256xf32, #tpu.memory_space<vmem>>) target(%dma_start3A_1792 : memref<16x256xf32, #tpu.memory_space<hbm>>) target_semaphore(%arg9 : memref<!tpu.dma_semaphore, #tpu.memory_space<semaphore_mem>>)
      } else {
      }
    }
    %scan3A_9 = arith.constant 8 : i32
    %dma_wait3A = arith.constant 48 : i32
    %dma_wait3A_10 = arith.constant 0 : i32
    %dma_wait3A_11 = tpu.memref_slice %arg7[%dma_wait3A, %dma_wait3A_10] : memref<128x256xf32, #tpu.memory_space<vmem>> -> memref<1x256xf32, #tpu.memory_space<vmem>>
    %dma_wait3A_12 = tpu.memref_squeeze %dma_wait3A_11 : memref<1x256xf32, #tpu.memory_space<vmem>> -> memref<256xf32, #tpu.memory_space<vmem>>
    %dma_wait3A_13 = arith.constant 0 : i32
    %dma_wait3A_14 = tpu.memref_slice %arg2[%dma_wait3A_13] : memref<67108864xf32, #tpu.memory_space<hbm>> -> memref<256xf32, #tpu.memory_space<hbm>>
    %dma_wait3A_15 = arith.constant 0 : i32
    %dma_wait3A_16 = tpu.memref_slice %arg7[%dma_wait3A, %dma_wait3A_15] : memref<128x256xf32, #tpu.memory_space<vmem>> -> memref<1x256xf32, #tpu.memory_space<vmem>>
    %dma_wait3A_17 = tpu.memref_squeeze %dma_wait3A_16 : memref<1x256xf32, #tpu.memory_space<vmem>> -> memref<256xf32, #tpu.memory_space<vmem>>
    %dma_wait3A_18 = arith.constant 0 : i32
    %dma_wait3A_19 = tpu.memref_slice %arg2[%dma_wait3A_18] : memref<67108864xf32, #tpu.memory_space<hbm>> -> memref<256xf32, #tpu.memory_space<hbm>>
    tpu.wait_dma2 semaphore(%arg8 : memref<!tpu.dma_semaphore, #tpu.memory_space<semaphore_mem>>) src(%dma_wait3A_19 : memref<256xf32, #tpu.memory_space<hbm>>) dst(%dma_wait3A_17 : memref<256xf32, #tpu.memory_space<vmem>>)
    %dma_wait3A_20 = arith.constant 49 : i32
    %dma_wait3A_21 = arith.constant 0 : i32
    %dma_wait3A_22 = tpu.memref_slice %arg7[%dma_wait3A_20, %dma_wait3A_21] : memref<128x256xf32, #tpu.memory_space<vmem>> -> memref<1x256xf32, #tpu.memory_space<vmem>>
    %dma_wait3A_23 = tpu.memref_squeeze %dma_wait3A_22 : memref<1x256xf32, #tpu.memory_space<vmem>> -> memref<256xf32, #tpu.memory_space<vmem>>
    %dma_wait3A_24 = arith.constant 0 : i32
    %dma_wait3A_25 = tpu.memref_slice %arg2[%dma_wait3A_24] : memref<67108864xf32, #tpu.memory_space<hbm>> -> memref<256xf32, #tpu.memory_space<hbm>>
    %dma_wait3A_26 = arith.constant 0 : i32
    %dma_wait3A_27 = tpu.memref_slice %arg7[%dma_wait3A_20, %dma_wait3A_26] : memref<128x256xf32, #tpu.memory_space<vmem>> -> memref<1x256xf32, #tpu.memory_space<vmem>>
    %dma_wait3A_28 = tpu.memref_squeeze %dma_wait3A_27 : memref<1x256xf32, #tpu.memory_space<vmem>> -> memref<256xf32, #tpu.memory_space<vmem>>
    %dma_wait3A_29 = arith.constant 0 : i32
    %dma_wait3A_30 = tpu.memref_slice %arg2[%dma_wait3A_29] : memref<67108864xf32, #tpu.memory_space<hbm>> -> memref<256xf32, #tpu.memory_space<hbm>>
    tpu.wait_dma2 semaphore(%arg8 : memref<!tpu.dma_semaphore, #tpu.memory_space<semaphore_mem>>) src(%dma_wait3A_30 : memref<256xf32, #tpu.memory_space<hbm>>) dst(%dma_wait3A_28 : memref<256xf32, #tpu.memory_space<vmem>>)
    %dma_wait3A_31 = arith.constant 50 : i32
    %dma_wait3A_32 = arith.constant 0 : i32
    %dma_wait3A_33 = tpu.memref_slice %arg7[%dma_wait3A_31, %dma_wait3A_32] : memref<128x256xf32, #tpu.memory_space<vmem>> -> memref<1x256xf32, #tpu.memory_space<vmem>>
    %dma_wait3A_34 = tpu.memref_squeeze %dma_wait3A_33 : memref<1x256xf32, #tpu.memory_space<vmem>> -> memref<256xf32, #tpu.memory_space<vmem>>
    %dma_wait3A_35 = arith.constant 0 : i32
    %dma_wait3A_36 = tpu.memref_slice %arg2[%dma_wait3A_35] : memref<67108864xf32, #tpu.memory_space<hbm>> -> memref<256xf32, #tpu.memory_space<hbm>>
    %dma_wait3A_37 = arith.constant 0 : i32
    %dma_wait3A_38 = tpu.memref_slice %arg7[%dma_wait3A_31, %dma_wait3A_37] : memref<128x256xf32, #tpu.memory_space<vmem>> -> memref<1x256xf32, #tpu.memory_space<vmem>>
    %dma_wait3A_39 = tpu.memref_squeeze %dma_wait3A_38 : memref<1x256xf32, #tpu.memory_space<vmem>> -> memref<256xf32, #tpu.memory_space<vmem>>
    %dma_wait3A_40 = arith.constant 0 : i32
    %dma_wait3A_41 = tpu.memref_slice %arg2[%dma_wait3A_40] : memref<67108864xf32, #tpu.memory_space<hbm>> -> memref<256xf32, #tpu.memory_space<hbm>>
    tpu.wait_dma2 semaphore(%arg8 : memref<!tpu.dma_semaphore, #tpu.memory_space<semaphore_mem>>) src(%dma_wait3A_41 : memref<256xf32, #tpu.memory_space<hbm>>) dst(%dma_wait3A_39 : memref<256xf32, #tpu.memory_space<vmem>>)
    %dma_wait3A_42 = arith.constant 51 : i32
    %dma_wait3A_43 = arith.constant 0 : i32
    %dma_wait3A_44 = tpu.memref_slice %arg7[%dma_wait3A_42, %dma_wait3A_43] : memref<128x256xf32, #tpu.memory_space<vmem>> -> memref<1x256xf32, #tpu.memory_space<vmem>>
    %dma_wait3A_45 = tpu.memref_squeeze %dma_wait3A_44 : memref<1x256xf32, #tpu.memory_space<vmem>> -> memref<256xf32, #tpu.memory_space<vmem>>
    %dma_wait3A_46 = arith.constant 0 : i32
    %dma_wait3A_47 = tpu.memref_slice %arg2[%dma_wait3A_46] : memref<67108864xf32, #tpu.memory_space<hbm>> -> memref<256xf32, #tpu.memory_space<hbm>>
    %dma_wait3A_48 = arith.constant 0 : i32
    %dma_wait3A_49 = tpu.memref_slice %arg7[%dma_wait3A_42, %dma_wait3A_48] : memref<128x256xf32, #tpu.memory_space<vmem>> -> memref<1x256xf32, #tpu.memory_space<vmem>>
    %dma_wait3A_50 = tpu.memref_squeeze %dma_wait3A_49 : memref<1x256xf32, #tpu.memory_space<vmem>> -> memref<256xf32, #tpu.memory_space<vmem>>
    %dma_wait3A_51 = arith.constant 0 : i32
    %dma_wait3A_52 = tpu.memref_slice %arg2[%dma_wait3A_51] : memref<67108864xf32, #tpu.memory_space<hbm>> -> memref<256xf32, #tpu.memory_space<hbm>>
    tpu.wait_dma2 semaphore(%arg8 : memref<!tpu.dma_semaphore, #tpu.memory_space<semaphore_mem>>) src(%dma_wait3A_52 : memref<256xf32, #tpu.memory_space<hbm>>) dst(%dma_wait3A_50 : memref<256xf32, #tpu.memory_space<vmem>>)
    %dma_wait3A_53 = arith.constant 52 : i32
    %dma_wait3A_54 = arith.constant 0 : i32
    %dma_wait3A_55 = tpu.memref_slice %arg7[%dma_wait3A_53, %dma_wait3A_54] : memref<128x256xf32, #tpu.memory_space<vmem>> -> memref<1x256xf32, #tpu.memory_space<vmem>>
    %dma_wait3A_56 = tpu.memref_squeeze %dma_wait3A_55 : memref<1x256xf32, #tpu.memory_space<vmem>> -> memref<256xf32, #tpu.memory_space<vmem>>
    %dma_wait3A_57 = arith.constant 0 : i32
    %dma_wait3A_58 = tpu.memref_slice %arg2[%dma_wait3A_57] : memref<67108864xf32, #tpu.memory_space<hbm>> -> memref<256xf32, #tpu.memory_space<hbm>>
    %dma_wait3A_59 = arith.constant 0 : i32
    %dma_wait3A_60 = tpu.memref_slice %arg7[%dma_wait3A_53, %dma_wait3A_59] : memref<128x256xf32, #tpu.memory_space<vmem>> -> memref<1x256xf32, #tpu.memory_space<vmem>>
    %dma_wait3A_61 = tpu.memref_squeeze %dma_wait3A_60 : memref<1x256xf32, #tpu.memory_space<vmem>> -> memref<256xf32, #tpu.memory_space<vmem>>
    %dma_wait3A_62 = arith.constant 0 : i32
    %dma_wait3A_63 = tpu.memref_slice %arg2[%dma_wait3A_62] : memref<67108864xf32, #tpu.memory_space<hbm>> -> memref<256xf32, #tpu.memory_space<hbm>>
    tpu.wait_dma2 semaphore(%arg8 : memref<!tpu.dma_semaphore, #tpu.memory_space<semaphore_mem>>) src(%dma_wait3A_63 : memref<256xf32, #tpu.memory_space<hbm>>) dst(%dma_wait3A_61 : memref<256xf32, #tpu.memory_space<vmem>>)
    %dma_wait3A_64 = arith.constant 53 : i32
    %dma_wait3A_65 = arith.constant 0 : i32
    %dma_wait3A_66 = tpu.memref_slice %arg7[%dma_wait3A_64, %dma_wait3A_65] : memref<128x256xf32, #tpu.memory_space<vmem>> -> memref<1x256xf32, #tpu.memory_space<vmem>>
    %dma_wait3A_67 = tpu.memref_squeeze %dma_wait3A_66 : memref<1x256xf32, #tpu.memory_space<vmem>> -> memref<256xf32, #tpu.memory_space<vmem>>
    %dma_wait3A_68 = arith.constant 0 : i32
    %dma_wait3A_69 = tpu.memref_slice %arg2[%dma_wait3A_68] : memref<67108864xf32, #tpu.memory_space<hbm>> -> memref<256xf32, #tpu.memory_space<hbm>>
    %dma_wait3A_70 = arith.constant 0 : i32
    %dma_wait3A_71 = tpu.memref_slice %arg7[%dma_wait3A_64, %dma_wait3A_70] : memref<128x256xf32, #tpu.memory_space<vmem>> -> memref<1x256xf32, #tpu.memory_space<vmem>>
    %dma_wait3A_72 = tpu.memref_squeeze %dma_wait3A_71 : memref<1x256xf32, #tpu.memory_space<vmem>> -> memref<256xf32, #tpu.memory_space<vmem>>
    %dma_wait3A_73 = arith.constant 0 : i32
    %dma_wait3A_74 = tpu.memref_slice %arg2[%dma_wait3A_73] : memref<67108864xf32, #tpu.memory_space<hbm>> -> memref<256xf32, #tpu.memory_space<hbm>>
    tpu.wait_dma2 semaphore(%arg8 : memref<!tpu.dma_semaphore, #tpu.memory_space<semaphore_mem>>) src(%dma_wait3A_74 : memref<256xf32, #tpu.memory_space<hbm>>) dst(%dma_wait3A_72 : memref<256xf32, #tpu.memory_space<vmem>>)
    %dma_wait3A_75 = arith.constant 54 : i32
    %dma_wait3A_76 = arith.constant 0 : i32
    %dma_wait3A_77 = tpu.memref_slice %arg7[%dma_wait3A_75, %dma_wait3A_76] : memref<128x256xf32, #tpu.memory_space<vmem>> -> memref<1x256xf32, #tpu.memory_space<vmem>>
    %dma_wait3A_78 = tpu.memref_squeeze %dma_wait3A_77 : memref<1x256xf32, #tpu.memory_space<vmem>> -> memref<256xf32, #tpu.memory_space<vmem>>
    %dma_wait3A_79 = arith.constant 0 : i32
    %dma_wait3A_80 = tpu.memref_slice %arg2[%dma_wait3A_79] : memref<67108864xf32, #tpu.memory_space<hbm>> -> memref<256xf32, #tpu.memory_space<hbm>>
    %dma_wait3A_81 = arith.constant 0 : i32
    %dma_wait3A_82 = tpu.memref_slice %arg7[%dma_wait3A_75, %dma_wait3A_81] : memref<128x256xf32, #tpu.memory_space<vmem>> -> memref<1x256xf32, #tpu.memory_space<vmem>>
    %dma_wait3A_83 = tpu.memref_squeeze %dma_wait3A_82 : memref<1x256xf32, #tpu.memory_space<vmem>> -> memref<256xf32, #tpu.memory_space<vmem>>
    %dma_wait3A_84 = arith.constant 0 : i32
    %dma_wait3A_85 = tpu.memref_slice %arg2[%dma_wait3A_84] : memref<67108864xf32, #tpu.memory_space<hbm>> -> memref<256xf32, #tpu.memory_space<hbm>>
    tpu.wait_dma2 semaphore(%arg8 : memref<!tpu.dma_semaphore, #tpu.memory_space<semaphore_mem>>) src(%dma_wait3A_85 : memref<256xf32, #tpu.memory_space<hbm>>) dst(%dma_wait3A_83 : memref<256xf32, #tpu.memory_space<vmem>>)
    %dma_wait3A_86 = arith.constant 55 : i32
    %dma_wait3A_87 = arith.constant 0 : i32
    %dma_wait3A_88 = tpu.memref_slice %arg7[%dma_wait3A_86, %dma_wait3A_87] : memref<128x256xf32, #tpu.memory_space<vmem>> -> memref<1x256xf32, #tpu.memory_space<vmem>>
    %dma_wait3A_89 = tpu.memref_squeeze %dma_wait3A_88 : memref<1x256xf32, #tpu.memory_space<vmem>> -> memref<256xf32, #tpu.memory_space<vmem>>
    %dma_wait3A_90 = arith.constant 0 : i32
    %dma_wait3A_91 = tpu.memref_slice %arg2[%dma_wait3A_90] : memref<67108864xf32, #tpu.memory_space<hbm>> -> memref<256xf32, #tpu.memory_space<hbm>>
    %dma_wait3A_92 = arith.constant 0 : i32
    %dma_wait3A_93 = tpu.memref_slice %arg7[%dma_wait3A_86, %dma_wait3A_92] : memref<128x256xf32, #tpu.memory_space<vmem>> -> memref<1x256xf32, #tpu.memory_space<vmem>>
    %dma_wait3A_94 = tpu.memref_squeeze %dma_wait3A_93 : memref<1x256xf32, #tpu.memory_space<vmem>> -> memref<256xf32, #tpu.memory_space<vmem>>
    %dma_wait3A_95 = arith.constant 0 : i32
    %dma_wait3A_96 = tpu.memref_slice %arg2[%dma_wait3A_95] : memref<67108864xf32, #tpu.memory_space<hbm>> -> memref<256xf32, #tpu.memory_space<hbm>>
    tpu.wait_dma2 semaphore(%arg8 : memref<!tpu.dma_semaphore, #tpu.memory_space<semaphore_mem>>) src(%dma_wait3A_96 : memref<256xf32, #tpu.memory_space<hbm>>) dst(%dma_wait3A_94 : memref<256xf32, #tpu.memory_space<vmem>>)
    %dma_wait3A_97 = arith.constant 56 : i32
    %dma_wait3A_98 = arith.constant 0 : i32
    %dma_wait3A_99 = tpu.memref_slice %arg7[%dma_wait3A_97, %dma_wait3A_98] : memref<128x256xf32, #tpu.memory_space<vmem>> -> memref<1x256xf32, #tpu.memory_space<vmem>>
    %dma_wait3A_100 = tpu.memref_squeeze %dma_wait3A_99 : memref<1x256xf32, #tpu.memory_space<vmem>> -> memref<256xf32, #tpu.memory_space<vmem>>
    %dma_wait3A_101 = arith.constant 0 : i32
    %dma_wait3A_102 = tpu.memref_slice %arg2[%dma_wait3A_101] : memref<67108864xf32, #tpu.memory_space<hbm>> -> memref<256xf32, #tpu.memory_space<hbm>>
    %dma_wait3A_103 = arith.constant 0 : i32
    %dma_wait3A_104 = tpu.memref_slice %arg7[%dma_wait3A_97, %dma_wait3A_103] : memref<128x256xf32, #tpu.memory_space<vmem>> -> memref<1x256xf32, #tpu.memory_space<vmem>>
    %dma_wait3A_105 = tpu.memref_squeeze %dma_wait3A_104 : memref<1x256xf32, #tpu.memory_space<vmem>> -> memref<256xf32, #tpu.memory_space<vmem>>
    %dma_wait3A_106 = arith.constant 0 : i32
    %dma_wait3A_107 = tpu.memref_slice %arg2[%dma_wait3A_106] : memref<67108864xf32, #tpu.memory_space<hbm>> -> memref<256xf32, #tpu.memory_space<hbm>>
    tpu.wait_dma2 semaphore(%arg8 : memref<!tpu.dma_semaphore, #tpu.memory_space<semaphore_mem>>) src(%dma_wait3A_107 : memref<256xf32, #tpu.memory_space<hbm>>) dst(%dma_wait3A_105 : memref<256xf32, #tpu.memory_space<vmem>>)
    %dma_wait3A_108 = arith.constant 57 : i32
    %dma_wait3A_109 = arith.constant 0 : i32
    %dma_wait3A_110 = tpu.memref_slice %arg7[%dma_wait3A_108, %dma_wait3A_109] : memref<128x256xf32, #tpu.memory_space<vmem>> -> memref<1x256xf32, #tpu.memory_space<vmem>>
    %dma_wait3A_111 = tpu.memref_squeeze %dma_wait3A_110 : memref<1x256xf32, #tpu.memory_space<vmem>> -> memref<256xf32, #tpu.memory_space<vmem>>
    %dma_wait3A_112 = arith.constant 0 : i32
    %dma_wait3A_113 = tpu.memref_slice %arg2[%dma_wait3A_112] : memref<67108864xf32, #tpu.memory_space<hbm>> -> memref<256xf32, #tpu.memory_space<hbm>>
    %dma_wait3A_114 = arith.constant 0 : i32
    %dma_wait3A_115 = tpu.memref_slice %arg7[%dma_wait3A_108, %dma_wait3A_114] : memref<128x256xf32, #tpu.memory_space<vmem>> -> memref<1x256xf32, #tpu.memory_space<vmem>>
    %dma_wait3A_116 = tpu.memref_squeeze %dma_wait3A_115 : memref<1x256xf32, #tpu.memory_space<vmem>> -> memref<256xf32, #tpu.memory_space<vmem>>
    %dma_wait3A_117 = arith.constant 0 : i32
    %dma_wait3A_118 = tpu.memref_slice %arg2[%dma_wait3A_117] : memref<67108864xf32, #tpu.memory_space<hbm>> -> memref<256xf32, #tpu.memory_space<hbm>>
    tpu.wait_dma2 semaphore(%arg8 : memref<!tpu.dma_semaphore, #tpu.memory_space<semaphore_mem>>) src(%dma_wait3A_118 : memref<256xf32, #tpu.memory_space<hbm>>) dst(%dma_wait3A_116 : memref<256xf32, #tpu.memory_space<vmem>>)
    %dma_wait3A_119 = arith.constant 58 : i32
    %dma_wait3A_120 = arith.constant 0 : i32
    %dma_wait3A_121 = tpu.memref_slice %arg7[%dma_wait3A_119, %dma_wait3A_120] : memref<128x256xf32, #tpu.memory_space<vmem>> -> memref<1x256xf32, #tpu.memory_space<vmem>>
    %dma_wait3A_122 = tpu.memref_squeeze %dma_wait3A_121 : memref<1x256xf32, #tpu.memory_space<vmem>> -> memref<256xf32, #tpu.memory_space<vmem>>
    %dma_wait3A_123 = arith.constant 0 : i32
    %dma_wait3A_124 = tpu.memref_slice %arg2[%dma_wait3A_123] : memref<67108864xf32, #tpu.memory_space<hbm>> -> memref<256xf32, #tpu.memory_space<hbm>>
    %dma_wait3A_125 = arith.constant 0 : i32
    %dma_wait3A_126 = tpu.memref_slice %arg7[%dma_wait3A_119, %dma_wait3A_125] : memref<128x256xf32, #tpu.memory_space<vmem>> -> memref<1x256xf32, #tpu.memory_space<vmem>>
    %dma_wait3A_127 = tpu.memref_squeeze %dma_wait3A_126 : memref<1x256xf32, #tpu.memory_space<vmem>> -> memref<256xf32, #tpu.memory_space<vmem>>
    %dma_wait3A_128 = arith.constant 0 : i32
    %dma_wait3A_129 = tpu.memref_slice %arg2[%dma_wait3A_128] : memref<67108864xf32, #tpu.memory_space<hbm>> -> memref<256xf32, #tpu.memory_space<hbm>>
    tpu.wait_dma2 semaphore(%arg8 : memref<!tpu.dma_semaphore, #tpu.memory_space<semaphore_mem>>) src(%dma_wait3A_129 : memref<256xf32, #tpu.memory_space<hbm>>) dst(%dma_wait3A_127 : memref<256xf32, #tpu.memory_space<vmem>>)
    %dma_wait3A_130 = arith.constant 59 : i32
    %dma_wait3A_131 = arith.constant 0 : i32
    %dma_wait3A_132 = tpu.memref_slice %arg7[%dma_wait3A_130, %dma_wait3A_131] : memref<128x256xf32, #tpu.memory_space<vmem>> -> memref<1x256xf32, #tpu.memory_space<vmem>>
    %dma_wait3A_133 = tpu.memref_squeeze %dma_wait3A_132 : memref<1x256xf32, #tpu.memory_space<vmem>> -> memref<256xf32, #tpu.memory_space<vmem>>
    %dma_wait3A_134 = arith.constant 0 : i32
    %dma_wait3A_135 = tpu.memref_slice %arg2[%dma_wait3A_134] : memref<67108864xf32, #tpu.memory_space<hbm>> -> memref<256xf32, #tpu.memory_space<hbm>>
    %dma_wait3A_136 = arith.constant 0 : i32
    %dma_wait3A_137 = tpu.memref_slice %arg7[%dma_wait3A_130, %dma_wait3A_136] : memref<128x256xf32, #tpu.memory_space<vmem>> -> memref<1x256xf32, #tpu.memory_space<vmem>>
    %dma_wait3A_138 = tpu.memref_squeeze %dma_wait3A_137 : memref<1x256xf32, #tpu.memory_space<vmem>> -> memref<256xf32, #tpu.memory_space<vmem>>
    %dma_wait3A_139 = arith.constant 0 : i32
    %dma_wait3A_140 = tpu.memref_slice %arg2[%dma_wait3A_139] : memref<67108864xf32, #tpu.memory_space<hbm>> -> memref<256xf32, #tpu.memory_space<hbm>>
    tpu.wait_dma2 semaphore(%arg8 : memref<!tpu.dma_semaphore, #tpu.memory_space<semaphore_mem>>) src(%dma_wait3A_140 : memref<256xf32, #tpu.memory_space<hbm>>) dst(%dma_wait3A_138 : memref<256xf32, #tpu.memory_space<vmem>>)
    %dma_wait3A_141 = arith.constant 60 : i32
    %dma_wait3A_142 = arith.constant 0 : i32
    %dma_wait3A_143 = tpu.memref_slice %arg7[%dma_wait3A_141, %dma_wait3A_142] : memref<128x256xf32, #tpu.memory_space<vmem>> -> memref<1x256xf32, #tpu.memory_space<vmem>>
    %dma_wait3A_144 = tpu.memref_squeeze %dma_wait3A_143 : memref<1x256xf32, #tpu.memory_space<vmem>> -> memref<256xf32, #tpu.memory_space<vmem>>
    %dma_wait3A_145 = arith.constant 0 : i32
    %dma_wait3A_146 = tpu.memref_slice %arg2[%dma_wait3A_145] : memref<67108864xf32, #tpu.memory_space<hbm>> -> memref<256xf32, #tpu.memory_space<hbm>>
    %dma_wait3A_147 = arith.constant 0 : i32
    %dma_wait3A_148 = tpu.memref_slice %arg7[%dma_wait3A_141, %dma_wait3A_147] : memref<128x256xf32, #tpu.memory_space<vmem>> -> memref<1x256xf32, #tpu.memory_space<vmem>>
    %dma_wait3A_149 = tpu.memref_squeeze %dma_wait3A_148 : memref<1x256xf32, #tpu.memory_space<vmem>> -> memref<256xf32, #tpu.memory_space<vmem>>
    %dma_wait3A_150 = arith.constant 0 : i32
    %dma_wait3A_151 = tpu.memref_slice %arg2[%dma_wait3A_150] : memref<67108864xf32, #tpu.memory_space<hbm>> -> memref<256xf32, #tpu.memory_space<hbm>>
    tpu.wait_dma2 semaphore(%arg8 : memref<!tpu.dma_semaphore, #tpu.memory_space<semaphore_mem>>) src(%dma_wait3A_151 : memref<256xf32, #tpu.memory_space<hbm>>) dst(%dma_wait3A_149 : memref<256xf32, #tpu.memory_space<vmem>>)
    %dma_wait3A_152 = arith.constant 61 : i32
    %dma_wait3A_153 = arith.constant 0 : i32
    %dma_wait3A_154 = tpu.memref_slice %arg7[%dma_wait3A_152, %dma_wait3A_153] : memref<128x256xf32, #tpu.memory_space<vmem>> -> memref<1x256xf32, #tpu.memory_space<vmem>>
    %dma_wait3A_155 = tpu.memref_squeeze %dma_wait3A_154 : memref<1x256xf32, #tpu.memory_space<vmem>> -> memref<256xf32, #tpu.memory_space<vmem>>
    %dma_wait3A_156 = arith.constant 0 : i32
    %dma_wait3A_157 = tpu.memref_slice %arg2[%dma_wait3A_156] : memref<67108864xf32, #tpu.memory_space<hbm>> -> memref<256xf32, #tpu.memory_space<hbm>>
    %dma_wait3A_158 = arith.constant 0 : i32
    %dma_wait3A_159 = tpu.memref_slice %arg7[%dma_wait3A_152, %dma_wait3A_158] : memref<128x256xf32, #tpu.memory_space<vmem>> -> memref<1x256xf32, #tpu.memory_space<vmem>>
    %dma_wait3A_160 = tpu.memref_squeeze %dma_wait3A_159 : memref<1x256xf32, #tpu.memory_space<vmem>> -> memref<256xf32, #tpu.memory_space<vmem>>
    %dma_wait3A_161 = arith.constant 0 : i32
    %dma_wait3A_162 = tpu.memref_slice %arg2[%dma_wait3A_161] : memref<67108864xf32, #tpu.memory_space<hbm>> -> memref<256xf32, #tpu.memory_space<hbm>>
    tpu.wait_dma2 semaphore(%arg8 : memref<!tpu.dma_semaphore, #tpu.memory_space<semaphore_mem>>) src(%dma_wait3A_162 : memref<256xf32, #tpu.memory_space<hbm>>) dst(%dma_wait3A_160 : memref<256xf32, #tpu.memory_space<vmem>>)
    %dma_wait3A_163 = arith.constant 62 : i32
    %dma_wait3A_164 = arith.constant 0 : i32
    %dma_wait3A_165 = tpu.memref_slice %arg7[%dma_wait3A_163, %dma_wait3A_164] : memref<128x256xf32, #tpu.memory_space<vmem>> -> memref<1x256xf32, #tpu.memory_space<vmem>>
    %dma_wait3A_166 = tpu.memref_squeeze %dma_wait3A_165 : memref<1x256xf32, #tpu.memory_space<vmem>> -> memref<256xf32, #tpu.memory_space<vmem>>
    %dma_wait3A_167 = arith.constant 0 : i32
    %dma_wait3A_168 = tpu.memref_slice %arg2[%dma_wait3A_167] : memref<67108864xf32, #tpu.memory_space<hbm>> -> memref<256xf32, #tpu.memory_space<hbm>>
    %dma_wait3A_169 = arith.constant 0 : i32
    %dma_wait3A_170 = tpu.memref_slice %arg7[%dma_wait3A_163, %dma_wait3A_169] : memref<128x256xf32, #tpu.memory_space<vmem>> -> memref<1x256xf32, #tpu.memory_space<vmem>>
    %dma_wait3A_171 = tpu.memref_squeeze %dma_wait3A_170 : memref<1x256xf32, #tpu.memory_space<vmem>> -> memref<256xf32, #tpu.memory_space<vmem>>
    %dma_wait3A_172 = arith.constant 0 : i32
    %dma_wait3A_173 = tpu.memref_slice %arg2[%dma_wait3A_172] : memref<67108864xf32, #tpu.memory_space<hbm>> -> memref<256xf32, #tpu.memory_space<hbm>>
    tpu.wait_dma2 semaphore(%arg8 : memref<!tpu.dma_semaphore, #tpu.memory_space<semaphore_mem>>) src(%dma_wait3A_173 : memref<256xf32, #tpu.memory_space<hbm>>) dst(%dma_wait3A_171 : memref<256xf32, #tpu.memory_space<vmem>>)
    %dma_wait3A_174 = arith.constant 63 : i32
    %dma_wait3A_175 = arith.constant 0 : i32
    %dma_wait3A_176 = tpu.memref_slice %arg7[%dma_wait3A_174, %dma_wait3A_175] : memref<128x256xf32, #tpu.memory_space<vmem>> -> memref<1x256xf32, #tpu.memory_space<vmem>>
    %dma_wait3A_177 = tpu.memref_squeeze %dma_wait3A_176 : memref<1x256xf32, #tpu.memory_space<vmem>> -> memref<256xf32, #tpu.memory_space<vmem>>
    %dma_wait3A_178 = arith.constant 0 : i32
    %dma_wait3A_179 = tpu.memref_slice %arg2[%dma_wait3A_178] : memref<67108864xf32, #tpu.memory_space<hbm>> -> memref<256xf32, #tpu.memory_space<hbm>>
    %dma_wait3A_180 = arith.constant 0 : i32
    %dma_wait3A_181 = tpu.memref_slice %arg7[%dma_wait3A_174, %dma_wait3A_180] : memref<128x256xf32, #tpu.memory_space<vmem>> -> memref<1x256xf32, #tpu.memory_space<vmem>>
    %dma_wait3A_182 = tpu.memref_squeeze %dma_wait3A_181 : memref<1x256xf32, #tpu.memory_space<vmem>> -> memref<256xf32, #tpu.memory_space<vmem>>
    %dma_wait3A_183 = arith.constant 0 : i32
    %dma_wait3A_184 = tpu.memref_slice %arg2[%dma_wait3A_183] : memref<67108864xf32, #tpu.memory_space<hbm>> -> memref<256xf32, #tpu.memory_space<hbm>>
    tpu.wait_dma2 semaphore(%arg8 : memref<!tpu.dma_semaphore, #tpu.memory_space<semaphore_mem>>) src(%dma_wait3A_184 : memref<256xf32, #tpu.memory_space<hbm>>) dst(%dma_wait3A_182 : memref<256xf32, #tpu.memory_space<vmem>>)
    %dma_wait3A_185 = arith.constant 64 : i32
    %dma_wait3A_186 = arith.constant 0 : i32
    %dma_wait3A_187 = tpu.memref_slice %arg7[%dma_wait3A_185, %dma_wait3A_186] : memref<128x256xf32, #tpu.memory_space<vmem>> -> memref<1x256xf32, #tpu.memory_space<vmem>>
    %dma_wait3A_188 = tpu.memref_squeeze %dma_wait3A_187 : memref<1x256xf32, #tpu.memory_space<vmem>> -> memref<256xf32, #tpu.memory_space<vmem>>
    %dma_wait3A_189 = arith.constant 0 : i32
    %dma_wait3A_190 = tpu.memref_slice %arg2[%dma_wait3A_189] : memref<67108864xf32, #tpu.memory_space<hbm>> -> memref<256xf32, #tpu.memory_space<hbm>>
    %dma_wait3A_191 = arith.constant 0 : i32
    %dma_wait3A_192 = tpu.memref_slice %arg7[%dma_wait3A_185, %dma_wait3A_191] : memref<128x256xf32, #tpu.memory_space<vmem>> -> memref<1x256xf32, #tpu.memory_space<vmem>>
    %dma_wait3A_193 = tpu.memref_squeeze %dma_wait3A_192 : memref<1x256xf32, #tpu.memory_space<vmem>> -> memref<256xf32, #tpu.memory_space<vmem>>
    %dma_wait3A_194 = arith.constant 0 : i32
    %dma_wait3A_195 = tpu.memref_slice %arg2[%dma_wait3A_194] : memref<67108864xf32, #tpu.memory_space<hbm>> -> memref<256xf32, #tpu.memory_space<hbm>>
    tpu.wait_dma2 semaphore(%arg8 : memref<!tpu.dma_semaphore, #tpu.memory_space<semaphore_mem>>) src(%dma_wait3A_195 : memref<256xf32, #tpu.memory_space<hbm>>) dst(%dma_wait3A_193 : memref<256xf32, #tpu.memory_space<vmem>>)
    %dma_wait3A_196 = arith.constant 65 : i32
    %dma_wait3A_197 = arith.constant 0 : i32
    %dma_wait3A_198 = tpu.memref_slice %arg7[%dma_wait3A_196, %dma_wait3A_197] : memref<128x256xf32, #tpu.memory_space<vmem>> -> memref<1x256xf32, #tpu.memory_space<vmem>>
    %dma_wait3A_199 = tpu.memref_squeeze %dma_wait3A_198 : memref<1x256xf32, #tpu.memory_space<vmem>> -> memref<256xf32, #tpu.memory_space<vmem>>
    %dma_wait3A_200 = arith.constant 0 : i32
    %dma_wait3A_201 = tpu.memref_slice %arg2[%dma_wait3A_200] : memref<67108864xf32, #tpu.memory_space<hbm>> -> memref<256xf32, #tpu.memory_space<hbm>>
    %dma_wait3A_202 = arith.constant 0 : i32
    %dma_wait3A_203 = tpu.memref_slice %arg7[%dma_wait3A_196, %dma_wait3A_202] : memref<128x256xf32, #tpu.memory_space<vmem>> -> memref<1x256xf32, #tpu.memory_space<vmem>>
    %dma_wait3A_204 = tpu.memref_squeeze %dma_wait3A_203 : memref<1x256xf32, #tpu.memory_space<vmem>> -> memref<256xf32, #tpu.memory_space<vmem>>
    %dma_wait3A_205 = arith.constant 0 : i32
    %dma_wait3A_206 = tpu.memref_slice %arg2[%dma_wait3A_205] : memref<67108864xf32, #tpu.memory_space<hbm>> -> memref<256xf32, #tpu.memory_space<hbm>>
    tpu.wait_dma2 semaphore(%arg8 : memref<!tpu.dma_semaphore, #tpu.memory_space<semaphore_mem>>) src(%dma_wait3A_206 : memref<256xf32, #tpu.memory_space<hbm>>) dst(%dma_wait3A_204 : memref<256xf32, #tpu.memory_space<vmem>>)
    %dma_wait3A_207 = arith.constant 66 : i32
    %dma_wait3A_208 = arith.constant 0 : i32
    %dma_wait3A_209 = tpu.memref_slice %arg7[%dma_wait3A_207, %dma_wait3A_208] : memref<128x256xf32, #tpu.memory_space<vmem>> -> memref<1x256xf32, #tpu.memory_space<vmem>>
    %dma_wait3A_210 = tpu.memref_squeeze %dma_wait3A_209 : memref<1x256xf32, #tpu.memory_space<vmem>> -> memref<256xf32, #tpu.memory_space<vmem>>
    %dma_wait3A_211 = arith.constant 0 : i32
    %dma_wait3A_212 = tpu.memref_slice %arg2[%dma_wait3A_211] : memref<67108864xf32, #tpu.memory_space<hbm>> -> memref<256xf32, #tpu.memory_space<hbm>>
    %dma_wait3A_213 = arith.constant 0 : i32
    %dma_wait3A_214 = tpu.memref_slice %arg7[%dma_wait3A_207, %dma_wait3A_213] : memref<128x256xf32, #tpu.memory_space<vmem>> -> memref<1x256xf32, #tpu.memory_space<vmem>>
    %dma_wait3A_215 = tpu.memref_squeeze %dma_wait3A_214 : memref<1x256xf32, #tpu.memory_space<vmem>> -> memref<256xf32, #tpu.memory_space<vmem>>
    %dma_wait3A_216 = arith.constant 0 : i32
    %dma_wait3A_217 = tpu.memref_slice %arg2[%dma_wait3A_216] : memref<67108864xf32, #tpu.memory_space<hbm>> -> memref<256xf32, #tpu.memory_space<hbm>>
    tpu.wait_dma2 semaphore(%arg8 : memref<!tpu.dma_semaphore, #tpu.memory_space<semaphore_mem>>) src(%dma_wait3A_217 : memref<256xf32, #tpu.memory_space<hbm>>) dst(%dma_wait3A_215 : memref<256xf32, #tpu.memory_space<vmem>>)
    %dma_wait3A_218 = arith.constant 67 : i32
    %dma_wait3A_219 = arith.constant 0 : i32
    %dma_wait3A_220 = tpu.memref_slice %arg7[%dma_wait3A_218, %dma_wait3A_219] : memref<128x256xf32, #tpu.memory_space<vmem>> -> memref<1x256xf32, #tpu.memory_space<vmem>>
    %dma_wait3A_221 = tpu.memref_squeeze %dma_wait3A_220 : memref<1x256xf32, #tpu.memory_space<vmem>> -> memref<256xf32, #tpu.memory_space<vmem>>
    %dma_wait3A_222 = arith.constant 0 : i32
    %dma_wait3A_223 = tpu.memref_slice %arg2[%dma_wait3A_222] : memref<67108864xf32, #tpu.memory_space<hbm>> -> memref<256xf32, #tpu.memory_space<hbm>>
    %dma_wait3A_224 = arith.constant 0 : i32
    %dma_wait3A_225 = tpu.memref_slice %arg7[%dma_wait3A_218, %dma_wait3A_224] : memref<128x256xf32, #tpu.memory_space<vmem>> -> memref<1x256xf32, #tpu.memory_space<vmem>>
    %dma_wait3A_226 = tpu.memref_squeeze %dma_wait3A_225 : memref<1x256xf32, #tpu.memory_space<vmem>> -> memref<256xf32, #tpu.memory_space<vmem>>
    %dma_wait3A_227 = arith.constant 0 : i32
    %dma_wait3A_228 = tpu.memref_slice %arg2[%dma_wait3A_227] : memref<67108864xf32, #tpu.memory_space<hbm>> -> memref<256xf32, #tpu.memory_space<hbm>>
    tpu.wait_dma2 semaphore(%arg8 : memref<!tpu.dma_semaphore, #tpu.memory_space<semaphore_mem>>) src(%dma_wait3A_228 : memref<256xf32, #tpu.memory_space<hbm>>) dst(%dma_wait3A_226 : memref<256xf32, #tpu.memory_space<vmem>>)
    %dma_wait3A_229 = arith.constant 68 : i32
    %dma_wait3A_230 = arith.constant 0 : i32
    %dma_wait3A_231 = tpu.memref_slice %arg7[%dma_wait3A_229, %dma_wait3A_230] : memref<128x256xf32, #tpu.memory_space<vmem>> -> memref<1x256xf32, #tpu.memory_space<vmem>>
    %dma_wait3A_232 = tpu.memref_squeeze %dma_wait3A_231 : memref<1x256xf32, #tpu.memory_space<vmem>> -> memref<256xf32, #tpu.memory_space<vmem>>
    %dma_wait3A_233 = arith.constant 0 : i32
    %dma_wait3A_234 = tpu.memref_slice %arg2[%dma_wait3A_233] : memref<67108864xf32, #tpu.memory_space<hbm>> -> memref<256xf32, #tpu.memory_space<hbm>>
    %dma_wait3A_235 = arith.constant 0 : i32
    %dma_wait3A_236 = tpu.memref_slice %arg7[%dma_wait3A_229, %dma_wait3A_235] : memref<128x256xf32, #tpu.memory_space<vmem>> -> memref<1x256xf32, #tpu.memory_space<vmem>>
    %dma_wait3A_237 = tpu.memref_squeeze %dma_wait3A_236 : memref<1x256xf32, #tpu.memory_space<vmem>> -> memref<256xf32, #tpu.memory_space<vmem>>
    %dma_wait3A_238 = arith.constant 0 : i32
    %dma_wait3A_239 = tpu.memref_slice %arg2[%dma_wait3A_238] : memref<67108864xf32, #tpu.memory_space<hbm>> -> memref<256xf32, #tpu.memory_space<hbm>>
    tpu.wait_dma2 semaphore(%arg8 : memref<!tpu.dma_semaphore, #tpu.memory_space<semaphore_mem>>) src(%dma_wait3A_239 : memref<256xf32, #tpu.memory_space<hbm>>) dst(%dma_wait3A_237 : memref<256xf32, #tpu.memory_space<vmem>>)
    %dma_wait3A_240 = arith.constant 69 : i32
    %dma_wait3A_241 = arith.constant 0 : i32
    %dma_wait3A_242 = tpu.memref_slice %arg7[%dma_wait3A_240, %dma_wait3A_241] : memref<128x256xf32, #tpu.memory_space<vmem>> -> memref<1x256xf32, #tpu.memory_space<vmem>>
    %dma_wait3A_243 = tpu.memref_squeeze %dma_wait3A_242 : memref<1x256xf32, #tpu.memory_space<vmem>> -> memref<256xf32, #tpu.memory_space<vmem>>
    %dma_wait3A_244 = arith.constant 0 : i32
    %dma_wait3A_245 = tpu.memref_slice %arg2[%dma_wait3A_244] : memref<67108864xf32, #tpu.memory_space<hbm>> -> memref<256xf32, #tpu.memory_space<hbm>>
    %dma_wait3A_246 = arith.constant 0 : i32
    %dma_wait3A_247 = tpu.memref_slice %arg7[%dma_wait3A_240, %dma_wait3A_246] : memref<128x256xf32, #tpu.memory_space<vmem>> -> memref<1x256xf32, #tpu.memory_space<vmem>>
    %dma_wait3A_248 = tpu.memref_squeeze %dma_wait3A_247 : memref<1x256xf32, #tpu.memory_space<vmem>> -> memref<256xf32, #tpu.memory_space<vmem>>
    %dma_wait3A_249 = arith.constant 0 : i32
    %dma_wait3A_250 = tpu.memref_slice %arg2[%dma_wait3A_249] : memref<67108864xf32, #tpu.memory_space<hbm>> -> memref<256xf32, #tpu.memory_space<hbm>>
    tpu.wait_dma2 semaphore(%arg8 : memref<!tpu.dma_semaphore, #tpu.memory_space<semaphore_mem>>) src(%dma_wait3A_250 : memref<256xf32, #tpu.memory_space<hbm>>) dst(%dma_wait3A_248 : memref<256xf32, #tpu.memory_space<vmem>>)
    %dma_wait3A_251 = arith.constant 70 : i32
    %dma_wait3A_252 = arith.constant 0 : i32
    %dma_wait3A_253 = tpu.memref_slice %arg7[%dma_wait3A_251, %dma_wait3A_252] : memref<128x256xf32, #tpu.memory_space<vmem>> -> memref<1x256xf32, #tpu.memory_space<vmem>>
    %dma_wait3A_254 = tpu.memref_squeeze %dma_wait3A_253 : memref<1x256xf32, #tpu.memory_space<vmem>> -> memref<256xf32, #tpu.memory_space<vmem>>
    %dma_wait3A_255 = arith.constant 0 : i32
    %dma_wait3A_256 = tpu.memref_slice %arg2[%dma_wait3A_255] : memref<67108864xf32, #tpu.memory_space<hbm>> -> memref<256xf32, #tpu.memory_space<hbm>>
    %dma_wait3A_257 = arith.constant 0 : i32
    %dma_wait3A_258 = tpu.memref_slice %arg7[%dma_wait3A_251, %dma_wait3A_257] : memref<128x256xf32, #tpu.memory_space<vmem>> -> memref<1x256xf32, #tpu.memory_space<vmem>>
    %dma_wait3A_259 = tpu.memref_squeeze %dma_wait3A_258 : memref<1x256xf32, #tpu.memory_space<vmem>> -> memref<256xf32, #tpu.memory_space<vmem>>
    %dma_wait3A_260 = arith.constant 0 : i32
    %dma_wait3A_261 = tpu.memref_slice %arg2[%dma_wait3A_260] : memref<67108864xf32, #tpu.memory_space<hbm>> -> memref<256xf32, #tpu.memory_space<hbm>>
    tpu.wait_dma2 semaphore(%arg8 : memref<!tpu.dma_semaphore, #tpu.memory_space<semaphore_mem>>) src(%dma_wait3A_261 : memref<256xf32, #tpu.memory_space<hbm>>) dst(%dma_wait3A_259 : memref<256xf32, #tpu.memory_space<vmem>>)
    %dma_wait3A_262 = arith.constant 71 : i32
    %dma_wait3A_263 = arith.constant 0 : i32
    %dma_wait3A_264 = tpu.memref_slice %arg7[%dma_wait3A_262, %dma_wait3A_263] : memref<128x256xf32, #tpu.memory_space<vmem>> -> memref<1x256xf32, #tpu.memory_space<vmem>>
    %dma_wait3A_265 = tpu.memref_squeeze %dma_wait3A_264 : memref<1x256xf32, #tpu.memory_space<vmem>> -> memref<256xf32, #tpu.memory_space<vmem>>
    %dma_wait3A_266 = arith.constant 0 : i32
    %dma_wait3A_267 = tpu.memref_slice %arg2[%dma_wait3A_266] : memref<67108864xf32, #tpu.memory_space<hbm>> -> memref<256xf32, #tpu.memory_space<hbm>>
    %dma_wait3A_268 = arith.constant 0 : i32
    %dma_wait3A_269 = tpu.memref_slice %arg7[%dma_wait3A_262, %dma_wait3A_268] : memref<128x256xf32, #tpu.memory_space<vmem>> -> memref<1x256xf32, #tpu.memory_space<vmem>>
    %dma_wait3A_270 = tpu.memref_squeeze %dma_wait3A_269 : memref<1x256xf32, #tpu.memory_space<vmem>> -> memref<256xf32, #tpu.memory_space<vmem>>
    %dma_wait3A_271 = arith.constant 0 : i32
    %dma_wait3A_272 = tpu.memref_slice %arg2[%dma_wait3A_271] : memref<67108864xf32, #tpu.memory_space<hbm>> -> memref<256xf32, #tpu.memory_space<hbm>>
    tpu.wait_dma2 semaphore(%arg8 : memref<!tpu.dma_semaphore, #tpu.memory_space<semaphore_mem>>) src(%dma_wait3A_272 : memref<256xf32, #tpu.memory_space<hbm>>) dst(%dma_wait3A_270 : memref<256xf32, #tpu.memory_space<vmem>>)
    %dma_wait3A_273 = arith.constant 72 : i32
    %dma_wait3A_274 = arith.constant 0 : i32
    %dma_wait3A_275 = tpu.memref_slice %arg7[%dma_wait3A_273, %dma_wait3A_274] : memref<128x256xf32, #tpu.memory_space<vmem>> -> memref<1x256xf32, #tpu.memory_space<vmem>>
    %dma_wait3A_276 = tpu.memref_squeeze %dma_wait3A_275 : memref<1x256xf32, #tpu.memory_space<vmem>> -> memref<256xf32, #tpu.memory_space<vmem>>
    %dma_wait3A_277 = arith.constant 0 : i32
    %dma_wait3A_278 = tpu.memref_slice %arg2[%dma_wait3A_277] : memref<67108864xf32, #tpu.memory_space<hbm>> -> memref<256xf32, #tpu.memory_space<hbm>>
    %dma_wait3A_279 = arith.constant 0 : i32
    %dma_wait3A_280 = tpu.memref_slice %arg7[%dma_wait3A_273, %dma_wait3A_279] : memref<128x256xf32, #tpu.memory_space<vmem>> -> memref<1x256xf32, #tpu.memory_space<vmem>>
    %dma_wait3A_281 = tpu.memref_squeeze %dma_wait3A_280 : memref<1x256xf32, #tpu.memory_space<vmem>> -> memref<256xf32, #tpu.memory_space<vmem>>
    %dma_wait3A_282 = arith.constant 0 : i32
    %dma_wait3A_283 = tpu.memref_slice %arg2[%dma_wait3A_282] : memref<67108864xf32, #tpu.memory_space<hbm>> -> memref<256xf32, #tpu.memory_space<hbm>>
    tpu.wait_dma2 semaphore(%arg8 : memref<!tpu.dma_semaphore, #tpu.memory_space<semaphore_mem>>) src(%dma_wait3A_283 : memref<256xf32, #tpu.memory_space<hbm>>) dst(%dma_wait3A_281 : memref<256xf32, #tpu.memory_space<vmem>>)
    %dma_wait3A_284 = arith.constant 73 : i32
    %dma_wait3A_285 = arith.constant 0 : i32
    %dma_wait3A_286 = tpu.memref_slice %arg7[%dma_wait3A_284, %dma_wait3A_285] : memref<128x256xf32, #tpu.memory_space<vmem>> -> memref<1x256xf32, #tpu.memory_space<vmem>>
    %dma_wait3A_287 = tpu.memref_squeeze %dma_wait3A_286 : memref<1x256xf32, #tpu.memory_space<vmem>> -> memref<256xf32, #tpu.memory_space<vmem>>
    %dma_wait3A_288 = arith.constant 0 : i32
    %dma_wait3A_289 = tpu.memref_slice %arg2[%dma_wait3A_288] : memref<67108864xf32, #tpu.memory_space<hbm>> -> memref<256xf32, #tpu.memory_space<hbm>>
    %dma_wait3A_290 = arith.constant 0 : i32
    %dma_wait3A_291 = tpu.memref_slice %arg7[%dma_wait3A_284, %dma_wait3A_290] : memref<128x256xf32, #tpu.memory_space<vmem>> -> memref<1x256xf32, #tpu.memory_space<vmem>>
    %dma_wait3A_292 = tpu.memref_squeeze %dma_wait3A_291 : memref<1x256xf32, #tpu.memory_space<vmem>> -> memref<256xf32, #tpu.memory_space<vmem>>
    %dma_wait3A_293 = arith.constant 0 : i32
    %dma_wait3A_294 = tpu.memref_slice %arg2[%dma_wait3A_293] : memref<67108864xf32, #tpu.memory_space<hbm>> -> memref<256xf32, #tpu.memory_space<hbm>>
    tpu.wait_dma2 semaphore(%arg8 : memref<!tpu.dma_semaphore, #tpu.memory_space<semaphore_mem>>) src(%dma_wait3A_294 : memref<256xf32, #tpu.memory_space<hbm>>) dst(%dma_wait3A_292 : memref<256xf32, #tpu.memory_space<vmem>>)
    %dma_wait3A_295 = arith.constant 74 : i32
    %dma_wait3A_296 = arith.constant 0 : i32
    %dma_wait3A_297 = tpu.memref_slice %arg7[%dma_wait3A_295, %dma_wait3A_296] : memref<128x256xf32, #tpu.memory_space<vmem>> -> memref<1x256xf32, #tpu.memory_space<vmem>>
    %dma_wait3A_298 = tpu.memref_squeeze %dma_wait3A_297 : memref<1x256xf32, #tpu.memory_space<vmem>> -> memref<256xf32, #tpu.memory_space<vmem>>
    %dma_wait3A_299 = arith.constant 0 : i32
    %dma_wait3A_300 = tpu.memref_slice %arg2[%dma_wait3A_299] : memref<67108864xf32, #tpu.memory_space<hbm>> -> memref<256xf32, #tpu.memory_space<hbm>>
    %dma_wait3A_301 = arith.constant 0 : i32
    %dma_wait3A_302 = tpu.memref_slice %arg7[%dma_wait3A_295, %dma_wait3A_301] : memref<128x256xf32, #tpu.memory_space<vmem>> -> memref<1x256xf32, #tpu.memory_space<vmem>>
    %dma_wait3A_303 = tpu.memref_squeeze %dma_wait3A_302 : memref<1x256xf32, #tpu.memory_space<vmem>> -> memref<256xf32, #tpu.memory_space<vmem>>
    %dma_wait3A_304 = arith.constant 0 : i32
    %dma_wait3A_305 = tpu.memref_slice %arg2[%dma_wait3A_304] : memref<67108864xf32, #tpu.memory_space<hbm>> -> memref<256xf32, #tpu.memory_space<hbm>>
    tpu.wait_dma2 semaphore(%arg8 : memref<!tpu.dma_semaphore, #tpu.memory_space<semaphore_mem>>) src(%dma_wait3A_305 : memref<256xf32, #tpu.memory_space<hbm>>) dst(%dma_wait3A_303 : memref<256xf32, #tpu.memory_space<vmem>>)
    %dma_wait3A_306 = arith.constant 75 : i32
    %dma_wait3A_307 = arith.constant 0 : i32
    %dma_wait3A_308 = tpu.memref_slice %arg7[%dma_wait3A_306, %dma_wait3A_307] : memref<128x256xf32, #tpu.memory_space<vmem>> -> memref<1x256xf32, #tpu.memory_space<vmem>>
    %dma_wait3A_309 = tpu.memref_squeeze %dma_wait3A_308 : memref<1x256xf32, #tpu.memory_space<vmem>> -> memref<256xf32, #tpu.memory_space<vmem>>
    %dma_wait3A_310 = arith.constant 0 : i32
    %dma_wait3A_311 = tpu.memref_slice %arg2[%dma_wait3A_310] : memref<67108864xf32, #tpu.memory_space<hbm>> -> memref<256xf32, #tpu.memory_space<hbm>>
    %dma_wait3A_312 = arith.constant 0 : i32
    %dma_wait3A_313 = tpu.memref_slice %arg7[%dma_wait3A_306, %dma_wait3A_312] : memref<128x256xf32, #tpu.memory_space<vmem>> -> memref<1x256xf32, #tpu.memory_space<vmem>>
    %dma_wait3A_314 = tpu.memref_squeeze %dma_wait3A_313 : memref<1x256xf32, #tpu.memory_space<vmem>> -> memref<256xf32, #tpu.memory_space<vmem>>
    %dma_wait3A_315 = arith.constant 0 : i32
    %dma_wait3A_316 = tpu.memref_slice %arg2[%dma_wait3A_315] : memref<67108864xf32, #tpu.memory_space<hbm>> -> memref<256xf32, #tpu.memory_space<hbm>>
    tpu.wait_dma2 semaphore(%arg8 : memref<!tpu.dma_semaphore, #tpu.memory_space<semaphore_mem>>) src(%dma_wait3A_316 : memref<256xf32, #tpu.memory_space<hbm>>) dst(%dma_wait3A_314 : memref<256xf32, #tpu.memory_space<vmem>>)
    %dma_wait3A_317 = arith.constant 76 : i32
    %dma_wait3A_318 = arith.constant 0 : i32
    %dma_wait3A_319 = tpu.memref_slice %arg7[%dma_wait3A_317, %dma_wait3A_318] : memref<128x256xf32, #tpu.memory_space<vmem>> -> memref<1x256xf32, #tpu.memory_space<vmem>>
    %dma_wait3A_320 = tpu.memref_squeeze %dma_wait3A_319 : memref<1x256xf32, #tpu.memory_space<vmem>> -> memref<256xf32, #tpu.memory_space<vmem>>
    %dma_wait3A_321 = arith.constant 0 : i32
    %dma_wait3A_322 = tpu.memref_slice %arg2[%dma_wait3A_321] : memref<67108864xf32, #tpu.memory_space<hbm>> -> memref<256xf32, #tpu.memory_space<hbm>>
    %dma_wait3A_323 = arith.constant 0 : i32
    %dma_wait3A_324 = tpu.memref_slice %arg7[%dma_wait3A_317, %dma_wait3A_323] : memref<128x256xf32, #tpu.memory_space<vmem>> -> memref<1x256xf32, #tpu.memory_space<vmem>>
    %dma_wait3A_325 = tpu.memref_squeeze %dma_wait3A_324 : memref<1x256xf32, #tpu.memory_space<vmem>> -> memref<256xf32, #tpu.memory_space<vmem>>
    %dma_wait3A_326 = arith.constant 0 : i32
    %dma_wait3A_327 = tpu.memref_slice %arg2[%dma_wait3A_326] : memref<67108864xf32, #tpu.memory_space<hbm>> -> memref<256xf32, #tpu.memory_space<hbm>>
    tpu.wait_dma2 semaphore(%arg8 : memref<!tpu.dma_semaphore, #tpu.memory_space<semaphore_mem>>) src(%dma_wait3A_327 : memref<256xf32, #tpu.memory_space<hbm>>) dst(%dma_wait3A_325 : memref<256xf32, #tpu.memory_space<vmem>>)
    %dma_wait3A_328 = arith.constant 77 : i32
    %dma_wait3A_329 = arith.constant 0 : i32
    %dma_wait3A_330 = tpu.memref_slice %arg7[%dma_wait3A_328, %dma_wait3A_329] : memref<128x256xf32, #tpu.memory_space<vmem>> -> memref<1x256xf32, #tpu.memory_space<vmem>>
    %dma_wait3A_331 = tpu.memref_squeeze %dma_wait3A_330 : memref<1x256xf32, #tpu.memory_space<vmem>> -> memref<256xf32, #tpu.memory_space<vmem>>
    %dma_wait3A_332 = arith.constant 0 : i32
    %dma_wait3A_333 = tpu.memref_slice %arg2[%dma_wait3A_332] : memref<67108864xf32, #tpu.memory_space<hbm>> -> memref<256xf32, #tpu.memory_space<hbm>>
    %dma_wait3A_334 = arith.constant 0 : i32
    %dma_wait3A_335 = tpu.memref_slice %arg7[%dma_wait3A_328, %dma_wait3A_334] : memref<128x256xf32, #tpu.memory_space<vmem>> -> memref<1x256xf32, #tpu.memory_space<vmem>>
    %dma_wait3A_336 = tpu.memref_squeeze %dma_wait3A_335 : memref<1x256xf32, #tpu.memory_space<vmem>> -> memref<256xf32, #tpu.memory_space<vmem>>
    %dma_wait3A_337 = arith.constant 0 : i32
    %dma_wait3A_338 = tpu.memref_slice %arg2[%dma_wait3A_337] : memref<67108864xf32, #tpu.memory_space<hbm>> -> memref<256xf32, #tpu.memory_space<hbm>>
    tpu.wait_dma2 semaphore(%arg8 : memref<!tpu.dma_semaphore, #tpu.memory_space<semaphore_mem>>) src(%dma_wait3A_338 : memref<256xf32, #tpu.memory_space<hbm>>) dst(%dma_wait3A_336 : memref<256xf32, #tpu.memory_space<vmem>>)
    %dma_wait3A_339 = arith.constant 78 : i32
    %dma_wait3A_340 = arith.constant 0 : i32
    %dma_wait3A_341 = tpu.memref_slice %arg7[%dma_wait3A_339, %dma_wait3A_340] : memref<128x256xf32, #tpu.memory_space<vmem>> -> memref<1x256xf32, #tpu.memory_space<vmem>>
    %dma_wait3A_342 = tpu.memref_squeeze %dma_wait3A_341 : memref<1x256xf32, #tpu.memory_space<vmem>> -> memref<256xf32, #tpu.memory_space<vmem>>
    %dma_wait3A_343 = arith.constant 0 : i32
    %dma_wait3A_344 = tpu.memref_slice %arg2[%dma_wait3A_343] : memref<67108864xf32, #tpu.memory_space<hbm>> -> memref<256xf32, #tpu.memory_space<hbm>>
    %dma_wait3A_345 = arith.constant 0 : i32
    %dma_wait3A_346 = tpu.memref_slice %arg7[%dma_wait3A_339, %dma_wait3A_345] : memref<128x256xf32, #tpu.memory_space<vmem>> -> memref<1x256xf32, #tpu.memory_space<vmem>>
    %dma_wait3A_347 = tpu.memref_squeeze %dma_wait3A_346 : memref<1x256xf32, #tpu.memory_space<vmem>> -> memref<256xf32, #tpu.memory_space<vmem>>
    %dma_wait3A_348 = arith.constant 0 : i32
    %dma_wait3A_349 = tpu.memref_slice %arg2[%dma_wait3A_348] : memref<67108864xf32, #tpu.memory_space<hbm>> -> memref<256xf32, #tpu.memory_space<hbm>>
    tpu.wait_dma2 semaphore(%arg8 : memref<!tpu.dma_semaphore, #tpu.memory_space<semaphore_mem>>) src(%dma_wait3A_349 : memref<256xf32, #tpu.memory_space<hbm>>) dst(%dma_wait3A_347 : memref<256xf32, #tpu.memory_space<vmem>>)
    %dma_wait3A_350 = arith.constant 79 : i32
    %dma_wait3A_351 = arith.constant 0 : i32
    %dma_wait3A_352 = tpu.memref_slice %arg7[%dma_wait3A_350, %dma_wait3A_351] : memref<128x256xf32, #tpu.memory_space<vmem>> -> memref<1x256xf32, #tpu.memory_space<vmem>>
    %dma_wait3A_353 = tpu.memref_squeeze %dma_wait3A_352 : memref<1x256xf32, #tpu.memory_space<vmem>> -> memref<256xf32, #tpu.memory_space<vmem>>
    %dma_wait3A_354 = arith.constant 0 : i32
    %dma_wait3A_355 = tpu.memref_slice %arg2[%dma_wait3A_354] : memref<67108864xf32, #tpu.memory_space<hbm>> -> memref<256xf32, #tpu.memory_space<hbm>>
    %dma_wait3A_356 = arith.constant 0 : i32
    %dma_wait3A_357 = tpu.memref_slice %arg7[%dma_wait3A_350, %dma_wait3A_356] : memref<128x256xf32, #tpu.memory_space<vmem>> -> memref<1x256xf32, #tpu.memory_space<vmem>>
    %dma_wait3A_358 = tpu.memref_squeeze %dma_wait3A_357 : memref<1x256xf32, #tpu.memory_space<vmem>> -> memref<256xf32, #tpu.memory_space<vmem>>
    %dma_wait3A_359 = arith.constant 0 : i32
    %dma_wait3A_360 = tpu.memref_slice %arg2[%dma_wait3A_359] : memref<67108864xf32, #tpu.memory_space<hbm>> -> memref<256xf32, #tpu.memory_space<hbm>>
    tpu.wait_dma2 semaphore(%arg8 : memref<!tpu.dma_semaphore, #tpu.memory_space<semaphore_mem>>) src(%dma_wait3A_360 : memref<256xf32, #tpu.memory_space<hbm>>) dst(%dma_wait3A_358 : memref<256xf32, #tpu.memory_space<vmem>>)
    %dma_wait3A_361 = arith.constant 80 : i32
    %dma_wait3A_362 = arith.constant 0 : i32
    %dma_wait3A_363 = tpu.memref_slice %arg7[%dma_wait3A_361, %dma_wait3A_362] : memref<128x256xf32, #tpu.memory_space<vmem>> -> memref<1x256xf32, #tpu.memory_space<vmem>>
    %dma_wait3A_364 = tpu.memref_squeeze %dma_wait3A_363 : memref<1x256xf32, #tpu.memory_space<vmem>> -> memref<256xf32, #tpu.memory_space<vmem>>
    %dma_wait3A_365 = arith.constant 0 : i32
    %dma_wait3A_366 = tpu.memref_slice %arg2[%dma_wait3A_365] : memref<67108864xf32, #tpu.memory_space<hbm>> -> memref<256xf32, #tpu.memory_space<hbm>>
    %dma_wait3A_367 = arith.constant 0 : i32
    %dma_wait3A_368 = tpu.memref_slice %arg7[%dma_wait3A_361, %dma_wait3A_367] : memref<128x256xf32, #tpu.memory_space<vmem>> -> memref<1x256xf32, #tpu.memory_space<vmem>>
    %dma_wait3A_369 = tpu.memref_squeeze %dma_wait3A_368 : memref<1x256xf32, #tpu.memory_space<vmem>> -> memref<256xf32, #tpu.memory_space<vmem>>
    %dma_wait3A_370 = arith.constant 0 : i32
    %dma_wait3A_371 = tpu.memref_slice %arg2[%dma_wait3A_370] : memref<67108864xf32, #tpu.memory_space<hbm>> -> memref<256xf32, #tpu.memory_space<hbm>>
    tpu.wait_dma2 semaphore(%arg8 : memref<!tpu.dma_semaphore, #tpu.memory_space<semaphore_mem>>) src(%dma_wait3A_371 : memref<256xf32, #tpu.memory_space<hbm>>) dst(%dma_wait3A_369 : memref<256xf32, #tpu.memory_space<vmem>>)
    %dma_wait3A_372 = arith.constant 81 : i32
    %dma_wait3A_373 = arith.constant 0 : i32
    %dma_wait3A_374 = tpu.memref_slice %arg7[%dma_wait3A_372, %dma_wait3A_373] : memref<128x256xf32, #tpu.memory_space<vmem>> -> memref<1x256xf32, #tpu.memory_space<vmem>>
    %dma_wait3A_375 = tpu.memref_squeeze %dma_wait3A_374 : memref<1x256xf32, #tpu.memory_space<vmem>> -> memref<256xf32, #tpu.memory_space<vmem>>
    %dma_wait3A_376 = arith.constant 0 : i32
    %dma_wait3A_377 = tpu.memref_slice %arg2[%dma_wait3A_376] : memref<67108864xf32, #tpu.memory_space<hbm>> -> memref<256xf32, #tpu.memory_space<hbm>>
    %dma_wait3A_378 = arith.constant 0 : i32
    %dma_wait3A_379 = tpu.memref_slice %arg7[%dma_wait3A_372, %dma_wait3A_378] : memref<128x256xf32, #tpu.memory_space<vmem>> -> memref<1x256xf32, #tpu.memory_space<vmem>>
    %dma_wait3A_380 = tpu.memref_squeeze %dma_wait3A_379 : memref<1x256xf32, #tpu.memory_space<vmem>> -> memref<256xf32, #tpu.memory_space<vmem>>
    %dma_wait3A_381 = arith.constant 0 : i32
    %dma_wait3A_382 = tpu.memref_slice %arg2[%dma_wait3A_381] : memref<67108864xf32, #tpu.memory_space<hbm>> -> memref<256xf32, #tpu.memory_space<hbm>>
    tpu.wait_dma2 semaphore(%arg8 : memref<!tpu.dma_semaphore, #tpu.memory_space<semaphore_mem>>) src(%dma_wait3A_382 : memref<256xf32, #tpu.memory_space<hbm>>) dst(%dma_wait3A_380 : memref<256xf32, #tpu.memory_space<vmem>>)
    %dma_wait3A_383 = arith.constant 82 : i32
    %dma_wait3A_384 = arith.constant 0 : i32
    %dma_wait3A_385 = tpu.memref_slice %arg7[%dma_wait3A_383, %dma_wait3A_384] : memref<128x256xf32, #tpu.memory_space<vmem>> -> memref<1x256xf32, #tpu.memory_space<vmem>>
    %dma_wait3A_386 = tpu.memref_squeeze %dma_wait3A_385 : memref<1x256xf32, #tpu.memory_space<vmem>> -> memref<256xf32, #tpu.memory_space<vmem>>
    %dma_wait3A_387 = arith.constant 0 : i32
    %dma_wait3A_388 = tpu.memref_slice %arg2[%dma_wait3A_387] : memref<67108864xf32, #tpu.memory_space<hbm>> -> memref<256xf32, #tpu.memory_space<hbm>>
    %dma_wait3A_389 = arith.constant 0 : i32
    %dma_wait3A_390 = tpu.memref_slice %arg7[%dma_wait3A_383, %dma_wait3A_389] : memref<128x256xf32, #tpu.memory_space<vmem>> -> memref<1x256xf32, #tpu.memory_space<vmem>>
    %dma_wait3A_391 = tpu.memref_squeeze %dma_wait3A_390 : memref<1x256xf32, #tpu.memory_space<vmem>> -> memref<256xf32, #tpu.memory_space<vmem>>
    %dma_wait3A_392 = arith.constant 0 : i32
    %dma_wait3A_393 = tpu.memref_slice %arg2[%dma_wait3A_392] : memref<67108864xf32, #tpu.memory_space<hbm>> -> memref<256xf32, #tpu.memory_space<hbm>>
    tpu.wait_dma2 semaphore(%arg8 : memref<!tpu.dma_semaphore, #tpu.memory_space<semaphore_mem>>) src(%dma_wait3A_393 : memref<256xf32, #tpu.memory_space<hbm>>) dst(%dma_wait3A_391 : memref<256xf32, #tpu.memory_space<vmem>>)
    %dma_wait3A_394 = arith.constant 83 : i32
    %dma_wait3A_395 = arith.constant 0 : i32
    %dma_wait3A_396 = tpu.memref_slice %arg7[%dma_wait3A_394, %dma_wait3A_395] : memref<128x256xf32, #tpu.memory_space<vmem>> -> memref<1x256xf32, #tpu.memory_space<vmem>>
    %dma_wait3A_397 = tpu.memref_squeeze %dma_wait3A_396 : memref<1x256xf32, #tpu.memory_space<vmem>> -> memref<256xf32, #tpu.memory_space<vmem>>
    %dma_wait3A_398 = arith.constant 0 : i32
    %dma_wait3A_399 = tpu.memref_slice %arg2[%dma_wait3A_398] : memref<67108864xf32, #tpu.memory_space<hbm>> -> memref<256xf32, #tpu.memory_space<hbm>>
    %dma_wait3A_400 = arith.constant 0 : i32
    %dma_wait3A_401 = tpu.memref_slice %arg7[%dma_wait3A_394, %dma_wait3A_400] : memref<128x256xf32, #tpu.memory_space<vmem>> -> memref<1x256xf32, #tpu.memory_space<vmem>>
    %dma_wait3A_402 = tpu.memref_squeeze %dma_wait3A_401 : memref<1x256xf32, #tpu.memory_space<vmem>> -> memref<256xf32, #tpu.memory_space<vmem>>
    %dma_wait3A_403 = arith.constant 0 : i32
    %dma_wait3A_404 = tpu.memref_slice %arg2[%dma_wait3A_403] : memref<67108864xf32, #tpu.memory_space<hbm>> -> memref<256xf32, #tpu.memory_space<hbm>>
    tpu.wait_dma2 semaphore(%arg8 : memref<!tpu.dma_semaphore, #tpu.memory_space<semaphore_mem>>) src(%dma_wait3A_404 : memref<256xf32, #tpu.memory_space<hbm>>) dst(%dma_wait3A_402 : memref<256xf32, #tpu.memory_space<vmem>>)
    %dma_wait3A_405 = arith.constant 84 : i32
    %dma_wait3A_406 = arith.constant 0 : i32
    %dma_wait3A_407 = tpu.memref_slice %arg7[%dma_wait3A_405, %dma_wait3A_406] : memref<128x256xf32, #tpu.memory_space<vmem>> -> memref<1x256xf32, #tpu.memory_space<vmem>>
    %dma_wait3A_408 = tpu.memref_squeeze %dma_wait3A_407 : memref<1x256xf32, #tpu.memory_space<vmem>> -> memref<256xf32, #tpu.memory_space<vmem>>
    %dma_wait3A_409 = arith.constant 0 : i32
    %dma_wait3A_410 = tpu.memref_slice %arg2[%dma_wait3A_409] : memref<67108864xf32, #tpu.memory_space<hbm>> -> memref<256xf32, #tpu.memory_space<hbm>>
    %dma_wait3A_411 = arith.constant 0 : i32
    %dma_wait3A_412 = tpu.memref_slice %arg7[%dma_wait3A_405, %dma_wait3A_411] : memref<128x256xf32, #tpu.memory_space<vmem>> -> memref<1x256xf32, #tpu.memory_space<vmem>>
    %dma_wait3A_413 = tpu.memref_squeeze %dma_wait3A_412 : memref<1x256xf32, #tpu.memory_space<vmem>> -> memref<256xf32, #tpu.memory_space<vmem>>
    %dma_wait3A_414 = arith.constant 0 : i32
    %dma_wait3A_415 = tpu.memref_slice %arg2[%dma_wait3A_414] : memref<67108864xf32, #tpu.memory_space<hbm>> -> memref<256xf32, #tpu.memory_space<hbm>>
    tpu.wait_dma2 semaphore(%arg8 : memref<!tpu.dma_semaphore, #tpu.memory_space<semaphore_mem>>) src(%dma_wait3A_415 : memref<256xf32, #tpu.memory_space<hbm>>) dst(%dma_wait3A_413 : memref<256xf32, #tpu.memory_space<vmem>>)
    %dma_wait3A_416 = arith.constant 85 : i32
    %dma_wait3A_417 = arith.constant 0 : i32
    %dma_wait3A_418 = tpu.memref_slice %arg7[%dma_wait3A_416, %dma_wait3A_417] : memref<128x256xf32, #tpu.memory_space<vmem>> -> memref<1x256xf32, #tpu.memory_space<vmem>>
    %dma_wait3A_419 = tpu.memref_squeeze %dma_wait3A_418 : memref<1x256xf32, #tpu.memory_space<vmem>> -> memref<256xf32, #tpu.memory_space<vmem>>
    %dma_wait3A_420 = arith.constant 0 : i32
    %dma_wait3A_421 = tpu.memref_slice %arg2[%dma_wait3A_420] : memref<67108864xf32, #tpu.memory_space<hbm>> -> memref<256xf32, #tpu.memory_space<hbm>>
    %dma_wait3A_422 = arith.constant 0 : i32
    %dma_wait3A_423 = tpu.memref_slice %arg7[%dma_wait3A_416, %dma_wait3A_422] : memref<128x256xf32, #tpu.memory_space<vmem>> -> memref<1x256xf32, #tpu.memory_space<vmem>>
    %dma_wait3A_424 = tpu.memref_squeeze %dma_wait3A_423 : memref<1x256xf32, #tpu.memory_space<vmem>> -> memref<256xf32, #tpu.memory_space<vmem>>
    %dma_wait3A_425 = arith.constant 0 : i32
    %dma_wait3A_426 = tpu.memref_slice %arg2[%dma_wait3A_425] : memref<67108864xf32, #tpu.memory_space<hbm>> -> memref<256xf32, #tpu.memory_space<hbm>>
    tpu.wait_dma2 semaphore(%arg8 : memref<!tpu.dma_semaphore, #tpu.memory_space<semaphore_mem>>) src(%dma_wait3A_426 : memref<256xf32, #tpu.memory_space<hbm>>) dst(%dma_wait3A_424 : memref<256xf32, #tpu.memory_space<vmem>>)
    %dma_wait3A_427 = arith.constant 86 : i32
    %dma_wait3A_428 = arith.constant 0 : i32
    %dma_wait3A_429 = tpu.memref_slice %arg7[%dma_wait3A_427, %dma_wait3A_428] : memref<128x256xf32, #tpu.memory_space<vmem>> -> memref<1x256xf32, #tpu.memory_space<vmem>>
    %dma_wait3A_430 = tpu.memref_squeeze %dma_wait3A_429 : memref<1x256xf32, #tpu.memory_space<vmem>> -> memref<256xf32, #tpu.memory_space<vmem>>
    %dma_wait3A_431 = arith.constant 0 : i32
    %dma_wait3A_432 = tpu.memref_slice %arg2[%dma_wait3A_431] : memref<67108864xf32, #tpu.memory_space<hbm>> -> memref<256xf32, #tpu.memory_space<hbm>>
    %dma_wait3A_433 = arith.constant 0 : i32
    %dma_wait3A_434 = tpu.memref_slice %arg7[%dma_wait3A_427, %dma_wait3A_433] : memref<128x256xf32, #tpu.memory_space<vmem>> -> memref<1x256xf32, #tpu.memory_space<vmem>>
    %dma_wait3A_435 = tpu.memref_squeeze %dma_wait3A_434 : memref<1x256xf32, #tpu.memory_space<vmem>> -> memref<256xf32, #tpu.memory_space<vmem>>
    %dma_wait3A_436 = arith.constant 0 : i32
    %dma_wait3A_437 = tpu.memref_slice %arg2[%dma_wait3A_436] : memref<67108864xf32, #tpu.memory_space<hbm>> -> memref<256xf32, #tpu.memory_space<hbm>>
    tpu.wait_dma2 semaphore(%arg8 : memref<!tpu.dma_semaphore, #tpu.memory_space<semaphore_mem>>) src(%dma_wait3A_437 : memref<256xf32, #tpu.memory_space<hbm>>) dst(%dma_wait3A_435 : memref<256xf32, #tpu.memory_space<vmem>>)
    %dma_wait3A_438 = arith.constant 87 : i32
    %dma_wait3A_439 = arith.constant 0 : i32
    %dma_wait3A_440 = tpu.memref_slice %arg7[%dma_wait3A_438, %dma_wait3A_439] : memref<128x256xf32, #tpu.memory_space<vmem>> -> memref<1x256xf32, #tpu.memory_space<vmem>>
    %dma_wait3A_441 = tpu.memref_squeeze %dma_wait3A_440 : memref<1x256xf32, #tpu.memory_space<vmem>> -> memref<256xf32, #tpu.memory_space<vmem>>
    %dma_wait3A_442 = arith.constant 0 : i32
    %dma_wait3A_443 = tpu.memref_slice %arg2[%dma_wait3A_442] : memref<67108864xf32, #tpu.memory_space<hbm>> -> memref<256xf32, #tpu.memory_space<hbm>>
    %dma_wait3A_444 = arith.constant 0 : i32
    %dma_wait3A_445 = tpu.memref_slice %arg7[%dma_wait3A_438, %dma_wait3A_444] : memref<128x256xf32, #tpu.memory_space<vmem>> -> memref<1x256xf32, #tpu.memory_space<vmem>>
    %dma_wait3A_446 = tpu.memref_squeeze %dma_wait3A_445 : memref<1x256xf32, #tpu.memory_space<vmem>> -> memref<256xf32, #tpu.memory_space<vmem>>
    %dma_wait3A_447 = arith.constant 0 : i32
    %dma_wait3A_448 = tpu.memref_slice %arg2[%dma_wait3A_447] : memref<67108864xf32, #tpu.memory_space<hbm>> -> memref<256xf32, #tpu.memory_space<hbm>>
    tpu.wait_dma2 semaphore(%arg8 : memref<!tpu.dma_semaphore, #tpu.memory_space<semaphore_mem>>) src(%dma_wait3A_448 : memref<256xf32, #tpu.memory_space<hbm>>) dst(%dma_wait3A_446 : memref<256xf32, #tpu.memory_space<vmem>>)
    %dma_wait3A_449 = arith.constant 88 : i32
    %dma_wait3A_450 = arith.constant 0 : i32
    %dma_wait3A_451 = tpu.memref_slice %arg7[%dma_wait3A_449, %dma_wait3A_450] : memref<128x256xf32, #tpu.memory_space<vmem>> -> memref<1x256xf32, #tpu.memory_space<vmem>>
    %dma_wait3A_452 = tpu.memref_squeeze %dma_wait3A_451 : memref<1x256xf32, #tpu.memory_space<vmem>> -> memref<256xf32, #tpu.memory_space<vmem>>
    %dma_wait3A_453 = arith.constant 0 : i32
    %dma_wait3A_454 = tpu.memref_slice %arg2[%dma_wait3A_453] : memref<67108864xf32, #tpu.memory_space<hbm>> -> memref<256xf32, #tpu.memory_space<hbm>>
    %dma_wait3A_455 = arith.constant 0 : i32
    %dma_wait3A_456 = tpu.memref_slice %arg7[%dma_wait3A_449, %dma_wait3A_455] : memref<128x256xf32, #tpu.memory_space<vmem>> -> memref<1x256xf32, #tpu.memory_space<vmem>>
    %dma_wait3A_457 = tpu.memref_squeeze %dma_wait3A_456 : memref<1x256xf32, #tpu.memory_space<vmem>> -> memref<256xf32, #tpu.memory_space<vmem>>
    %dma_wait3A_458 = arith.constant 0 : i32
    %dma_wait3A_459 = tpu.memref_slice %arg2[%dma_wait3A_458] : memref<67108864xf32, #tpu.memory_space<hbm>> -> memref<256xf32, #tpu.memory_space<hbm>>
    tpu.wait_dma2 semaphore(%arg8 : memref<!tpu.dma_semaphore, #tpu.memory_space<semaphore_mem>>) src(%dma_wait3A_459 : memref<256xf32, #tpu.memory_space<hbm>>) dst(%dma_wait3A_457 : memref<256xf32, #tpu.memory_space<vmem>>)
    %dma_wait3A_460 = arith.constant 89 : i32
    %dma_wait3A_461 = arith.constant 0 : i32
    %dma_wait3A_462 = tpu.memref_slice %arg7[%dma_wait3A_460, %dma_wait3A_461] : memref<128x256xf32, #tpu.memory_space<vmem>> -> memref<1x256xf32, #tpu.memory_space<vmem>>
    %dma_wait3A_463 = tpu.memref_squeeze %dma_wait3A_462 : memref<1x256xf32, #tpu.memory_space<vmem>> -> memref<256xf32, #tpu.memory_space<vmem>>
    %dma_wait3A_464 = arith.constant 0 : i32
    %dma_wait3A_465 = tpu.memref_slice %arg2[%dma_wait3A_464] : memref<67108864xf32, #tpu.memory_space<hbm>> -> memref<256xf32, #tpu.memory_space<hbm>>
    %dma_wait3A_466 = arith.constant 0 : i32
    %dma_wait3A_467 = tpu.memref_slice %arg7[%dma_wait3A_460, %dma_wait3A_466] : memref<128x256xf32, #tpu.memory_space<vmem>> -> memref<1x256xf32, #tpu.memory_space<vmem>>
    %dma_wait3A_468 = tpu.memref_squeeze %dma_wait3A_467 : memref<1x256xf32, #tpu.memory_space<vmem>> -> memref<256xf32, #tpu.memory_space<vmem>>
    %dma_wait3A_469 = arith.constant 0 : i32
    %dma_wait3A_470 = tpu.memref_slice %arg2[%dma_wait3A_469] : memref<67108864xf32, #tpu.memory_space<hbm>> -> memref<256xf32, #tpu.memory_space<hbm>>
    tpu.wait_dma2 semaphore(%arg8 : memref<!tpu.dma_semaphore, #tpu.memory_space<semaphore_mem>>) src(%dma_wait3A_470 : memref<256xf32, #tpu.memory_space<hbm>>) dst(%dma_wait3A_468 : memref<256xf32, #tpu.memory_space<vmem>>)
    %dma_wait3A_471 = arith.constant 90 : i32
    %dma_wait3A_472 = arith.constant 0 : i32
    %dma_wait3A_473 = tpu.memref_slice %arg7[%dma_wait3A_471, %dma_wait3A_472] : memref<128x256xf32, #tpu.memory_space<vmem>> -> memref<1x256xf32, #tpu.memory_space<vmem>>
    %dma_wait3A_474 = tpu.memref_squeeze %dma_wait3A_473 : memref<1x256xf32, #tpu.memory_space<vmem>> -> memref<256xf32, #tpu.memory_space<vmem>>
    %dma_wait3A_475 = arith.constant 0 : i32
    %dma_wait3A_476 = tpu.memref_slice %arg2[%dma_wait3A_475] : memref<67108864xf32, #tpu.memory_space<hbm>> -> memref<256xf32, #tpu.memory_space<hbm>>
    %dma_wait3A_477 = arith.constant 0 : i32
    %dma_wait3A_478 = tpu.memref_slice %arg7[%dma_wait3A_471, %dma_wait3A_477] : memref<128x256xf32, #tpu.memory_space<vmem>> -> memref<1x256xf32, #tpu.memory_space<vmem>>
    %dma_wait3A_479 = tpu.memref_squeeze %dma_wait3A_478 : memref<1x256xf32, #tpu.memory_space<vmem>> -> memref<256xf32, #tpu.memory_space<vmem>>
    %dma_wait3A_480 = arith.constant 0 : i32
    %dma_wait3A_481 = tpu.memref_slice %arg2[%dma_wait3A_480] : memref<67108864xf32, #tpu.memory_space<hbm>> -> memref<256xf32, #tpu.memory_space<hbm>>
    tpu.wait_dma2 semaphore(%arg8 : memref<!tpu.dma_semaphore, #tpu.memory_space<semaphore_mem>>) src(%dma_wait3A_481 : memref<256xf32, #tpu.memory_space<hbm>>) dst(%dma_wait3A_479 : memref<256xf32, #tpu.memory_space<vmem>>)
    %dma_wait3A_482 = arith.constant 91 : i32
    %dma_wait3A_483 = arith.constant 0 : i32
    %dma_wait3A_484 = tpu.memref_slice %arg7[%dma_wait3A_482, %dma_wait3A_483] : memref<128x256xf32, #tpu.memory_space<vmem>> -> memref<1x256xf32, #tpu.memory_space<vmem>>
    %dma_wait3A_485 = tpu.memref_squeeze %dma_wait3A_484 : memref<1x256xf32, #tpu.memory_space<vmem>> -> memref<256xf32, #tpu.memory_space<vmem>>
    %dma_wait3A_486 = arith.constant 0 : i32
    %dma_wait3A_487 = tpu.memref_slice %arg2[%dma_wait3A_486] : memref<67108864xf32, #tpu.memory_space<hbm>> -> memref<256xf32, #tpu.memory_space<hbm>>
    %dma_wait3A_488 = arith.constant 0 : i32
    %dma_wait3A_489 = tpu.memref_slice %arg7[%dma_wait3A_482, %dma_wait3A_488] : memref<128x256xf32, #tpu.memory_space<vmem>> -> memref<1x256xf32, #tpu.memory_space<vmem>>
    %dma_wait3A_490 = tpu.memref_squeeze %dma_wait3A_489 : memref<1x256xf32, #tpu.memory_space<vmem>> -> memref<256xf32, #tpu.memory_space<vmem>>
    %dma_wait3A_491 = arith.constant 0 : i32
    %dma_wait3A_492 = tpu.memref_slice %arg2[%dma_wait3A_491] : memref<67108864xf32, #tpu.memory_space<hbm>> -> memref<256xf32, #tpu.memory_space<hbm>>
    tpu.wait_dma2 semaphore(%arg8 : memref<!tpu.dma_semaphore, #tpu.memory_space<semaphore_mem>>) src(%dma_wait3A_492 : memref<256xf32, #tpu.memory_space<hbm>>) dst(%dma_wait3A_490 : memref<256xf32, #tpu.memory_space<vmem>>)
    %dma_wait3A_493 = arith.constant 92 : i32
    %dma_wait3A_494 = arith.constant 0 : i32
    %dma_wait3A_495 = tpu.memref_slice %arg7[%dma_wait3A_493, %dma_wait3A_494] : memref<128x256xf32, #tpu.memory_space<vmem>> -> memref<1x256xf32, #tpu.memory_space<vmem>>
    %dma_wait3A_496 = tpu.memref_squeeze %dma_wait3A_495 : memref<1x256xf32, #tpu.memory_space<vmem>> -> memref<256xf32, #tpu.memory_space<vmem>>
    %dma_wait3A_497 = arith.constant 0 : i32
    %dma_wait3A_498 = tpu.memref_slice %arg2[%dma_wait3A_497] : memref<67108864xf32, #tpu.memory_space<hbm>> -> memref<256xf32, #tpu.memory_space<hbm>>
    %dma_wait3A_499 = arith.constant 0 : i32
    %dma_wait3A_500 = tpu.memref_slice %arg7[%dma_wait3A_493, %dma_wait3A_499] : memref<128x256xf32, #tpu.memory_space<vmem>> -> memref<1x256xf32, #tpu.memory_space<vmem>>
    %dma_wait3A_501 = tpu.memref_squeeze %dma_wait3A_500 : memref<1x256xf32, #tpu.memory_space<vmem>> -> memref<256xf32, #tpu.memory_space<vmem>>
    %dma_wait3A_502 = arith.constant 0 : i32
    %dma_wait3A_503 = tpu.memref_slice %arg2[%dma_wait3A_502] : memref<67108864xf32, #tpu.memory_space<hbm>> -> memref<256xf32, #tpu.memory_space<hbm>>
    tpu.wait_dma2 semaphore(%arg8 : memref<!tpu.dma_semaphore, #tpu.memory_space<semaphore_mem>>) src(%dma_wait3A_503 : memref<256xf32, #tpu.memory_space<hbm>>) dst(%dma_wait3A_501 : memref<256xf32, #tpu.memory_space<vmem>>)
    %dma_wait3A_504 = arith.constant 93 : i32
    %dma_wait3A_505 = arith.constant 0 : i32
    %dma_wait3A_506 = tpu.memref_slice %arg7[%dma_wait3A_504, %dma_wait3A_505] : memref<128x256xf32, #tpu.memory_space<vmem>> -> memref<1x256xf32, #tpu.memory_space<vmem>>
    %dma_wait3A_507 = tpu.memref_squeeze %dma_wait3A_506 : memref<1x256xf32, #tpu.memory_space<vmem>> -> memref<256xf32, #tpu.memory_space<vmem>>
    %dma_wait3A_508 = arith.constant 0 : i32
    %dma_wait3A_509 = tpu.memref_slice %arg2[%dma_wait3A_508] : memref<67108864xf32, #tpu.memory_space<hbm>> -> memref<256xf32, #tpu.memory_space<hbm>>
    %dma_wait3A_510 = arith.constant 0 : i32
    %dma_wait3A_511 = tpu.memref_slice %arg7[%dma_wait3A_504, %dma_wait3A_510] : memref<128x256xf32, #tpu.memory_space<vmem>> -> memref<1x256xf32, #tpu.memory_space<vmem>>
    %dma_wait3A_512 = tpu.memref_squeeze %dma_wait3A_511 : memref<1x256xf32, #tpu.memory_space<vmem>> -> memref<256xf32, #tpu.memory_space<vmem>>
    %dma_wait3A_513 = arith.constant 0 : i32
    %dma_wait3A_514 = tpu.memref_slice %arg2[%dma_wait3A_513] : memref<67108864xf32, #tpu.memory_space<hbm>> -> memref<256xf32, #tpu.memory_space<hbm>>
    tpu.wait_dma2 semaphore(%arg8 : memref<!tpu.dma_semaphore, #tpu.memory_space<semaphore_mem>>) src(%dma_wait3A_514 : memref<256xf32, #tpu.memory_space<hbm>>) dst(%dma_wait3A_512 : memref<256xf32, #tpu.memory_space<vmem>>)
    %dma_wait3A_515 = arith.constant 94 : i32
    %dma_wait3A_516 = arith.constant 0 : i32
    %dma_wait3A_517 = tpu.memref_slice %arg7[%dma_wait3A_515, %dma_wait3A_516] : memref<128x256xf32, #tpu.memory_space<vmem>> -> memref<1x256xf32, #tpu.memory_space<vmem>>
    %dma_wait3A_518 = tpu.memref_squeeze %dma_wait3A_517 : memref<1x256xf32, #tpu.memory_space<vmem>> -> memref<256xf32, #tpu.memory_space<vmem>>
    %dma_wait3A_519 = arith.constant 0 : i32
    %dma_wait3A_520 = tpu.memref_slice %arg2[%dma_wait3A_519] : memref<67108864xf32, #tpu.memory_space<hbm>> -> memref<256xf32, #tpu.memory_space<hbm>>
    %dma_wait3A_521 = arith.constant 0 : i32
    %dma_wait3A_522 = tpu.memref_slice %arg7[%dma_wait3A_515, %dma_wait3A_521] : memref<128x256xf32, #tpu.memory_space<vmem>> -> memref<1x256xf32, #tpu.memory_space<vmem>>
    %dma_wait3A_523 = tpu.memref_squeeze %dma_wait3A_522 : memref<1x256xf32, #tpu.memory_space<vmem>> -> memref<256xf32, #tpu.memory_space<vmem>>
    %dma_wait3A_524 = arith.constant 0 : i32
    %dma_wait3A_525 = tpu.memref_slice %arg2[%dma_wait3A_524] : memref<67108864xf32, #tpu.memory_space<hbm>> -> memref<256xf32, #tpu.memory_space<hbm>>
    tpu.wait_dma2 semaphore(%arg8 : memref<!tpu.dma_semaphore, #tpu.memory_space<semaphore_mem>>) src(%dma_wait3A_525 : memref<256xf32, #tpu.memory_space<hbm>>) dst(%dma_wait3A_523 : memref<256xf32, #tpu.memory_space<vmem>>)
    %dma_wait3A_526 = arith.constant 95 : i32
    %dma_wait3A_527 = arith.constant 0 : i32
    %dma_wait3A_528 = tpu.memref_slice %arg7[%dma_wait3A_526, %dma_wait3A_527] : memref<128x256xf32, #tpu.memory_space<vmem>> -> memref<1x256xf32, #tpu.memory_space<vmem>>
    %dma_wait3A_529 = tpu.memref_squeeze %dma_wait3A_528 : memref<1x256xf32, #tpu.memory_space<vmem>> -> memref<256xf32, #tpu.memory_space<vmem>>
    %dma_wait3A_530 = arith.constant 0 : i32
    %dma_wait3A_531 = tpu.memref_slice %arg2[%dma_wait3A_530] : memref<67108864xf32, #tpu.memory_space<hbm>> -> memref<256xf32, #tpu.memory_space<hbm>>
    %dma_wait3A_532 = arith.constant 0 : i32
    %dma_wait3A_533 = tpu.memref_slice %arg7[%dma_wait3A_526, %dma_wait3A_532] : memref<128x256xf32, #tpu.memory_space<vmem>> -> memref<1x256xf32, #tpu.memory_space<vmem>>
    %dma_wait3A_534 = tpu.memref_squeeze %dma_wait3A_533 : memref<1x256xf32, #tpu.memory_space<vmem>> -> memref<256xf32, #tpu.memory_space<vmem>>
    %dma_wait3A_535 = arith.constant 0 : i32
    %dma_wait3A_536 = tpu.memref_slice %arg2[%dma_wait3A_535] : memref<67108864xf32, #tpu.memory_space<hbm>> -> memref<256xf32, #tpu.memory_space<hbm>>
    tpu.wait_dma2 semaphore(%arg8 : memref<!tpu.dma_semaphore, #tpu.memory_space<semaphore_mem>>) src(%dma_wait3A_536 : memref<256xf32, #tpu.memory_space<hbm>>) dst(%dma_wait3A_534 : memref<256xf32, #tpu.memory_space<vmem>>)
    %dma_wait3A_537 = arith.constant 96 : i32
    %dma_wait3A_538 = arith.constant 0 : i32
    %dma_wait3A_539 = tpu.memref_slice %arg7[%dma_wait3A_537, %dma_wait3A_538] : memref<128x256xf32, #tpu.memory_space<vmem>> -> memref<1x256xf32, #tpu.memory_space<vmem>>
    %dma_wait3A_540 = tpu.memref_squeeze %dma_wait3A_539 : memref<1x256xf32, #tpu.memory_space<vmem>> -> memref<256xf32, #tpu.memory_space<vmem>>
    %dma_wait3A_541 = arith.constant 0 : i32
    %dma_wait3A_542 = tpu.memref_slice %arg2[%dma_wait3A_541] : memref<67108864xf32, #tpu.memory_space<hbm>> -> memref<256xf32, #tpu.memory_space<hbm>>
    %dma_wait3A_543 = arith.constant 0 : i32
    %dma_wait3A_544 = tpu.memref_slice %arg7[%dma_wait3A_537, %dma_wait3A_543] : memref<128x256xf32, #tpu.memory_space<vmem>> -> memref<1x256xf32, #tpu.memory_space<vmem>>
    %dma_wait3A_545 = tpu.memref_squeeze %dma_wait3A_544 : memref<1x256xf32, #tpu.memory_space<vmem>> -> memref<256xf32, #tpu.memory_space<vmem>>
    %dma_wait3A_546 = arith.constant 0 : i32
    %dma_wait3A_547 = tpu.memref_slice %arg2[%dma_wait3A_546] : memref<67108864xf32, #tpu.memory_space<hbm>> -> memref<256xf32, #tpu.memory_space<hbm>>
    tpu.wait_dma2 semaphore(%arg8 : memref<!tpu.dma_semaphore, #tpu.memory_space<semaphore_mem>>) src(%dma_wait3A_547 : memref<256xf32, #tpu.memory_space<hbm>>) dst(%dma_wait3A_545 : memref<256xf32, #tpu.memory_space<vmem>>)
    %dma_wait3A_548 = arith.constant 97 : i32
    %dma_wait3A_549 = arith.constant 0 : i32
    %dma_wait3A_550 = tpu.memref_slice %arg7[%dma_wait3A_548, %dma_wait3A_549] : memref<128x256xf32, #tpu.memory_space<vmem>> -> memref<1x256xf32, #tpu.memory_space<vmem>>
    %dma_wait3A_551 = tpu.memref_squeeze %dma_wait3A_550 : memref<1x256xf32, #tpu.memory_space<vmem>> -> memref<256xf32, #tpu.memory_space<vmem>>
    %dma_wait3A_552 = arith.constant 0 : i32
    %dma_wait3A_553 = tpu.memref_slice %arg2[%dma_wait3A_552] : memref<67108864xf32, #tpu.memory_space<hbm>> -> memref<256xf32, #tpu.memory_space<hbm>>
    %dma_wait3A_554 = arith.constant 0 : i32
    %dma_wait3A_555 = tpu.memref_slice %arg7[%dma_wait3A_548, %dma_wait3A_554] : memref<128x256xf32, #tpu.memory_space<vmem>> -> memref<1x256xf32, #tpu.memory_space<vmem>>
    %dma_wait3A_556 = tpu.memref_squeeze %dma_wait3A_555 : memref<1x256xf32, #tpu.memory_space<vmem>> -> memref<256xf32, #tpu.memory_space<vmem>>
    %dma_wait3A_557 = arith.constant 0 : i32
    %dma_wait3A_558 = tpu.memref_slice %arg2[%dma_wait3A_557] : memref<67108864xf32, #tpu.memory_space<hbm>> -> memref<256xf32, #tpu.memory_space<hbm>>
    tpu.wait_dma2 semaphore(%arg8 : memref<!tpu.dma_semaphore, #tpu.memory_space<semaphore_mem>>) src(%dma_wait3A_558 : memref<256xf32, #tpu.memory_space<hbm>>) dst(%dma_wait3A_556 : memref<256xf32, #tpu.memory_space<vmem>>)
    %dma_wait3A_559 = arith.constant 98 : i32
    %dma_wait3A_560 = arith.constant 0 : i32
    %dma_wait3A_561 = tpu.memref_slice %arg7[%dma_wait3A_559, %dma_wait3A_560] : memref<128x256xf32, #tpu.memory_space<vmem>> -> memref<1x256xf32, #tpu.memory_space<vmem>>
    %dma_wait3A_562 = tpu.memref_squeeze %dma_wait3A_561 : memref<1x256xf32, #tpu.memory_space<vmem>> -> memref<256xf32, #tpu.memory_space<vmem>>
    %dma_wait3A_563 = arith.constant 0 : i32
    %dma_wait3A_564 = tpu.memref_slice %arg2[%dma_wait3A_563] : memref<67108864xf32, #tpu.memory_space<hbm>> -> memref<256xf32, #tpu.memory_space<hbm>>
    %dma_wait3A_565 = arith.constant 0 : i32
    %dma_wait3A_566 = tpu.memref_slice %arg7[%dma_wait3A_559, %dma_wait3A_565] : memref<128x256xf32, #tpu.memory_space<vmem>> -> memref<1x256xf32, #tpu.memory_space<vmem>>
    %dma_wait3A_567 = tpu.memref_squeeze %dma_wait3A_566 : memref<1x256xf32, #tpu.memory_space<vmem>> -> memref<256xf32, #tpu.memory_space<vmem>>
    %dma_wait3A_568 = arith.constant 0 : i32
    %dma_wait3A_569 = tpu.memref_slice %arg2[%dma_wait3A_568] : memref<67108864xf32, #tpu.memory_space<hbm>> -> memref<256xf32, #tpu.memory_space<hbm>>
    tpu.wait_dma2 semaphore(%arg8 : memref<!tpu.dma_semaphore, #tpu.memory_space<semaphore_mem>>) src(%dma_wait3A_569 : memref<256xf32, #tpu.memory_space<hbm>>) dst(%dma_wait3A_567 : memref<256xf32, #tpu.memory_space<vmem>>)
    %dma_wait3A_570 = arith.constant 99 : i32
    %dma_wait3A_571 = arith.constant 0 : i32
    %dma_wait3A_572 = tpu.memref_slice %arg7[%dma_wait3A_570, %dma_wait3A_571] : memref<128x256xf32, #tpu.memory_space<vmem>> -> memref<1x256xf32, #tpu.memory_space<vmem>>
    %dma_wait3A_573 = tpu.memref_squeeze %dma_wait3A_572 : memref<1x256xf32, #tpu.memory_space<vmem>> -> memref<256xf32, #tpu.memory_space<vmem>>
    %dma_wait3A_574 = arith.constant 0 : i32
    %dma_wait3A_575 = tpu.memref_slice %arg2[%dma_wait3A_574] : memref<67108864xf32, #tpu.memory_space<hbm>> -> memref<256xf32, #tpu.memory_space<hbm>>
    %dma_wait3A_576 = arith.constant 0 : i32
    %dma_wait3A_577 = tpu.memref_slice %arg7[%dma_wait3A_570, %dma_wait3A_576] : memref<128x256xf32, #tpu.memory_space<vmem>> -> memref<1x256xf32, #tpu.memory_space<vmem>>
    %dma_wait3A_578 = tpu.memref_squeeze %dma_wait3A_577 : memref<1x256xf32, #tpu.memory_space<vmem>> -> memref<256xf32, #tpu.memory_space<vmem>>
    %dma_wait3A_579 = arith.constant 0 : i32
    %dma_wait3A_580 = tpu.memref_slice %arg2[%dma_wait3A_579] : memref<67108864xf32, #tpu.memory_space<hbm>> -> memref<256xf32, #tpu.memory_space<hbm>>
    tpu.wait_dma2 semaphore(%arg8 : memref<!tpu.dma_semaphore, #tpu.memory_space<semaphore_mem>>) src(%dma_wait3A_580 : memref<256xf32, #tpu.memory_space<hbm>>) dst(%dma_wait3A_578 : memref<256xf32, #tpu.memory_space<vmem>>)
    %dma_wait3A_581 = arith.constant 100 : i32
    %dma_wait3A_582 = arith.constant 0 : i32
    %dma_wait3A_583 = tpu.memref_slice %arg7[%dma_wait3A_581, %dma_wait3A_582] : memref<128x256xf32, #tpu.memory_space<vmem>> -> memref<1x256xf32, #tpu.memory_space<vmem>>
    %dma_wait3A_584 = tpu.memref_squeeze %dma_wait3A_583 : memref<1x256xf32, #tpu.memory_space<vmem>> -> memref<256xf32, #tpu.memory_space<vmem>>
    %dma_wait3A_585 = arith.constant 0 : i32
    %dma_wait3A_586 = tpu.memref_slice %arg2[%dma_wait3A_585] : memref<67108864xf32, #tpu.memory_space<hbm>> -> memref<256xf32, #tpu.memory_space<hbm>>
    %dma_wait3A_587 = arith.constant 0 : i32
    %dma_wait3A_588 = tpu.memref_slice %arg7[%dma_wait3A_581, %dma_wait3A_587] : memref<128x256xf32, #tpu.memory_space<vmem>> -> memref<1x256xf32, #tpu.memory_space<vmem>>
    %dma_wait3A_589 = tpu.memref_squeeze %dma_wait3A_588 : memref<1x256xf32, #tpu.memory_space<vmem>> -> memref<256xf32, #tpu.memory_space<vmem>>
    %dma_wait3A_590 = arith.constant 0 : i32
    %dma_wait3A_591 = tpu.memref_slice %arg2[%dma_wait3A_590] : memref<67108864xf32, #tpu.memory_space<hbm>> -> memref<256xf32, #tpu.memory_space<hbm>>
    tpu.wait_dma2 semaphore(%arg8 : memref<!tpu.dma_semaphore, #tpu.memory_space<semaphore_mem>>) src(%dma_wait3A_591 : memref<256xf32, #tpu.memory_space<hbm>>) dst(%dma_wait3A_589 : memref<256xf32, #tpu.memory_space<vmem>>)
    %dma_wait3A_592 = arith.constant 101 : i32
    %dma_wait3A_593 = arith.constant 0 : i32
    %dma_wait3A_594 = tpu.memref_slice %arg7[%dma_wait3A_592, %dma_wait3A_593] : memref<128x256xf32, #tpu.memory_space<vmem>> -> memref<1x256xf32, #tpu.memory_space<vmem>>
    %dma_wait3A_595 = tpu.memref_squeeze %dma_wait3A_594 : memref<1x256xf32, #tpu.memory_space<vmem>> -> memref<256xf32, #tpu.memory_space<vmem>>
    %dma_wait3A_596 = arith.constant 0 : i32
    %dma_wait3A_597 = tpu.memref_slice %arg2[%dma_wait3A_596] : memref<67108864xf32, #tpu.memory_space<hbm>> -> memref<256xf32, #tpu.memory_space<hbm>>
    %dma_wait3A_598 = arith.constant 0 : i32
    %dma_wait3A_599 = tpu.memref_slice %arg7[%dma_wait3A_592, %dma_wait3A_598] : memref<128x256xf32, #tpu.memory_space<vmem>> -> memref<1x256xf32, #tpu.memory_space<vmem>>
    %dma_wait3A_600 = tpu.memref_squeeze %dma_wait3A_599 : memref<1x256xf32, #tpu.memory_space<vmem>> -> memref<256xf32, #tpu.memory_space<vmem>>
    %dma_wait3A_601 = arith.constant 0 : i32
    %dma_wait3A_602 = tpu.memref_slice %arg2[%dma_wait3A_601] : memref<67108864xf32, #tpu.memory_space<hbm>> -> memref<256xf32, #tpu.memory_space<hbm>>
    tpu.wait_dma2 semaphore(%arg8 : memref<!tpu.dma_semaphore, #tpu.memory_space<semaphore_mem>>) src(%dma_wait3A_602 : memref<256xf32, #tpu.memory_space<hbm>>) dst(%dma_wait3A_600 : memref<256xf32, #tpu.memory_space<vmem>>)
    %dma_wait3A_603 = arith.constant 102 : i32
    %dma_wait3A_604 = arith.constant 0 : i32
    %dma_wait3A_605 = tpu.memref_slice %arg7[%dma_wait3A_603, %dma_wait3A_604] : memref<128x256xf32, #tpu.memory_space<vmem>> -> memref<1x256xf32, #tpu.memory_space<vmem>>
    %dma_wait3A_606 = tpu.memref_squeeze %dma_wait3A_605 : memref<1x256xf32, #tpu.memory_space<vmem>> -> memref<256xf32, #tpu.memory_space<vmem>>
    %dma_wait3A_607 = arith.constant 0 : i32
    %dma_wait3A_608 = tpu.memref_slice %arg2[%dma_wait3A_607] : memref<67108864xf32, #tpu.memory_space<hbm>> -> memref<256xf32, #tpu.memory_space<hbm>>
    %dma_wait3A_609 = arith.constant 0 : i32
    %dma_wait3A_610 = tpu.memref_slice %arg7[%dma_wait3A_603, %dma_wait3A_609] : memref<128x256xf32, #tpu.memory_space<vmem>> -> memref<1x256xf32, #tpu.memory_space<vmem>>
    %dma_wait3A_611 = tpu.memref_squeeze %dma_wait3A_610 : memref<1x256xf32, #tpu.memory_space<vmem>> -> memref<256xf32, #tpu.memory_space<vmem>>
    %dma_wait3A_612 = arith.constant 0 : i32
    %dma_wait3A_613 = tpu.memref_slice %arg2[%dma_wait3A_612] : memref<67108864xf32, #tpu.memory_space<hbm>> -> memref<256xf32, #tpu.memory_space<hbm>>
    tpu.wait_dma2 semaphore(%arg8 : memref<!tpu.dma_semaphore, #tpu.memory_space<semaphore_mem>>) src(%dma_wait3A_613 : memref<256xf32, #tpu.memory_space<hbm>>) dst(%dma_wait3A_611 : memref<256xf32, #tpu.memory_space<vmem>>)
    %dma_wait3A_614 = arith.constant 103 : i32
    %dma_wait3A_615 = arith.constant 0 : i32
    %dma_wait3A_616 = tpu.memref_slice %arg7[%dma_wait3A_614, %dma_wait3A_615] : memref<128x256xf32, #tpu.memory_space<vmem>> -> memref<1x256xf32, #tpu.memory_space<vmem>>
    %dma_wait3A_617 = tpu.memref_squeeze %dma_wait3A_616 : memref<1x256xf32, #tpu.memory_space<vmem>> -> memref<256xf32, #tpu.memory_space<vmem>>
    %dma_wait3A_618 = arith.constant 0 : i32
    %dma_wait3A_619 = tpu.memref_slice %arg2[%dma_wait3A_618] : memref<67108864xf32, #tpu.memory_space<hbm>> -> memref<256xf32, #tpu.memory_space<hbm>>
    %dma_wait3A_620 = arith.constant 0 : i32
    %dma_wait3A_621 = tpu.memref_slice %arg7[%dma_wait3A_614, %dma_wait3A_620] : memref<128x256xf32, #tpu.memory_space<vmem>> -> memref<1x256xf32, #tpu.memory_space<vmem>>
    %dma_wait3A_622 = tpu.memref_squeeze %dma_wait3A_621 : memref<1x256xf32, #tpu.memory_space<vmem>> -> memref<256xf32, #tpu.memory_space<vmem>>
    %dma_wait3A_623 = arith.constant 0 : i32
    %dma_wait3A_624 = tpu.memref_slice %arg2[%dma_wait3A_623] : memref<67108864xf32, #tpu.memory_space<hbm>> -> memref<256xf32, #tpu.memory_space<hbm>>
    tpu.wait_dma2 semaphore(%arg8 : memref<!tpu.dma_semaphore, #tpu.memory_space<semaphore_mem>>) src(%dma_wait3A_624 : memref<256xf32, #tpu.memory_space<hbm>>) dst(%dma_wait3A_622 : memref<256xf32, #tpu.memory_space<vmem>>)
    %dma_wait3A_625 = arith.constant 104 : i32
    %dma_wait3A_626 = arith.constant 0 : i32
    %dma_wait3A_627 = tpu.memref_slice %arg7[%dma_wait3A_625, %dma_wait3A_626] : memref<128x256xf32, #tpu.memory_space<vmem>> -> memref<1x256xf32, #tpu.memory_space<vmem>>
    %dma_wait3A_628 = tpu.memref_squeeze %dma_wait3A_627 : memref<1x256xf32, #tpu.memory_space<vmem>> -> memref<256xf32, #tpu.memory_space<vmem>>
    %dma_wait3A_629 = arith.constant 0 : i32
    %dma_wait3A_630 = tpu.memref_slice %arg2[%dma_wait3A_629] : memref<67108864xf32, #tpu.memory_space<hbm>> -> memref<256xf32, #tpu.memory_space<hbm>>
    %dma_wait3A_631 = arith.constant 0 : i32
    %dma_wait3A_632 = tpu.memref_slice %arg7[%dma_wait3A_625, %dma_wait3A_631] : memref<128x256xf32, #tpu.memory_space<vmem>> -> memref<1x256xf32, #tpu.memory_space<vmem>>
    %dma_wait3A_633 = tpu.memref_squeeze %dma_wait3A_632 : memref<1x256xf32, #tpu.memory_space<vmem>> -> memref<256xf32, #tpu.memory_space<vmem>>
    %dma_wait3A_634 = arith.constant 0 : i32
    %dma_wait3A_635 = tpu.memref_slice %arg2[%dma_wait3A_634] : memref<67108864xf32, #tpu.memory_space<hbm>> -> memref<256xf32, #tpu.memory_space<hbm>>
    tpu.wait_dma2 semaphore(%arg8 : memref<!tpu.dma_semaphore, #tpu.memory_space<semaphore_mem>>) src(%dma_wait3A_635 : memref<256xf32, #tpu.memory_space<hbm>>) dst(%dma_wait3A_633 : memref<256xf32, #tpu.memory_space<vmem>>)
    %dma_wait3A_636 = arith.constant 105 : i32
    %dma_wait3A_637 = arith.constant 0 : i32
    %dma_wait3A_638 = tpu.memref_slice %arg7[%dma_wait3A_636, %dma_wait3A_637] : memref<128x256xf32, #tpu.memory_space<vmem>> -> memref<1x256xf32, #tpu.memory_space<vmem>>
    %dma_wait3A_639 = tpu.memref_squeeze %dma_wait3A_638 : memref<1x256xf32, #tpu.memory_space<vmem>> -> memref<256xf32, #tpu.memory_space<vmem>>
    %dma_wait3A_640 = arith.constant 0 : i32
    %dma_wait3A_641 = tpu.memref_slice %arg2[%dma_wait3A_640] : memref<67108864xf32, #tpu.memory_space<hbm>> -> memref<256xf32, #tpu.memory_space<hbm>>
    %dma_wait3A_642 = arith.constant 0 : i32
    %dma_wait3A_643 = tpu.memref_slice %arg7[%dma_wait3A_636, %dma_wait3A_642] : memref<128x256xf32, #tpu.memory_space<vmem>> -> memref<1x256xf32, #tpu.memory_space<vmem>>
    %dma_wait3A_644 = tpu.memref_squeeze %dma_wait3A_643 : memref<1x256xf32, #tpu.memory_space<vmem>> -> memref<256xf32, #tpu.memory_space<vmem>>
    %dma_wait3A_645 = arith.constant 0 : i32
    %dma_wait3A_646 = tpu.memref_slice %arg2[%dma_wait3A_645] : memref<67108864xf32, #tpu.memory_space<hbm>> -> memref<256xf32, #tpu.memory_space<hbm>>
    tpu.wait_dma2 semaphore(%arg8 : memref<!tpu.dma_semaphore, #tpu.memory_space<semaphore_mem>>) src(%dma_wait3A_646 : memref<256xf32, #tpu.memory_space<hbm>>) dst(%dma_wait3A_644 : memref<256xf32, #tpu.memory_space<vmem>>)
    %dma_wait3A_647 = arith.constant 106 : i32
    %dma_wait3A_648 = arith.constant 0 : i32
    %dma_wait3A_649 = tpu.memref_slice %arg7[%dma_wait3A_647, %dma_wait3A_648] : memref<128x256xf32, #tpu.memory_space<vmem>> -> memref<1x256xf32, #tpu.memory_space<vmem>>
    %dma_wait3A_650 = tpu.memref_squeeze %dma_wait3A_649 : memref<1x256xf32, #tpu.memory_space<vmem>> -> memref<256xf32, #tpu.memory_space<vmem>>
    %dma_wait3A_651 = arith.constant 0 : i32
    %dma_wait3A_652 = tpu.memref_slice %arg2[%dma_wait3A_651] : memref<67108864xf32, #tpu.memory_space<hbm>> -> memref<256xf32, #tpu.memory_space<hbm>>
    %dma_wait3A_653 = arith.constant 0 : i32
    %dma_wait3A_654 = tpu.memref_slice %arg7[%dma_wait3A_647, %dma_wait3A_653] : memref<128x256xf32, #tpu.memory_space<vmem>> -> memref<1x256xf32, #tpu.memory_space<vmem>>
    %dma_wait3A_655 = tpu.memref_squeeze %dma_wait3A_654 : memref<1x256xf32, #tpu.memory_space<vmem>> -> memref<256xf32, #tpu.memory_space<vmem>>
    %dma_wait3A_656 = arith.constant 0 : i32
    %dma_wait3A_657 = tpu.memref_slice %arg2[%dma_wait3A_656] : memref<67108864xf32, #tpu.memory_space<hbm>> -> memref<256xf32, #tpu.memory_space<hbm>>
    tpu.wait_dma2 semaphore(%arg8 : memref<!tpu.dma_semaphore, #tpu.memory_space<semaphore_mem>>) src(%dma_wait3A_657 : memref<256xf32, #tpu.memory_space<hbm>>) dst(%dma_wait3A_655 : memref<256xf32, #tpu.memory_space<vmem>>)
    %dma_wait3A_658 = arith.constant 107 : i32
    %dma_wait3A_659 = arith.constant 0 : i32
    %dma_wait3A_660 = tpu.memref_slice %arg7[%dma_wait3A_658, %dma_wait3A_659] : memref<128x256xf32, #tpu.memory_space<vmem>> -> memref<1x256xf32, #tpu.memory_space<vmem>>
    %dma_wait3A_661 = tpu.memref_squeeze %dma_wait3A_660 : memref<1x256xf32, #tpu.memory_space<vmem>> -> memref<256xf32, #tpu.memory_space<vmem>>
    %dma_wait3A_662 = arith.constant 0 : i32
    %dma_wait3A_663 = tpu.memref_slice %arg2[%dma_wait3A_662] : memref<67108864xf32, #tpu.memory_space<hbm>> -> memref<256xf32, #tpu.memory_space<hbm>>
    %dma_wait3A_664 = arith.constant 0 : i32
    %dma_wait3A_665 = tpu.memref_slice %arg7[%dma_wait3A_658, %dma_wait3A_664] : memref<128x256xf32, #tpu.memory_space<vmem>> -> memref<1x256xf32, #tpu.memory_space<vmem>>
    %dma_wait3A_666 = tpu.memref_squeeze %dma_wait3A_665 : memref<1x256xf32, #tpu.memory_space<vmem>> -> memref<256xf32, #tpu.memory_space<vmem>>
    %dma_wait3A_667 = arith.constant 0 : i32
    %dma_wait3A_668 = tpu.memref_slice %arg2[%dma_wait3A_667] : memref<67108864xf32, #tpu.memory_space<hbm>> -> memref<256xf32, #tpu.memory_space<hbm>>
    tpu.wait_dma2 semaphore(%arg8 : memref<!tpu.dma_semaphore, #tpu.memory_space<semaphore_mem>>) src(%dma_wait3A_668 : memref<256xf32, #tpu.memory_space<hbm>>) dst(%dma_wait3A_666 : memref<256xf32, #tpu.memory_space<vmem>>)
    %dma_wait3A_669 = arith.constant 108 : i32
    %dma_wait3A_670 = arith.constant 0 : i32
    %dma_wait3A_671 = tpu.memref_slice %arg7[%dma_wait3A_669, %dma_wait3A_670] : memref<128x256xf32, #tpu.memory_space<vmem>> -> memref<1x256xf32, #tpu.memory_space<vmem>>
    %dma_wait3A_672 = tpu.memref_squeeze %dma_wait3A_671 : memref<1x256xf32, #tpu.memory_space<vmem>> -> memref<256xf32, #tpu.memory_space<vmem>>
    %dma_wait3A_673 = arith.constant 0 : i32
    %dma_wait3A_674 = tpu.memref_slice %arg2[%dma_wait3A_673] : memref<67108864xf32, #tpu.memory_space<hbm>> -> memref<256xf32, #tpu.memory_space<hbm>>
    %dma_wait3A_675 = arith.constant 0 : i32
    %dma_wait3A_676 = tpu.memref_slice %arg7[%dma_wait3A_669, %dma_wait3A_675] : memref<128x256xf32, #tpu.memory_space<vmem>> -> memref<1x256xf32, #tpu.memory_space<vmem>>
    %dma_wait3A_677 = tpu.memref_squeeze %dma_wait3A_676 : memref<1x256xf32, #tpu.memory_space<vmem>> -> memref<256xf32, #tpu.memory_space<vmem>>
    %dma_wait3A_678 = arith.constant 0 : i32
    %dma_wait3A_679 = tpu.memref_slice %arg2[%dma_wait3A_678] : memref<67108864xf32, #tpu.memory_space<hbm>> -> memref<256xf32, #tpu.memory_space<hbm>>
    tpu.wait_dma2 semaphore(%arg8 : memref<!tpu.dma_semaphore, #tpu.memory_space<semaphore_mem>>) src(%dma_wait3A_679 : memref<256xf32, #tpu.memory_space<hbm>>) dst(%dma_wait3A_677 : memref<256xf32, #tpu.memory_space<vmem>>)
    %dma_wait3A_680 = arith.constant 109 : i32
    %dma_wait3A_681 = arith.constant 0 : i32
    %dma_wait3A_682 = tpu.memref_slice %arg7[%dma_wait3A_680, %dma_wait3A_681] : memref<128x256xf32, #tpu.memory_space<vmem>> -> memref<1x256xf32, #tpu.memory_space<vmem>>
    %dma_wait3A_683 = tpu.memref_squeeze %dma_wait3A_682 : memref<1x256xf32, #tpu.memory_space<vmem>> -> memref<256xf32, #tpu.memory_space<vmem>>
    %dma_wait3A_684 = arith.constant 0 : i32
    %dma_wait3A_685 = tpu.memref_slice %arg2[%dma_wait3A_684] : memref<67108864xf32, #tpu.memory_space<hbm>> -> memref<256xf32, #tpu.memory_space<hbm>>
    %dma_wait3A_686 = arith.constant 0 : i32
    %dma_wait3A_687 = tpu.memref_slice %arg7[%dma_wait3A_680, %dma_wait3A_686] : memref<128x256xf32, #tpu.memory_space<vmem>> -> memref<1x256xf32, #tpu.memory_space<vmem>>
    %dma_wait3A_688 = tpu.memref_squeeze %dma_wait3A_687 : memref<1x256xf32, #tpu.memory_space<vmem>> -> memref<256xf32, #tpu.memory_space<vmem>>
    %dma_wait3A_689 = arith.constant 0 : i32
    %dma_wait3A_690 = tpu.memref_slice %arg2[%dma_wait3A_689] : memref<67108864xf32, #tpu.memory_space<hbm>> -> memref<256xf32, #tpu.memory_space<hbm>>
    tpu.wait_dma2 semaphore(%arg8 : memref<!tpu.dma_semaphore, #tpu.memory_space<semaphore_mem>>) src(%dma_wait3A_690 : memref<256xf32, #tpu.memory_space<hbm>>) dst(%dma_wait3A_688 : memref<256xf32, #tpu.memory_space<vmem>>)
    %dma_wait3A_691 = arith.constant 110 : i32
    %dma_wait3A_692 = arith.constant 0 : i32
    %dma_wait3A_693 = tpu.memref_slice %arg7[%dma_wait3A_691, %dma_wait3A_692] : memref<128x256xf32, #tpu.memory_space<vmem>> -> memref<1x256xf32, #tpu.memory_space<vmem>>
    %dma_wait3A_694 = tpu.memref_squeeze %dma_wait3A_693 : memref<1x256xf32, #tpu.memory_space<vmem>> -> memref<256xf32, #tpu.memory_space<vmem>>
    %dma_wait3A_695 = arith.constant 0 : i32
    %dma_wait3A_696 = tpu.memref_slice %arg2[%dma_wait3A_695] : memref<67108864xf32, #tpu.memory_space<hbm>> -> memref<256xf32, #tpu.memory_space<hbm>>
    %dma_wait3A_697 = arith.constant 0 : i32
    %dma_wait3A_698 = tpu.memref_slice %arg7[%dma_wait3A_691, %dma_wait3A_697] : memref<128x256xf32, #tpu.memory_space<vmem>> -> memref<1x256xf32, #tpu.memory_space<vmem>>
    %dma_wait3A_699 = tpu.memref_squeeze %dma_wait3A_698 : memref<1x256xf32, #tpu.memory_space<vmem>> -> memref<256xf32, #tpu.memory_space<vmem>>
    %dma_wait3A_700 = arith.constant 0 : i32
    %dma_wait3A_701 = tpu.memref_slice %arg2[%dma_wait3A_700] : memref<67108864xf32, #tpu.memory_space<hbm>> -> memref<256xf32, #tpu.memory_space<hbm>>
    tpu.wait_dma2 semaphore(%arg8 : memref<!tpu.dma_semaphore, #tpu.memory_space<semaphore_mem>>) src(%dma_wait3A_701 : memref<256xf32, #tpu.memory_space<hbm>>) dst(%dma_wait3A_699 : memref<256xf32, #tpu.memory_space<vmem>>)
    %dma_wait3A_702 = arith.constant 111 : i32
    %dma_wait3A_703 = arith.constant 0 : i32
    %dma_wait3A_704 = tpu.memref_slice %arg7[%dma_wait3A_702, %dma_wait3A_703] : memref<128x256xf32, #tpu.memory_space<vmem>> -> memref<1x256xf32, #tpu.memory_space<vmem>>
    %dma_wait3A_705 = tpu.memref_squeeze %dma_wait3A_704 : memref<1x256xf32, #tpu.memory_space<vmem>> -> memref<256xf32, #tpu.memory_space<vmem>>
    %dma_wait3A_706 = arith.constant 0 : i32
    %dma_wait3A_707 = tpu.memref_slice %arg2[%dma_wait3A_706] : memref<67108864xf32, #tpu.memory_space<hbm>> -> memref<256xf32, #tpu.memory_space<hbm>>
    %dma_wait3A_708 = arith.constant 0 : i32
    %dma_wait3A_709 = tpu.memref_slice %arg7[%dma_wait3A_702, %dma_wait3A_708] : memref<128x256xf32, #tpu.memory_space<vmem>> -> memref<1x256xf32, #tpu.memory_space<vmem>>
    %dma_wait3A_710 = tpu.memref_squeeze %dma_wait3A_709 : memref<1x256xf32, #tpu.memory_space<vmem>> -> memref<256xf32, #tpu.memory_space<vmem>>
    %dma_wait3A_711 = arith.constant 0 : i32
    %dma_wait3A_712 = tpu.memref_slice %arg2[%dma_wait3A_711] : memref<67108864xf32, #tpu.memory_space<hbm>> -> memref<256xf32, #tpu.memory_space<hbm>>
    tpu.wait_dma2 semaphore(%arg8 : memref<!tpu.dma_semaphore, #tpu.memory_space<semaphore_mem>>) src(%dma_wait3A_712 : memref<256xf32, #tpu.memory_space<hbm>>) dst(%dma_wait3A_710 : memref<256xf32, #tpu.memory_space<vmem>>)
    %dma_wait3A_713 = arith.constant 112 : i32
    %dma_wait3A_714 = arith.constant 0 : i32
    %dma_wait3A_715 = tpu.memref_slice %arg7[%dma_wait3A_713, %dma_wait3A_714] : memref<128x256xf32, #tpu.memory_space<vmem>> -> memref<1x256xf32, #tpu.memory_space<vmem>>
    %dma_wait3A_716 = tpu.memref_squeeze %dma_wait3A_715 : memref<1x256xf32, #tpu.memory_space<vmem>> -> memref<256xf32, #tpu.memory_space<vmem>>
    %dma_wait3A_717 = arith.constant 0 : i32
    %dma_wait3A_718 = tpu.memref_slice %arg2[%dma_wait3A_717] : memref<67108864xf32, #tpu.memory_space<hbm>> -> memref<256xf32, #tpu.memory_space<hbm>>
    %dma_wait3A_719 = arith.constant 0 : i32
    %dma_wait3A_720 = tpu.memref_slice %arg7[%dma_wait3A_713, %dma_wait3A_719] : memref<128x256xf32, #tpu.memory_space<vmem>> -> memref<1x256xf32, #tpu.memory_space<vmem>>
    %dma_wait3A_721 = tpu.memref_squeeze %dma_wait3A_720 : memref<1x256xf32, #tpu.memory_space<vmem>> -> memref<256xf32, #tpu.memory_space<vmem>>
    %dma_wait3A_722 = arith.constant 0 : i32
    %dma_wait3A_723 = tpu.memref_slice %arg2[%dma_wait3A_722] : memref<67108864xf32, #tpu.memory_space<hbm>> -> memref<256xf32, #tpu.memory_space<hbm>>
    tpu.wait_dma2 semaphore(%arg8 : memref<!tpu.dma_semaphore, #tpu.memory_space<semaphore_mem>>) src(%dma_wait3A_723 : memref<256xf32, #tpu.memory_space<hbm>>) dst(%dma_wait3A_721 : memref<256xf32, #tpu.memory_space<vmem>>)
    %dma_wait3A_724 = arith.constant 113 : i32
    %dma_wait3A_725 = arith.constant 0 : i32
    %dma_wait3A_726 = tpu.memref_slice %arg7[%dma_wait3A_724, %dma_wait3A_725] : memref<128x256xf32, #tpu.memory_space<vmem>> -> memref<1x256xf32, #tpu.memory_space<vmem>>
    %dma_wait3A_727 = tpu.memref_squeeze %dma_wait3A_726 : memref<1x256xf32, #tpu.memory_space<vmem>> -> memref<256xf32, #tpu.memory_space<vmem>>
    %dma_wait3A_728 = arith.constant 0 : i32
    %dma_wait3A_729 = tpu.memref_slice %arg2[%dma_wait3A_728] : memref<67108864xf32, #tpu.memory_space<hbm>> -> memref<256xf32, #tpu.memory_space<hbm>>
    %dma_wait3A_730 = arith.constant 0 : i32
    %dma_wait3A_731 = tpu.memref_slice %arg7[%dma_wait3A_724, %dma_wait3A_730] : memref<128x256xf32, #tpu.memory_space<vmem>> -> memref<1x256xf32, #tpu.memory_space<vmem>>
    %dma_wait3A_732 = tpu.memref_squeeze %dma_wait3A_731 : memref<1x256xf32, #tpu.memory_space<vmem>> -> memref<256xf32, #tpu.memory_space<vmem>>
    %dma_wait3A_733 = arith.constant 0 : i32
    %dma_wait3A_734 = tpu.memref_slice %arg2[%dma_wait3A_733] : memref<67108864xf32, #tpu.memory_space<hbm>> -> memref<256xf32, #tpu.memory_space<hbm>>
    tpu.wait_dma2 semaphore(%arg8 : memref<!tpu.dma_semaphore, #tpu.memory_space<semaphore_mem>>) src(%dma_wait3A_734 : memref<256xf32, #tpu.memory_space<hbm>>) dst(%dma_wait3A_732 : memref<256xf32, #tpu.memory_space<vmem>>)
    %dma_wait3A_735 = arith.constant 114 : i32
    %dma_wait3A_736 = arith.constant 0 : i32
    %dma_wait3A_737 = tpu.memref_slice %arg7[%dma_wait3A_735, %dma_wait3A_736] : memref<128x256xf32, #tpu.memory_space<vmem>> -> memref<1x256xf32, #tpu.memory_space<vmem>>
    %dma_wait3A_738 = tpu.memref_squeeze %dma_wait3A_737 : memref<1x256xf32, #tpu.memory_space<vmem>> -> memref<256xf32, #tpu.memory_space<vmem>>
    %dma_wait3A_739 = arith.constant 0 : i32
    %dma_wait3A_740 = tpu.memref_slice %arg2[%dma_wait3A_739] : memref<67108864xf32, #tpu.memory_space<hbm>> -> memref<256xf32, #tpu.memory_space<hbm>>
    %dma_wait3A_741 = arith.constant 0 : i32
    %dma_wait3A_742 = tpu.memref_slice %arg7[%dma_wait3A_735, %dma_wait3A_741] : memref<128x256xf32, #tpu.memory_space<vmem>> -> memref<1x256xf32, #tpu.memory_space<vmem>>
    %dma_wait3A_743 = tpu.memref_squeeze %dma_wait3A_742 : memref<1x256xf32, #tpu.memory_space<vmem>> -> memref<256xf32, #tpu.memory_space<vmem>>
    %dma_wait3A_744 = arith.constant 0 : i32
    %dma_wait3A_745 = tpu.memref_slice %arg2[%dma_wait3A_744] : memref<67108864xf32, #tpu.memory_space<hbm>> -> memref<256xf32, #tpu.memory_space<hbm>>
    tpu.wait_dma2 semaphore(%arg8 : memref<!tpu.dma_semaphore, #tpu.memory_space<semaphore_mem>>) src(%dma_wait3A_745 : memref<256xf32, #tpu.memory_space<hbm>>) dst(%dma_wait3A_743 : memref<256xf32, #tpu.memory_space<vmem>>)
    %dma_wait3A_746 = arith.constant 115 : i32
    %dma_wait3A_747 = arith.constant 0 : i32
    %dma_wait3A_748 = tpu.memref_slice %arg7[%dma_wait3A_746, %dma_wait3A_747] : memref<128x256xf32, #tpu.memory_space<vmem>> -> memref<1x256xf32, #tpu.memory_space<vmem>>
    %dma_wait3A_749 = tpu.memref_squeeze %dma_wait3A_748 : memref<1x256xf32, #tpu.memory_space<vmem>> -> memref<256xf32, #tpu.memory_space<vmem>>
    %dma_wait3A_750 = arith.constant 0 : i32
    %dma_wait3A_751 = tpu.memref_slice %arg2[%dma_wait3A_750] : memref<67108864xf32, #tpu.memory_space<hbm>> -> memref<256xf32, #tpu.memory_space<hbm>>
    %dma_wait3A_752 = arith.constant 0 : i32
    %dma_wait3A_753 = tpu.memref_slice %arg7[%dma_wait3A_746, %dma_wait3A_752] : memref<128x256xf32, #tpu.memory_space<vmem>> -> memref<1x256xf32, #tpu.memory_space<vmem>>
    %dma_wait3A_754 = tpu.memref_squeeze %dma_wait3A_753 : memref<1x256xf32, #tpu.memory_space<vmem>> -> memref<256xf32, #tpu.memory_space<vmem>>
    %dma_wait3A_755 = arith.constant 0 : i32
    %dma_wait3A_756 = tpu.memref_slice %arg2[%dma_wait3A_755] : memref<67108864xf32, #tpu.memory_space<hbm>> -> memref<256xf32, #tpu.memory_space<hbm>>
    tpu.wait_dma2 semaphore(%arg8 : memref<!tpu.dma_semaphore, #tpu.memory_space<semaphore_mem>>) src(%dma_wait3A_756 : memref<256xf32, #tpu.memory_space<hbm>>) dst(%dma_wait3A_754 : memref<256xf32, #tpu.memory_space<vmem>>)
    %dma_wait3A_757 = arith.constant 116 : i32
    %dma_wait3A_758 = arith.constant 0 : i32
    %dma_wait3A_759 = tpu.memref_slice %arg7[%dma_wait3A_757, %dma_wait3A_758] : memref<128x256xf32, #tpu.memory_space<vmem>> -> memref<1x256xf32, #tpu.memory_space<vmem>>
    %dma_wait3A_760 = tpu.memref_squeeze %dma_wait3A_759 : memref<1x256xf32, #tpu.memory_space<vmem>> -> memref<256xf32, #tpu.memory_space<vmem>>
    %dma_wait3A_761 = arith.constant 0 : i32
    %dma_wait3A_762 = tpu.memref_slice %arg2[%dma_wait3A_761] : memref<67108864xf32, #tpu.memory_space<hbm>> -> memref<256xf32, #tpu.memory_space<hbm>>
    %dma_wait3A_763 = arith.constant 0 : i32
    %dma_wait3A_764 = tpu.memref_slice %arg7[%dma_wait3A_757, %dma_wait3A_763] : memref<128x256xf32, #tpu.memory_space<vmem>> -> memref<1x256xf32, #tpu.memory_space<vmem>>
    %dma_wait3A_765 = tpu.memref_squeeze %dma_wait3A_764 : memref<1x256xf32, #tpu.memory_space<vmem>> -> memref<256xf32, #tpu.memory_space<vmem>>
    %dma_wait3A_766 = arith.constant 0 : i32
    %dma_wait3A_767 = tpu.memref_slice %arg2[%dma_wait3A_766] : memref<67108864xf32, #tpu.memory_space<hbm>> -> memref<256xf32, #tpu.memory_space<hbm>>
    tpu.wait_dma2 semaphore(%arg8 : memref<!tpu.dma_semaphore, #tpu.memory_space<semaphore_mem>>) src(%dma_wait3A_767 : memref<256xf32, #tpu.memory_space<hbm>>) dst(%dma_wait3A_765 : memref<256xf32, #tpu.memory_space<vmem>>)
    %dma_wait3A_768 = arith.constant 117 : i32
    %dma_wait3A_769 = arith.constant 0 : i32
    %dma_wait3A_770 = tpu.memref_slice %arg7[%dma_wait3A_768, %dma_wait3A_769] : memref<128x256xf32, #tpu.memory_space<vmem>> -> memref<1x256xf32, #tpu.memory_space<vmem>>
    %dma_wait3A_771 = tpu.memref_squeeze %dma_wait3A_770 : memref<1x256xf32, #tpu.memory_space<vmem>> -> memref<256xf32, #tpu.memory_space<vmem>>
    %dma_wait3A_772 = arith.constant 0 : i32
    %dma_wait3A_773 = tpu.memref_slice %arg2[%dma_wait3A_772] : memref<67108864xf32, #tpu.memory_space<hbm>> -> memref<256xf32, #tpu.memory_space<hbm>>
    %dma_wait3A_774 = arith.constant 0 : i32
    %dma_wait3A_775 = tpu.memref_slice %arg7[%dma_wait3A_768, %dma_wait3A_774] : memref<128x256xf32, #tpu.memory_space<vmem>> -> memref<1x256xf32, #tpu.memory_space<vmem>>
    %dma_wait3A_776 = tpu.memref_squeeze %dma_wait3A_775 : memref<1x256xf32, #tpu.memory_space<vmem>> -> memref<256xf32, #tpu.memory_space<vmem>>
    %dma_wait3A_777 = arith.constant 0 : i32
    %dma_wait3A_778 = tpu.memref_slice %arg2[%dma_wait3A_777] : memref<67108864xf32, #tpu.memory_space<hbm>> -> memref<256xf32, #tpu.memory_space<hbm>>
    tpu.wait_dma2 semaphore(%arg8 : memref<!tpu.dma_semaphore, #tpu.memory_space<semaphore_mem>>) src(%dma_wait3A_778 : memref<256xf32, #tpu.memory_space<hbm>>) dst(%dma_wait3A_776 : memref<256xf32, #tpu.memory_space<vmem>>)
    %dma_wait3A_779 = arith.constant 118 : i32
    %dma_wait3A_780 = arith.constant 0 : i32
    %dma_wait3A_781 = tpu.memref_slice %arg7[%dma_wait3A_779, %dma_wait3A_780] : memref<128x256xf32, #tpu.memory_space<vmem>> -> memref<1x256xf32, #tpu.memory_space<vmem>>
    %dma_wait3A_782 = tpu.memref_squeeze %dma_wait3A_781 : memref<1x256xf32, #tpu.memory_space<vmem>> -> memref<256xf32, #tpu.memory_space<vmem>>
    %dma_wait3A_783 = arith.constant 0 : i32
    %dma_wait3A_784 = tpu.memref_slice %arg2[%dma_wait3A_783] : memref<67108864xf32, #tpu.memory_space<hbm>> -> memref<256xf32, #tpu.memory_space<hbm>>
    %dma_wait3A_785 = arith.constant 0 : i32
    %dma_wait3A_786 = tpu.memref_slice %arg7[%dma_wait3A_779, %dma_wait3A_785] : memref<128x256xf32, #tpu.memory_space<vmem>> -> memref<1x256xf32, #tpu.memory_space<vmem>>
    %dma_wait3A_787 = tpu.memref_squeeze %dma_wait3A_786 : memref<1x256xf32, #tpu.memory_space<vmem>> -> memref<256xf32, #tpu.memory_space<vmem>>
    %dma_wait3A_788 = arith.constant 0 : i32
    %dma_wait3A_789 = tpu.memref_slice %arg2[%dma_wait3A_788] : memref<67108864xf32, #tpu.memory_space<hbm>> -> memref<256xf32, #tpu.memory_space<hbm>>
    tpu.wait_dma2 semaphore(%arg8 : memref<!tpu.dma_semaphore, #tpu.memory_space<semaphore_mem>>) src(%dma_wait3A_789 : memref<256xf32, #tpu.memory_space<hbm>>) dst(%dma_wait3A_787 : memref<256xf32, #tpu.memory_space<vmem>>)
    %dma_wait3A_790 = arith.constant 119 : i32
    %dma_wait3A_791 = arith.constant 0 : i32
    %dma_wait3A_792 = tpu.memref_slice %arg7[%dma_wait3A_790, %dma_wait3A_791] : memref<128x256xf32, #tpu.memory_space<vmem>> -> memref<1x256xf32, #tpu.memory_space<vmem>>
    %dma_wait3A_793 = tpu.memref_squeeze %dma_wait3A_792 : memref<1x256xf32, #tpu.memory_space<vmem>> -> memref<256xf32, #tpu.memory_space<vmem>>
    %dma_wait3A_794 = arith.constant 0 : i32
    %dma_wait3A_795 = tpu.memref_slice %arg2[%dma_wait3A_794] : memref<67108864xf32, #tpu.memory_space<hbm>> -> memref<256xf32, #tpu.memory_space<hbm>>
    %dma_wait3A_796 = arith.constant 0 : i32
    %dma_wait3A_797 = tpu.memref_slice %arg7[%dma_wait3A_790, %dma_wait3A_796] : memref<128x256xf32, #tpu.memory_space<vmem>> -> memref<1x256xf32, #tpu.memory_space<vmem>>
    %dma_wait3A_798 = tpu.memref_squeeze %dma_wait3A_797 : memref<1x256xf32, #tpu.memory_space<vmem>> -> memref<256xf32, #tpu.memory_space<vmem>>
    %dma_wait3A_799 = arith.constant 0 : i32
    %dma_wait3A_800 = tpu.memref_slice %arg2[%dma_wait3A_799] : memref<67108864xf32, #tpu.memory_space<hbm>> -> memref<256xf32, #tpu.memory_space<hbm>>
    tpu.wait_dma2 semaphore(%arg8 : memref<!tpu.dma_semaphore, #tpu.memory_space<semaphore_mem>>) src(%dma_wait3A_800 : memref<256xf32, #tpu.memory_space<hbm>>) dst(%dma_wait3A_798 : memref<256xf32, #tpu.memory_space<vmem>>)
    %dma_wait3A_801 = arith.constant 120 : i32
    %dma_wait3A_802 = arith.constant 0 : i32
    %dma_wait3A_803 = tpu.memref_slice %arg7[%dma_wait3A_801, %dma_wait3A_802] : memref<128x256xf32, #tpu.memory_space<vmem>> -> memref<1x256xf32, #tpu.memory_space<vmem>>
    %dma_wait3A_804 = tpu.memref_squeeze %dma_wait3A_803 : memref<1x256xf32, #tpu.memory_space<vmem>> -> memref<256xf32, #tpu.memory_space<vmem>>
    %dma_wait3A_805 = arith.constant 0 : i32
    %dma_wait3A_806 = tpu.memref_slice %arg2[%dma_wait3A_805] : memref<67108864xf32, #tpu.memory_space<hbm>> -> memref<256xf32, #tpu.memory_space<hbm>>
    %dma_wait3A_807 = arith.constant 0 : i32
    %dma_wait3A_808 = tpu.memref_slice %arg7[%dma_wait3A_801, %dma_wait3A_807] : memref<128x256xf32, #tpu.memory_space<vmem>> -> memref<1x256xf32, #tpu.memory_space<vmem>>
    %dma_wait3A_809 = tpu.memref_squeeze %dma_wait3A_808 : memref<1x256xf32, #tpu.memory_space<vmem>> -> memref<256xf32, #tpu.memory_space<vmem>>
    %dma_wait3A_810 = arith.constant 0 : i32
    %dma_wait3A_811 = tpu.memref_slice %arg2[%dma_wait3A_810] : memref<67108864xf32, #tpu.memory_space<hbm>> -> memref<256xf32, #tpu.memory_space<hbm>>
    tpu.wait_dma2 semaphore(%arg8 : memref<!tpu.dma_semaphore, #tpu.memory_space<semaphore_mem>>) src(%dma_wait3A_811 : memref<256xf32, #tpu.memory_space<hbm>>) dst(%dma_wait3A_809 : memref<256xf32, #tpu.memory_space<vmem>>)
    %dma_wait3A_812 = arith.constant 121 : i32
    %dma_wait3A_813 = arith.constant 0 : i32
    %dma_wait3A_814 = tpu.memref_slice %arg7[%dma_wait3A_812, %dma_wait3A_813] : memref<128x256xf32, #tpu.memory_space<vmem>> -> memref<1x256xf32, #tpu.memory_space<vmem>>
    %dma_wait3A_815 = tpu.memref_squeeze %dma_wait3A_814 : memref<1x256xf32, #tpu.memory_space<vmem>> -> memref<256xf32, #tpu.memory_space<vmem>>
    %dma_wait3A_816 = arith.constant 0 : i32
    %dma_wait3A_817 = tpu.memref_slice %arg2[%dma_wait3A_816] : memref<67108864xf32, #tpu.memory_space<hbm>> -> memref<256xf32, #tpu.memory_space<hbm>>
    %dma_wait3A_818 = arith.constant 0 : i32
    %dma_wait3A_819 = tpu.memref_slice %arg7[%dma_wait3A_812, %dma_wait3A_818] : memref<128x256xf32, #tpu.memory_space<vmem>> -> memref<1x256xf32, #tpu.memory_space<vmem>>
    %dma_wait3A_820 = tpu.memref_squeeze %dma_wait3A_819 : memref<1x256xf32, #tpu.memory_space<vmem>> -> memref<256xf32, #tpu.memory_space<vmem>>
    %dma_wait3A_821 = arith.constant 0 : i32
    %dma_wait3A_822 = tpu.memref_slice %arg2[%dma_wait3A_821] : memref<67108864xf32, #tpu.memory_space<hbm>> -> memref<256xf32, #tpu.memory_space<hbm>>
    tpu.wait_dma2 semaphore(%arg8 : memref<!tpu.dma_semaphore, #tpu.memory_space<semaphore_mem>>) src(%dma_wait3A_822 : memref<256xf32, #tpu.memory_space<hbm>>) dst(%dma_wait3A_820 : memref<256xf32, #tpu.memory_space<vmem>>)
    %dma_wait3A_823 = arith.constant 122 : i32
    %dma_wait3A_824 = arith.constant 0 : i32
    %dma_wait3A_825 = tpu.memref_slice %arg7[%dma_wait3A_823, %dma_wait3A_824] : memref<128x256xf32, #tpu.memory_space<vmem>> -> memref<1x256xf32, #tpu.memory_space<vmem>>
    %dma_wait3A_826 = tpu.memref_squeeze %dma_wait3A_825 : memref<1x256xf32, #tpu.memory_space<vmem>> -> memref<256xf32, #tpu.memory_space<vmem>>
    %dma_wait3A_827 = arith.constant 0 : i32
    %dma_wait3A_828 = tpu.memref_slice %arg2[%dma_wait3A_827] : memref<67108864xf32, #tpu.memory_space<hbm>> -> memref<256xf32, #tpu.memory_space<hbm>>
    %dma_wait3A_829 = arith.constant 0 : i32
    %dma_wait3A_830 = tpu.memref_slice %arg7[%dma_wait3A_823, %dma_wait3A_829] : memref<128x256xf32, #tpu.memory_space<vmem>> -> memref<1x256xf32, #tpu.memory_space<vmem>>
    %dma_wait3A_831 = tpu.memref_squeeze %dma_wait3A_830 : memref<1x256xf32, #tpu.memory_space<vmem>> -> memref<256xf32, #tpu.memory_space<vmem>>
    %dma_wait3A_832 = arith.constant 0 : i32
    %dma_wait3A_833 = tpu.memref_slice %arg2[%dma_wait3A_832] : memref<67108864xf32, #tpu.memory_space<hbm>> -> memref<256xf32, #tpu.memory_space<hbm>>
    tpu.wait_dma2 semaphore(%arg8 : memref<!tpu.dma_semaphore, #tpu.memory_space<semaphore_mem>>) src(%dma_wait3A_833 : memref<256xf32, #tpu.memory_space<hbm>>) dst(%dma_wait3A_831 : memref<256xf32, #tpu.memory_space<vmem>>)
    %dma_wait3A_834 = arith.constant 123 : i32
    %dma_wait3A_835 = arith.constant 0 : i32
    %dma_wait3A_836 = tpu.memref_slice %arg7[%dma_wait3A_834, %dma_wait3A_835] : memref<128x256xf32, #tpu.memory_space<vmem>> -> memref<1x256xf32, #tpu.memory_space<vmem>>
    %dma_wait3A_837 = tpu.memref_squeeze %dma_wait3A_836 : memref<1x256xf32, #tpu.memory_space<vmem>> -> memref<256xf32, #tpu.memory_space<vmem>>
    %dma_wait3A_838 = arith.constant 0 : i32
    %dma_wait3A_839 = tpu.memref_slice %arg2[%dma_wait3A_838] : memref<67108864xf32, #tpu.memory_space<hbm>> -> memref<256xf32, #tpu.memory_space<hbm>>
    %dma_wait3A_840 = arith.constant 0 : i32
    %dma_wait3A_841 = tpu.memref_slice %arg7[%dma_wait3A_834, %dma_wait3A_840] : memref<128x256xf32, #tpu.memory_space<vmem>> -> memref<1x256xf32, #tpu.memory_space<vmem>>
    %dma_wait3A_842 = tpu.memref_squeeze %dma_wait3A_841 : memref<1x256xf32, #tpu.memory_space<vmem>> -> memref<256xf32, #tpu.memory_space<vmem>>
    %dma_wait3A_843 = arith.constant 0 : i32
    %dma_wait3A_844 = tpu.memref_slice %arg2[%dma_wait3A_843] : memref<67108864xf32, #tpu.memory_space<hbm>> -> memref<256xf32, #tpu.memory_space<hbm>>
    tpu.wait_dma2 semaphore(%arg8 : memref<!tpu.dma_semaphore, #tpu.memory_space<semaphore_mem>>) src(%dma_wait3A_844 : memref<256xf32, #tpu.memory_space<hbm>>) dst(%dma_wait3A_842 : memref<256xf32, #tpu.memory_space<vmem>>)
    %dma_wait3A_845 = arith.constant 124 : i32
    %dma_wait3A_846 = arith.constant 0 : i32
    %dma_wait3A_847 = tpu.memref_slice %arg7[%dma_wait3A_845, %dma_wait3A_846] : memref<128x256xf32, #tpu.memory_space<vmem>> -> memref<1x256xf32, #tpu.memory_space<vmem>>
    %dma_wait3A_848 = tpu.memref_squeeze %dma_wait3A_847 : memref<1x256xf32, #tpu.memory_space<vmem>> -> memref<256xf32, #tpu.memory_space<vmem>>
    %dma_wait3A_849 = arith.constant 0 : i32
    %dma_wait3A_850 = tpu.memref_slice %arg2[%dma_wait3A_849] : memref<67108864xf32, #tpu.memory_space<hbm>> -> memref<256xf32, #tpu.memory_space<hbm>>
    %dma_wait3A_851 = arith.constant 0 : i32
    %dma_wait3A_852 = tpu.memref_slice %arg7[%dma_wait3A_845, %dma_wait3A_851] : memref<128x256xf32, #tpu.memory_space<vmem>> -> memref<1x256xf32, #tpu.memory_space<vmem>>
    %dma_wait3A_853 = tpu.memref_squeeze %dma_wait3A_852 : memref<1x256xf32, #tpu.memory_space<vmem>> -> memref<256xf32, #tpu.memory_space<vmem>>
    %dma_wait3A_854 = arith.constant 0 : i32
    %dma_wait3A_855 = tpu.memref_slice %arg2[%dma_wait3A_854] : memref<67108864xf32, #tpu.memory_space<hbm>> -> memref<256xf32, #tpu.memory_space<hbm>>
    tpu.wait_dma2 semaphore(%arg8 : memref<!tpu.dma_semaphore, #tpu.memory_space<semaphore_mem>>) src(%dma_wait3A_855 : memref<256xf32, #tpu.memory_space<hbm>>) dst(%dma_wait3A_853 : memref<256xf32, #tpu.memory_space<vmem>>)
    %dma_wait3A_856 = arith.constant 125 : i32
    %dma_wait3A_857 = arith.constant 0 : i32
    %dma_wait3A_858 = tpu.memref_slice %arg7[%dma_wait3A_856, %dma_wait3A_857] : memref<128x256xf32, #tpu.memory_space<vmem>> -> memref<1x256xf32, #tpu.memory_space<vmem>>
    %dma_wait3A_859 = tpu.memref_squeeze %dma_wait3A_858 : memref<1x256xf32, #tpu.memory_space<vmem>> -> memref<256xf32, #tpu.memory_space<vmem>>
    %dma_wait3A_860 = arith.constant 0 : i32
    %dma_wait3A_861 = tpu.memref_slice %arg2[%dma_wait3A_860] : memref<67108864xf32, #tpu.memory_space<hbm>> -> memref<256xf32, #tpu.memory_space<hbm>>
    %dma_wait3A_862 = arith.constant 0 : i32
    %dma_wait3A_863 = tpu.memref_slice %arg7[%dma_wait3A_856, %dma_wait3A_862] : memref<128x256xf32, #tpu.memory_space<vmem>> -> memref<1x256xf32, #tpu.memory_space<vmem>>
    %dma_wait3A_864 = tpu.memref_squeeze %dma_wait3A_863 : memref<1x256xf32, #tpu.memory_space<vmem>> -> memref<256xf32, #tpu.memory_space<vmem>>
    %dma_wait3A_865 = arith.constant 0 : i32
    %dma_wait3A_866 = tpu.memref_slice %arg2[%dma_wait3A_865] : memref<67108864xf32, #tpu.memory_space<hbm>> -> memref<256xf32, #tpu.memory_space<hbm>>
    tpu.wait_dma2 semaphore(%arg8 : memref<!tpu.dma_semaphore, #tpu.memory_space<semaphore_mem>>) src(%dma_wait3A_866 : memref<256xf32, #tpu.memory_space<hbm>>) dst(%dma_wait3A_864 : memref<256xf32, #tpu.memory_space<vmem>>)
    %dma_wait3A_867 = arith.constant 126 : i32
    %dma_wait3A_868 = arith.constant 0 : i32
    %dma_wait3A_869 = tpu.memref_slice %arg7[%dma_wait3A_867, %dma_wait3A_868] : memref<128x256xf32, #tpu.memory_space<vmem>> -> memref<1x256xf32, #tpu.memory_space<vmem>>
    %dma_wait3A_870 = tpu.memref_squeeze %dma_wait3A_869 : memref<1x256xf32, #tpu.memory_space<vmem>> -> memref<256xf32, #tpu.memory_space<vmem>>
    %dma_wait3A_871 = arith.constant 0 : i32
    %dma_wait3A_872 = tpu.memref_slice %arg2[%dma_wait3A_871] : memref<67108864xf32, #tpu.memory_space<hbm>> -> memref<256xf32, #tpu.memory_space<hbm>>
    %dma_wait3A_873 = arith.constant 0 : i32
    %dma_wait3A_874 = tpu.memref_slice %arg7[%dma_wait3A_867, %dma_wait3A_873] : memref<128x256xf32, #tpu.memory_space<vmem>> -> memref<1x256xf32, #tpu.memory_space<vmem>>
    %dma_wait3A_875 = tpu.memref_squeeze %dma_wait3A_874 : memref<1x256xf32, #tpu.memory_space<vmem>> -> memref<256xf32, #tpu.memory_space<vmem>>
    %dma_wait3A_876 = arith.constant 0 : i32
    %dma_wait3A_877 = tpu.memref_slice %arg2[%dma_wait3A_876] : memref<67108864xf32, #tpu.memory_space<hbm>> -> memref<256xf32, #tpu.memory_space<hbm>>
    tpu.wait_dma2 semaphore(%arg8 : memref<!tpu.dma_semaphore, #tpu.memory_space<semaphore_mem>>) src(%dma_wait3A_877 : memref<256xf32, #tpu.memory_space<hbm>>) dst(%dma_wait3A_875 : memref<256xf32, #tpu.memory_space<vmem>>)
    %dma_wait3A_878 = arith.constant 127 : i32
    %dma_wait3A_879 = arith.constant 0 : i32
    %dma_wait3A_880 = tpu.memref_slice %arg7[%dma_wait3A_878, %dma_wait3A_879] : memref<128x256xf32, #tpu.memory_space<vmem>> -> memref<1x256xf32, #tpu.memory_space<vmem>>
    %dma_wait3A_881 = tpu.memref_squeeze %dma_wait3A_880 : memref<1x256xf32, #tpu.memory_space<vmem>> -> memref<256xf32, #tpu.memory_space<vmem>>
    %dma_wait3A_882 = arith.constant 0 : i32
    %dma_wait3A_883 = tpu.memref_slice %arg2[%dma_wait3A_882] : memref<67108864xf32, #tpu.memory_space<hbm>> -> memref<256xf32, #tpu.memory_space<hbm>>
    %dma_wait3A_884 = arith.constant 0 : i32
    %dma_wait3A_885 = tpu.memref_slice %arg7[%dma_wait3A_878, %dma_wait3A_884] : memref<128x256xf32, #tpu.memory_space<vmem>> -> memref<1x256xf32, #tpu.memory_space<vmem>>
    %dma_wait3A_886 = tpu.memref_squeeze %dma_wait3A_885 : memref<1x256xf32, #tpu.memory_space<vmem>> -> memref<256xf32, #tpu.memory_space<vmem>>
    %dma_wait3A_887 = arith.constant 0 : i32
    %dma_wait3A_888 = tpu.memref_slice %arg2[%dma_wait3A_887] : memref<67108864xf32, #tpu.memory_space<hbm>> -> memref<256xf32, #tpu.memory_space<hbm>>
    tpu.wait_dma2 semaphore(%arg8 : memref<!tpu.dma_semaphore, #tpu.memory_space<semaphore_mem>>) src(%dma_wait3A_888 : memref<256xf32, #tpu.memory_space<hbm>>) dst(%dma_wait3A_886 : memref<256xf32, #tpu.memory_space<vmem>>)
    %mul3A_889 = arith.constant 128 : i32
    %mul3A_890 = arith.muli %add3A, %mul3A_889 : i32
    %add3A_891 = arith.constant 48 : i32
    %add3A_892 = arith.addi %mul3A_890, %add3A_891 : i32
    %dma_start3A = arith.constant 48 : i32
    %dma_start3A_893 = arith.constant 0 : i32
    %dma_start3A_894 = tpu.memref_slice %arg7[%dma_start3A, %dma_start3A_893] : memref<128x256xf32, #tpu.memory_space<vmem>> -> memref<16x256xf32, #tpu.memory_space<vmem>>
    %dma_start3A_895 = arith.constant 0 : i32
    %dma_start3A_896 = tpu.memref_slice %arg4[%add3A_892, %dma_start3A_895] : memref<4096x256xf32, #tpu.memory_space<hbm>> -> memref<16x256xf32, #tpu.memory_space<hbm>>
    %dma_start3A_897 = arith.constant 0 : i32
    %dma_start3A_898 = tpu.memref_slice %arg4[%add3A_892, %dma_start3A_897] : memref<4096x256xf32, #tpu.memory_space<hbm>> -> memref<16x256xf32, #tpu.memory_space<hbm>>
    %dma_start3A_899 = arith.constant 48 : i32
    %dma_start3A_900 = arith.constant 0 : i32
    %dma_start3A_901 = tpu.memref_slice %arg7[%dma_start3A_899, %dma_start3A_900] : memref<128x256xf32, #tpu.memory_space<vmem>> -> memref<16x256xf32, #tpu.memory_space<vmem>>
    tpu.enqueue_dma source(%dma_start3A_901 : memref<16x256xf32, #tpu.memory_space<vmem>>) target(%dma_start3A_898 : memref<16x256xf32, #tpu.memory_space<hbm>>) target_semaphore(%arg9 : memref<!tpu.dma_semaphore, #tpu.memory_space<semaphore_mem>>)
    %mul3A_902 = arith.constant 128 : i32
    %mul3A_903 = arith.muli %add3A, %mul3A_902 : i32
    %add3A_904 = arith.constant 64 : i32
    %add3A_905 = arith.addi %mul3A_903, %add3A_904 : i32
    %dma_start3A_906 = arith.constant 64 : i32
    %dma_start3A_907 = arith.constant 0 : i32
    %dma_start3A_908 = tpu.memref_slice %arg7[%dma_start3A_906, %dma_start3A_907] : memref<128x256xf32, #tpu.memory_space<vmem>> -> memref<16x256xf32, #tpu.memory_space<vmem>>
    %dma_start3A_909 = arith.constant 0 : i32
    %dma_start3A_910 = tpu.memref_slice %arg4[%add3A_905, %dma_start3A_909] : memref<4096x256xf32, #tpu.memory_space<hbm>> -> memref<16x256xf32, #tpu.memory_space<hbm>>
    %dma_start3A_911 = arith.constant 0 : i32
    %dma_start3A_912 = tpu.memref_slice %arg4[%add3A_905, %dma_start3A_911] : memref<4096x256xf32, #tpu.memory_space<hbm>> -> memref<16x256xf32, #tpu.memory_space<hbm>>
    %dma_start3A_913 = arith.constant 64 : i32
    %dma_start3A_914 = arith.constant 0 : i32
    %dma_start3A_915 = tpu.memref_slice %arg7[%dma_start3A_913, %dma_start3A_914] : memref<128x256xf32, #tpu.memory_space<vmem>> -> memref<16x256xf32, #tpu.memory_space<vmem>>
    tpu.enqueue_dma source(%dma_start3A_915 : memref<16x256xf32, #tpu.memory_space<vmem>>) target(%dma_start3A_912 : memref<16x256xf32, #tpu.memory_space<hbm>>) target_semaphore(%arg9 : memref<!tpu.dma_semaphore, #tpu.memory_space<semaphore_mem>>)
    %mul3A_916 = arith.constant 128 : i32
    %mul3A_917 = arith.muli %add3A, %mul3A_916 : i32
    %add3A_918 = arith.constant 80 : i32
    %add3A_919 = arith.addi %mul3A_917, %add3A_918 : i32
    %dma_start3A_920 = arith.constant 80 : i32
    %dma_start3A_921 = arith.constant 0 : i32
    %dma_start3A_922 = tpu.memref_slice %arg7[%dma_start3A_920, %dma_start3A_921] : memref<128x256xf32, #tpu.memory_space<vmem>> -> memref<16x256xf32, #tpu.memory_space<vmem>>
    %dma_start3A_923 = arith.constant 0 : i32
    %dma_start3A_924 = tpu.memref_slice %arg4[%add3A_919, %dma_start3A_923] : memref<4096x256xf32, #tpu.memory_space<hbm>> -> memref<16x256xf32, #tpu.memory_space<hbm>>
    %dma_start3A_925 = arith.constant 0 : i32
    %dma_start3A_926 = tpu.memref_slice %arg4[%add3A_919, %dma_start3A_925] : memref<4096x256xf32, #tpu.memory_space<hbm>> -> memref<16x256xf32, #tpu.memory_space<hbm>>
    %dma_start3A_927 = arith.constant 80 : i32
    %dma_start3A_928 = arith.constant 0 : i32
    %dma_start3A_929 = tpu.memref_slice %arg7[%dma_start3A_927, %dma_start3A_928] : memref<128x256xf32, #tpu.memory_space<vmem>> -> memref<16x256xf32, #tpu.memory_space<vmem>>
    tpu.enqueue_dma source(%dma_start3A_929 : memref<16x256xf32, #tpu.memory_space<vmem>>) target(%dma_start3A_926 : memref<16x256xf32, #tpu.memory_space<hbm>>) target_semaphore(%arg9 : memref<!tpu.dma_semaphore, #tpu.memory_space<semaphore_mem>>)
    %mul3A_930 = arith.constant 128 : i32
    %mul3A_931 = arith.muli %add3A, %mul3A_930 : i32
    %add3A_932 = arith.constant 96 : i32
    %add3A_933 = arith.addi %mul3A_931, %add3A_932 : i32
    %dma_start3A_934 = arith.constant 96 : i32
    %dma_start3A_935 = arith.constant 0 : i32
    %dma_start3A_936 = tpu.memref_slice %arg7[%dma_start3A_934, %dma_start3A_935] : memref<128x256xf32, #tpu.memory_space<vmem>> -> memref<16x256xf32, #tpu.memory_space<vmem>>
    %dma_start3A_937 = arith.constant 0 : i32
    %dma_start3A_938 = tpu.memref_slice %arg4[%add3A_933, %dma_start3A_937] : memref<4096x256xf32, #tpu.memory_space<hbm>> -> memref<16x256xf32, #tpu.memory_space<hbm>>
    %dma_start3A_939 = arith.constant 0 : i32
    %dma_start3A_940 = tpu.memref_slice %arg4[%add3A_933, %dma_start3A_939] : memref<4096x256xf32, #tpu.memory_space<hbm>> -> memref<16x256xf32, #tpu.memory_space<hbm>>
    %dma_start3A_941 = arith.constant 96 : i32
    %dma_start3A_942 = arith.constant 0 : i32
    %dma_start3A_943 = tpu.memref_slice %arg7[%dma_start3A_941, %dma_start3A_942] : memref<128x256xf32, #tpu.memory_space<vmem>> -> memref<16x256xf32, #tpu.memory_space<vmem>>
    tpu.enqueue_dma source(%dma_start3A_943 : memref<16x256xf32, #tpu.memory_space<vmem>>) target(%dma_start3A_940 : memref<16x256xf32, #tpu.memory_space<hbm>>) target_semaphore(%arg9 : memref<!tpu.dma_semaphore, #tpu.memory_space<semaphore_mem>>)
    %mul3A_944 = arith.constant 128 : i32
    %mul3A_945 = arith.muli %add3A, %mul3A_944 : i32
    %add3A_946 = arith.constant 112 : i32
    %add3A_947 = arith.addi %mul3A_945, %add3A_946 : i32
    %dma_start3A_948 = arith.constant 112 : i32
    %dma_start3A_949 = arith.constant 0 : i32
    %dma_start3A_950 = tpu.memref_slice %arg7[%dma_start3A_948, %dma_start3A_949] : memref<128x256xf32, #tpu.memory_space<vmem>> -> memref<16x256xf32, #tpu.memory_space<vmem>>
    %dma_start3A_951 = arith.constant 0 : i32
    %dma_start3A_952 = tpu.memref_slice %arg4[%add3A_947, %dma_start3A_951] : memref<4096x256xf32, #tpu.memory_space<hbm>> -> memref<16x256xf32, #tpu.memory_space<hbm>>
    %dma_start3A_953 = arith.constant 0 : i32
    %dma_start3A_954 = tpu.memref_slice %arg4[%add3A_947, %dma_start3A_953] : memref<4096x256xf32, #tpu.memory_space<hbm>> -> memref<16x256xf32, #tpu.memory_space<hbm>>
    %dma_start3A_955 = arith.constant 112 : i32
    %dma_start3A_956 = arith.constant 0 : i32
    %dma_start3A_957 = tpu.memref_slice %arg7[%dma_start3A_955, %dma_start3A_956] : memref<128x256xf32, #tpu.memory_space<vmem>> -> memref<16x256xf32, #tpu.memory_space<vmem>>
    tpu.enqueue_dma source(%dma_start3A_957 : memref<16x256xf32, #tpu.memory_space<vmem>>) target(%dma_start3A_954 : memref<16x256xf32, #tpu.memory_space<hbm>>) target_semaphore(%arg9 : memref<!tpu.dma_semaphore, #tpu.memory_space<semaphore_mem>>)
    %mul3A_958 = arith.constant 128 : i32
    %mul3A_959 = arith.muli %add3A, %mul3A_958 : i32
    %dma_wait3A_960 = arith.constant 0 : i32
    %dma_wait3A_961 = arith.constant 0 : i32
    %dma_wait3A_962 = tpu.memref_slice %arg7[%dma_wait3A_960, %dma_wait3A_961] : memref<128x256xf32, #tpu.memory_space<vmem>> -> memref<16x256xf32, #tpu.memory_space<vmem>>
    %dma_wait3A_963 = arith.constant 0 : i32
    %dma_wait3A_964 = tpu.memref_slice %arg4[%mul3A_959, %dma_wait3A_963] : memref<4096x256xf32, #tpu.memory_space<hbm>> -> memref<16x256xf32, #tpu.memory_space<hbm>>
    %dma_wait3A_965 = arith.constant 0 : i32
    %dma_wait3A_966 = tpu.memref_slice %arg4[%mul3A_959, %dma_wait3A_965] : memref<4096x256xf32, #tpu.memory_space<hbm>> -> memref<16x256xf32, #tpu.memory_space<hbm>>
    %dma_wait3A_967 = arith.constant 0 : i32
    %dma_wait3A_968 = arith.constant 0 : i32
    %dma_wait3A_969 = tpu.memref_slice %arg7[%dma_wait3A_967, %dma_wait3A_968] : memref<128x256xf32, #tpu.memory_space<vmem>> -> memref<16x256xf32, #tpu.memory_space<vmem>>
    tpu.wait_dma2 semaphore(%arg9 : memref<!tpu.dma_semaphore, #tpu.memory_space<semaphore_mem>>) src(%dma_wait3A_969 : memref<16x256xf32, #tpu.memory_space<vmem>>) dst(%dma_wait3A_966 : memref<16x256xf32, #tpu.memory_space<hbm>>)
    %mul3A_970 = arith.constant 128 : i32
    %mul3A_971 = arith.muli %add3A, %mul3A_970 : i32
    %dma_wait3A_972 = arith.constant 0 : i32
    %dma_wait3A_973 = arith.constant 0 : i32
    %dma_wait3A_974 = tpu.memref_slice %arg7[%dma_wait3A_972, %dma_wait3A_973] : memref<128x256xf32, #tpu.memory_space<vmem>> -> memref<16x256xf32, #tpu.memory_space<vmem>>
    %dma_wait3A_975 = arith.constant 0 : i32
    %dma_wait3A_976 = tpu.memref_slice %arg4[%mul3A_971, %dma_wait3A_975] : memref<4096x256xf32, #tpu.memory_space<hbm>> -> memref<16x256xf32, #tpu.memory_space<hbm>>
    %dma_wait3A_977 = arith.constant 0 : i32
    %dma_wait3A_978 = tpu.memref_slice %arg4[%mul3A_971, %dma_wait3A_977] : memref<4096x256xf32, #tpu.memory_space<hbm>> -> memref<16x256xf32, #tpu.memory_space<hbm>>
    %dma_wait3A_979 = arith.constant 0 : i32
    %dma_wait3A_980 = arith.constant 0 : i32
    %dma_wait3A_981 = tpu.memref_slice %arg7[%dma_wait3A_979, %dma_wait3A_980] : memref<128x256xf32, #tpu.memory_space<vmem>> -> memref<16x256xf32, #tpu.memory_space<vmem>>
    tpu.wait_dma2 semaphore(%arg9 : memref<!tpu.dma_semaphore, #tpu.memory_space<semaphore_mem>>) src(%dma_wait3A_981 : memref<16x256xf32, #tpu.memory_space<vmem>>) dst(%dma_wait3A_978 : memref<16x256xf32, #tpu.memory_space<hbm>>)
    %mul3A_982 = arith.constant 128 : i32
    %mul3A_983 = arith.muli %add3A, %mul3A_982 : i32
    %dma_wait3A_984 = arith.constant 0 : i32
    %dma_wait3A_985 = arith.constant 0 : i32
    %dma_wait3A_986 = tpu.memref_slice %arg7[%dma_wait3A_984, %dma_wait3A_985] : memref<128x256xf32, #tpu.memory_space<vmem>> -> memref<16x256xf32, #tpu.memory_space<vmem>>
    %dma_wait3A_987 = arith.constant 0 : i32
    %dma_wait3A_988 = tpu.memref_slice %arg4[%mul3A_983, %dma_wait3A_987] : memref<4096x256xf32, #tpu.memory_space<hbm>> -> memref<16x256xf32, #tpu.memory_space<hbm>>
    %dma_wait3A_989 = arith.constant 0 : i32
    %dma_wait3A_990 = tpu.memref_slice %arg4[%mul3A_983, %dma_wait3A_989] : memref<4096x256xf32, #tpu.memory_space<hbm>> -> memref<16x256xf32, #tpu.memory_space<hbm>>
    %dma_wait3A_991 = arith.constant 0 : i32
    %dma_wait3A_992 = arith.constant 0 : i32
    %dma_wait3A_993 = tpu.memref_slice %arg7[%dma_wait3A_991, %dma_wait3A_992] : memref<128x256xf32, #tpu.memory_space<vmem>> -> memref<16x256xf32, #tpu.memory_space<vmem>>
    tpu.wait_dma2 semaphore(%arg9 : memref<!tpu.dma_semaphore, #tpu.memory_space<semaphore_mem>>) src(%dma_wait3A_993 : memref<16x256xf32, #tpu.memory_space<vmem>>) dst(%dma_wait3A_990 : memref<16x256xf32, #tpu.memory_space<hbm>>)
    %mul3A_994 = arith.constant 128 : i32
    %mul3A_995 = arith.muli %add3A, %mul3A_994 : i32
    %dma_wait3A_996 = arith.constant 0 : i32
    %dma_wait3A_997 = arith.constant 0 : i32
    %dma_wait3A_998 = tpu.memref_slice %arg7[%dma_wait3A_996, %dma_wait3A_997] : memref<128x256xf32, #tpu.memory_space<vmem>> -> memref<16x256xf32, #tpu.memory_space<vmem>>
    %dma_wait3A_999 = arith.constant 0 : i32
    %dma_wait3A_1000 = tpu.memref_slice %arg4[%mul3A_995, %dma_wait3A_999] : memref<4096x256xf32, #tpu.memory_space<hbm>> -> memref<16x256xf32, #tpu.memory_space<hbm>>
    %dma_wait3A_1001 = arith.constant 0 : i32
    %dma_wait3A_1002 = tpu.memref_slice %arg4[%mul3A_995, %dma_wait3A_1001] : memref<4096x256xf32, #tpu.memory_space<hbm>> -> memref<16x256xf32, #tpu.memory_space<hbm>>
    %dma_wait3A_1003 = arith.constant 0 : i32
    %dma_wait3A_1004 = arith.constant 0 : i32
    %dma_wait3A_1005 = tpu.memref_slice %arg7[%dma_wait3A_1003, %dma_wait3A_1004] : memref<128x256xf32, #tpu.memory_space<vmem>> -> memref<16x256xf32, #tpu.memory_space<vmem>>
    tpu.wait_dma2 semaphore(%arg9 : memref<!tpu.dma_semaphore, #tpu.memory_space<semaphore_mem>>) src(%dma_wait3A_1005 : memref<16x256xf32, #tpu.memory_space<vmem>>) dst(%dma_wait3A_1002 : memref<16x256xf32, #tpu.memory_space<hbm>>)
    %mul3A_1006 = arith.constant 128 : i32
    %mul3A_1007 = arith.muli %add3A, %mul3A_1006 : i32
    %dma_wait3A_1008 = arith.constant 0 : i32
    %dma_wait3A_1009 = arith.constant 0 : i32
    %dma_wait3A_1010 = tpu.memref_slice %arg7[%dma_wait3A_1008, %dma_wait3A_1009] : memref<128x256xf32, #tpu.memory_space<vmem>> -> memref<16x256xf32, #tpu.memory_space<vmem>>
    %dma_wait3A_1011 = arith.constant 0 : i32
    %dma_wait3A_1012 = tpu.memref_slice %arg4[%mul3A_1007, %dma_wait3A_1011] : memref<4096x256xf32, #tpu.memory_space<hbm>> -> memref<16x256xf32, #tpu.memory_space<hbm>>
    %dma_wait3A_1013 = arith.constant 0 : i32
    %dma_wait3A_1014 = tpu.memref_slice %arg4[%mul3A_1007, %dma_wait3A_1013] : memref<4096x256xf32, #tpu.memory_space<hbm>> -> memref<16x256xf32, #tpu.memory_space<hbm>>
    %dma_wait3A_1015 = arith.constant 0 : i32
    %dma_wait3A_1016 = arith.constant 0 : i32
    %dma_wait3A_1017 = tpu.memref_slice %arg7[%dma_wait3A_1015, %dma_wait3A_1016] : memref<128x256xf32, #tpu.memory_space<vmem>> -> memref<16x256xf32, #tpu.memory_space<vmem>>
    tpu.wait_dma2 semaphore(%arg9 : memref<!tpu.dma_semaphore, #tpu.memory_space<semaphore_mem>>) src(%dma_wait3A_1017 : memref<16x256xf32, #tpu.memory_space<vmem>>) dst(%dma_wait3A_1014 : memref<16x256xf32, #tpu.memory_space<hbm>>)
    %mul3A_1018 = arith.constant 128 : i32
    %mul3A_1019 = arith.muli %add3A, %mul3A_1018 : i32
    %dma_wait3A_1020 = arith.constant 0 : i32
    %dma_wait3A_1021 = arith.constant 0 : i32
    %dma_wait3A_1022 = tpu.memref_slice %arg7[%dma_wait3A_1020, %dma_wait3A_1021] : memref<128x256xf32, #tpu.memory_space<vmem>> -> memref<16x256xf32, #tpu.memory_space<vmem>>
    %dma_wait3A_1023 = arith.constant 0 : i32
    %dma_wait3A_1024 = tpu.memref_slice %arg4[%mul3A_1019, %dma_wait3A_1023] : memref<4096x256xf32, #tpu.memory_space<hbm>> -> memref<16x256xf32, #tpu.memory_space<hbm>>
    %dma_wait3A_1025 = arith.constant 0 : i32
    %dma_wait3A_1026 = tpu.memref_slice %arg4[%mul3A_1019, %dma_wait3A_1025] : memref<4096x256xf32, #tpu.memory_space<hbm>> -> memref<16x256xf32, #tpu.memory_space<hbm>>
    %dma_wait3A_1027 = arith.constant 0 : i32
    %dma_wait3A_1028 = arith.constant 0 : i32
    %dma_wait3A_1029 = tpu.memref_slice %arg7[%dma_wait3A_1027, %dma_wait3A_1028] : memref<128x256xf32, #tpu.memory_space<vmem>> -> memref<16x256xf32, #tpu.memory_space<vmem>>
    tpu.wait_dma2 semaphore(%arg9 : memref<!tpu.dma_semaphore, #tpu.memory_space<semaphore_mem>>) src(%dma_wait3A_1029 : memref<16x256xf32, #tpu.memory_space<vmem>>) dst(%dma_wait3A_1026 : memref<16x256xf32, #tpu.memory_space<hbm>>)
    %mul3A_1030 = arith.constant 128 : i32
    %mul3A_1031 = arith.muli %add3A, %mul3A_1030 : i32
    %dma_wait3A_1032 = arith.constant 0 : i32
    %dma_wait3A_1033 = arith.constant 0 : i32
    %dma_wait3A_1034 = tpu.memref_slice %arg7[%dma_wait3A_1032, %dma_wait3A_1033] : memref<128x256xf32, #tpu.memory_space<vmem>> -> memref<16x256xf32, #tpu.memory_space<vmem>>
    %dma_wait3A_1035 = arith.constant 0 : i32
    %dma_wait3A_1036 = tpu.memref_slice %arg4[%mul3A_1031, %dma_wait3A_1035] : memref<4096x256xf32, #tpu.memory_space<hbm>> -> memref<16x256xf32, #tpu.memory_space<hbm>>
    %dma_wait3A_1037 = arith.constant 0 : i32
    %dma_wait3A_1038 = tpu.memref_slice %arg4[%mul3A_1031, %dma_wait3A_1037] : memref<4096x256xf32, #tpu.memory_space<hbm>> -> memref<16x256xf32, #tpu.memory_space<hbm>>
    %dma_wait3A_1039 = arith.constant 0 : i32
    %dma_wait3A_1040 = arith.constant 0 : i32
    %dma_wait3A_1041 = tpu.memref_slice %arg7[%dma_wait3A_1039, %dma_wait3A_1040] : memref<128x256xf32, #tpu.memory_space<vmem>> -> memref<16x256xf32, #tpu.memory_space<vmem>>
    tpu.wait_dma2 semaphore(%arg9 : memref<!tpu.dma_semaphore, #tpu.memory_space<semaphore_mem>>) src(%dma_wait3A_1041 : memref<16x256xf32, #tpu.memory_space<vmem>>) dst(%dma_wait3A_1038 : memref<16x256xf32, #tpu.memory_space<hbm>>)
    %mul3A_1042 = arith.constant 128 : i32
    %mul3A_1043 = arith.muli %add3A, %mul3A_1042 : i32
    %dma_wait3A_1044 = arith.constant 0 : i32
    %dma_wait3A_1045 = arith.constant 0 : i32
    %dma_wait3A_1046 = tpu.memref_slice %arg7[%dma_wait3A_1044, %dma_wait3A_1045] : memref<128x256xf32, #tpu.memory_space<vmem>> -> memref<16x256xf32, #tpu.memory_space<vmem>>
    %dma_wait3A_1047 = arith.constant 0 : i32
    %dma_wait3A_1048 = tpu.memref_slice %arg4[%mul3A_1043, %dma_wait3A_1047] : memref<4096x256xf32, #tpu.memory_space<hbm>> -> memref<16x256xf32, #tpu.memory_space<hbm>>
    %dma_wait3A_1049 = arith.constant 0 : i32
    %dma_wait3A_1050 = tpu.memref_slice %arg4[%mul3A_1043, %dma_wait3A_1049] : memref<4096x256xf32, #tpu.memory_space<hbm>> -> memref<16x256xf32, #tpu.memory_space<hbm>>
    %dma_wait3A_1051 = arith.constant 0 : i32
    %dma_wait3A_1052 = arith.constant 0 : i32
    %dma_wait3A_1053 = tpu.memref_slice %arg7[%dma_wait3A_1051, %dma_wait3A_1052] : memref<128x256xf32, #tpu.memory_space<vmem>> -> memref<16x256xf32, #tpu.memory_space<vmem>>
    tpu.wait_dma2 semaphore(%arg9 : memref<!tpu.dma_semaphore, #tpu.memory_space<semaphore_mem>>) src(%dma_wait3A_1053 : memref<16x256xf32, #tpu.memory_space<vmem>>) dst(%dma_wait3A_1050 : memref<16x256xf32, #tpu.memory_space<hbm>>)
    return
  }
}

module attributes {stable_mosaic.version = 14 : i64} {
  func.func @_mlp_body(%arg0: i32, %arg1: memref<512x256xf32, #tpu.memory_space<vmem>>, %arg2: memref<512x256xf32, #tpu.memory_space<vmem>>, %arg3: memref<1024x256xbf16, #tpu.memory_space<vmem>>, %arg4: memref<1024x256xbf16, #tpu.memory_space<vmem>>, %arg5: memref<1x1024xf32, #tpu.memory_space<vmem>>, %arg6: memref<1024x1024xbf16, #tpu.memory_space<vmem>>, %arg7: memref<1x1024xf32, #tpu.memory_space<vmem>>, %arg8: memref<117x1024xbf16, #tpu.memory_space<vmem>>, %arg9: memref<1x117xf32, #tpu.memory_space<vmem>>, %arg10: memref<4x128x117xf32, #tpu.memory_space<vmem>>) attributes {dimension_semantics = [#tpu.dimension_semantics<parallel>], iteration_bounds = array<i64: 4>, scalar_prefetch = 0 : i64, scratch_operands = 0 : i64, tpu.core_type = #tpu.core_type<tc>, window_params = [{transform_indices = @transform_0, window_bounds = array<i64: 512, 256>}, {transform_indices = @transform_1, window_bounds = array<i64: 512, 256>}, {transform_indices = @transform_2, window_bounds = array<i64: 1024, 256>}, {transform_indices = @transform_3, window_bounds = array<i64: 1024, 256>}, {pipeline_mode = #tpu.pipeline_mode<synchronous>, transform_indices = @transform_4, window_bounds = array<i64: 1, 1024>}, {pipeline_mode = #tpu.pipeline_mode<synchronous>, transform_indices = @transform_5, window_bounds = array<i64: 1024, 1024>}, {pipeline_mode = #tpu.pipeline_mode<synchronous>, transform_indices = @transform_6, window_bounds = array<i64: 1, 1024>}, {pipeline_mode = #tpu.pipeline_mode<synchronous>, transform_indices = @transform_7, window_bounds = array<i64: 117, 1024>}, {pipeline_mode = #tpu.pipeline_mode<synchronous>, transform_indices = @transform_8, window_bounds = array<i64: 1, 117>}, {transform_indices = @transform_9, window_bounds = array<i64: 4, 128, 117>}]} {
    %get3A = arith.constant 0 : index
    %get3A_0 = arith.constant 0 : index
    %get3A_1 = vector.load %arg1[%get3A, %get3A_0] : memref<512x256xf32, #tpu.memory_space<vmem>>, vector<512x256xf32>
    %convert_element_type3A = arith.truncf %get3A_1 : vector<512x256xf32> to vector<512x256xbf16>
    %get3A_2 = arith.constant 0 : index
    %get3A_3 = arith.constant 0 : index
    %get3A_4 = vector.load %arg3[%get3A_2, %get3A_3] : memref<1024x256xbf16, #tpu.memory_space<vmem>>, vector<1024x256xbf16>
    %dot_general3A = arith.constant dense<0.000000e+00> : vector<512x1024xf32>
    %dot_general3A_5 = tpu.matmul %convert_element_type3A, %get3A_4, %dot_general3A {dimension_numbers = #tpu.dot_dimension_numbers<[1], [1], [0], [0], [0, 0, 1, 0], [], []>, transpose_lhs_hint = false} : vector<512x256xbf16>, vector<1024x256xbf16>, vector<512x1024xf32> -> vector<512x1024xf32>
    %get3A_6 = arith.constant 0 : index
    %get3A_7 = arith.constant 0 : index
    %get3A_8 = vector.load %arg2[%get3A_6, %get3A_7] : memref<512x256xf32, #tpu.memory_space<vmem>>, vector<512x256xf32>
    %convert_element_type3A_9 = arith.truncf %get3A_8 : vector<512x256xf32> to vector<512x256xbf16>
    %get3A_10 = arith.constant 0 : index
    %get3A_11 = arith.constant 0 : index
    %get3A_12 = vector.load %arg4[%get3A_10, %get3A_11] : memref<1024x256xbf16, #tpu.memory_space<vmem>>, vector<1024x256xbf16>
    %dot_general3A_13 = arith.constant dense<0.000000e+00> : vector<512x1024xf32>
    %dot_general3A_14 = tpu.matmul %convert_element_type3A_9, %get3A_12, %dot_general3A_13 {dimension_numbers = #tpu.dot_dimension_numbers<[1], [1], [0], [0], [0, 0, 1, 0], [], []>, transpose_lhs_hint = false} : vector<512x256xbf16>, vector<1024x256xbf16>, vector<512x1024xf32> -> vector<512x1024xf32>
    %add3A = arith.addf %dot_general3A_5, %dot_general3A_14 : vector<512x1024xf32>
    %get3A_15 = arith.constant 0 : index
    %get3A_16 = arith.constant 0 : index
    %get3A_17 = vector.load %arg5[%get3A_15, %get3A_16] : memref<1x1024xf32, #tpu.memory_space<vmem>>, vector<1x1024xf32>
    %add3A_18 = vector.broadcast %get3A_17 : vector<1x1024xf32> to vector<512x1024xf32>
    %add3A_19 = arith.addf %add3A, %add3A_18 : vector<512x1024xf32>
    %max3A = arith.constant 0.000000e+00 : f32
    %max3A_20 = vector.broadcast %max3A : f32 to vector<512x1024xf32>
    %max3A_21 = arith.maximumf %add3A_19, %max3A_20 : vector<512x1024xf32>
    %convert_element_type3A_22 = arith.truncf %max3A_21 : vector<512x1024xf32> to vector<512x1024xbf16>
    %get3A_23 = arith.constant 0 : index
    %get3A_24 = arith.constant 0 : index
    %get3A_25 = vector.load %arg6[%get3A_23, %get3A_24] : memref<1024x1024xbf16, #tpu.memory_space<vmem>>, vector<1024x1024xbf16>
    %dot_general3A_26 = arith.constant dense<0.000000e+00> : vector<512x1024xf32>
    %dot_general3A_27 = tpu.matmul %convert_element_type3A_22, %get3A_25, %dot_general3A_26 {dimension_numbers = #tpu.dot_dimension_numbers<[1], [1], [0], [0], [0, 0, 1, 0], [], []>, transpose_lhs_hint = false} : vector<512x1024xbf16>, vector<1024x1024xbf16>, vector<512x1024xf32> -> vector<512x1024xf32>
    %get3A_28 = arith.constant 0 : index
    %get3A_29 = arith.constant 0 : index
    %get3A_30 = vector.load %arg7[%get3A_28, %get3A_29] : memref<1x1024xf32, #tpu.memory_space<vmem>>, vector<1x1024xf32>
    %add3A_31 = vector.broadcast %get3A_30 : vector<1x1024xf32> to vector<512x1024xf32>
    %add3A_32 = arith.addf %dot_general3A_27, %add3A_31 : vector<512x1024xf32>
    %max3A_33 = arith.constant 0.000000e+00 : f32
    %max3A_34 = vector.broadcast %max3A_33 : f32 to vector<512x1024xf32>
    %max3A_35 = arith.maximumf %add3A_32, %max3A_34 : vector<512x1024xf32>
    %convert_element_type3A_36 = arith.truncf %max3A_35 : vector<512x1024xf32> to vector<512x1024xbf16>
    %get3A_37 = arith.constant 0 : index
    %get3A_38 = arith.constant 0 : index
    %get3A_39 = vector.load %arg8[%get3A_37, %get3A_38] : memref<117x1024xbf16, #tpu.memory_space<vmem>>, vector<117x1024xbf16>
    %dot_general3A_40 = arith.constant dense<0.000000e+00> : vector<512x117xf32>
    %dot_general3A_41 = tpu.matmul %convert_element_type3A_36, %get3A_39, %dot_general3A_40 {dimension_numbers = #tpu.dot_dimension_numbers<[1], [1], [0], [0], [0, 0, 1, 0], [], []>, transpose_lhs_hint = false} : vector<512x1024xbf16>, vector<117x1024xbf16>, vector<512x117xf32> -> vector<512x117xf32>
    %get3A_42 = arith.constant 0 : index
    %get3A_43 = arith.constant 0 : index
    %get3A_44 = vector.load %arg9[%get3A_42, %get3A_43] : memref<1x117xf32, #tpu.memory_space<vmem>>, vector<1x117xf32>
    %add3A_45 = vector.broadcast %get3A_44 : vector<1x117xf32> to vector<512x117xf32>
    %add3A_46 = arith.addf %dot_general3A_41, %add3A_45 : vector<512x117xf32>
    %reshape3A = vector.shape_cast %add3A_46 : vector<512x117xf32> to vector<4x128x117xf32>
    %swap3A = arith.constant 0 : index
    %swap3A_47 = arith.constant 0 : index
    %swap3A_48 = arith.constant 0 : index
    %swap3A_49 = vector.load %arg10[%swap3A, %swap3A_47, %swap3A_48] : memref<4x128x117xf32, #tpu.memory_space<vmem>>, vector<4x128x117xf32>
    tpu.vector_store %arg10[%swap3A, %swap3A_47, %swap3A_48], %reshape3A {strides = array<i32>} : memref<4x128x117xf32, #tpu.memory_space<vmem>>, vector<4x128x117xf32>,
    return
  }
  func.func @transform_0(%arg0: i32) -> (i32, i32) {
    %c0_i32 = arith.constant 0 : i32
    %c0_i32_0 = arith.constant 0 : i32
    return %arg0, %c0_i32 : i32, i32
  }
  func.func @transform_1(%arg0: i32) -> (i32, i32) {
    %add3A = arith.constant 4 : i32
    %add3A_0 = arith.addi %arg0, %add3A : i32
    %c0_i32 = arith.constant 0 : i32
    %c0_i32_1 = arith.constant 0 : i32
    return %add3A_0, %c0_i32 : i32, i32
  }
  func.func @transform_2(%arg0: i32) -> (i32, i32) {
    %c0_i32 = arith.constant 0 : i32
    %c0_i32_0 = arith.constant 0 : i32
    %c0_i32_1 = arith.constant 0 : i32
    return %c0_i32, %c0_i32_0 : i32, i32
  }
  func.func @transform_3(%arg0: i32) -> (i32, i32) {
    %c0_i32 = arith.constant 0 : i32
    %c1_i32 = arith.constant 1 : i32
    %c0_i32_0 = arith.constant 0 : i32
    return %c0_i32, %c1_i32 : i32, i32
  }
  func.func @transform_4(%arg0: i32) -> (i32, i32) {
    %c0_i32 = arith.constant 0 : i32
    %c0_i32_0 = arith.constant 0 : i32
    %c0_i32_1 = arith.constant 0 : i32
    return %c0_i32, %c0_i32_0 : i32, i32
  }
  func.func @transform_5(%arg0: i32) -> (i32, i32) {
    %c0_i32 = arith.constant 0 : i32
    %c0_i32_0 = arith.constant 0 : i32
    %c0_i32_1 = arith.constant 0 : i32
    return %c0_i32, %c0_i32_0 : i32, i32
  }
  func.func @transform_6(%arg0: i32) -> (i32, i32) {
    %c0_i32 = arith.constant 0 : i32
    %c0_i32_0 = arith.constant 0 : i32
    %c0_i32_1 = arith.constant 0 : i32
    return %c0_i32, %c0_i32_0 : i32, i32
  }
  func.func @transform_7(%arg0: i32) -> (i32, i32) {
    %c0_i32 = arith.constant 0 : i32
    %c0_i32_0 = arith.constant 0 : i32
    %c0_i32_1 = arith.constant 0 : i32
    return %c0_i32, %c0_i32_0 : i32, i32
  }
  func.func @transform_8(%arg0: i32) -> (i32, i32) {
    %c0_i32 = arith.constant 0 : i32
    %c0_i32_0 = arith.constant 0 : i32
    %c0_i32_1 = arith.constant 0 : i32
    return %c0_i32, %c0_i32_0 : i32, i32
  }
  func.func @transform_9(%arg0: i32) -> (i32, i32, i32) {
    %c0_i32 = arith.constant 0 : i32
    %c0_i32_0 = arith.constant 0 : i32
    %c0_i32_1 = arith.constant 0 : i32
    return %arg0, %c0_i32, %c0_i32_0 : i32, i32, i32
  }
}

</mosaic_0001>

<sc_bundles>
// kernel: kernel.4.cloned.1.call-start
scs
__scs_entry_jumppad:
0x0: {  	(pc) =	sbr.rel $0x88, $3  }
0x1: {  	(tag) =	ssettag $0x0;
	lr =	simm.s32 $0x1  }
0x2: {  	[smem:$0x3F98] =	sst lr;
	_ =	strace $0xD0000000  }
0x3: {  	_ = 	snop  }
0x4: {  	_ = 	snop  }
0x5: {  	_ = 	snop  }
0x6: {  	_ = 	snop  }
0x7: {  	_ = 	snop  }
__scs_overlays_trampoline_lowered:
0x8: {  	[smem:$0x3FA7] =	sst s0  }
0x9: {  	[smem:$0x3FA8] =	sst s1  }
0xa: {  	[smem:$0x3FA9] =	sst s2  }
0xb: {  	[smem:$0x3FAA] =	sst s3  }
0xc: {  	[smem:$0x3FAB] =	sst s4  }
0xd: {  	[smem:$0x3FAC] =	sst s5  }
0xe: {  	[smem:$0x3FAD] =	sst s6  }
0xf: {  	[smem:$0x3FAE] =	sst s7  }
0x10: {  	[smem:$0x3FAF] =	sst s8  }
0x11: {  	[smem:$0x3FB0] =	sst s9;
	s0 =	simm.s32 @!p0 $0x0  }
0x12: {  	s1 =	sld [smem:$0x3F96];
	s0 =	simm.s32 @p0 $0x1  }
0x13: {  	[smem:$0x3FB1] =	sst s0;
	s0 =	simm.s32 @!p1 $0x0  }
0x14: {  	s2 =	sld [smem:$0x3F95];
	s0 =	simm.s32 @p1 $0x1  }
0x15: {  	[smem:$0x3FB2] =	sst s0;
	s0 =	simm.s32 @!p2 $0x0  }
0x16: {  	s3 =	sld [smem:$0x3FDB];
	s0 =	simm.s32 @p2 $0x1  }
0x17: {  	s4 =	simm.s32 $0x1BF5;
	[smem:$0x3FB4] =	sst s0  }
0x18: {  	s0 =	sld [smem:$0x3F97];
	_ =	swait.ge [sflag:s4], $0x0  }
0x19: {  	s7 =	sld [smem:$0x3F98]  }
0x1a: {  	s8 =	sadd.s32 $0xFFFFE003, lr  }
0x1b: {  	s9 =	sadd.s32 $0xFFFFFEF7, lr;
	s5 =	simm.s32 $0xFFFFFFFF;
	p2 =	slt.u32 s8, $0xFFFFF086  }
0x1c: {  	p1 =	slt.u32 s9, $0xF7A;
	s5 =	simm.s32 @!p2 $0x0  }
0x1d: {  	s5 =	simm.s32 @p1 $0x1;
	p0 =	seq.s32 s7, s2  }
0x1e: {  	s7 =	smul.u32 @!p0 $0xF7A, s2;
	p2 =	seq.s32 @!p0 s5, $0x0  }
0x1f: {  	s9 =	smul.u32 $0xF7A, s1;
	s8 =	simm.s32 @!p0 $0x1BF5;
	p2 =	por !p2, p0  }
0x20: {  	[sflag:s8] =	ssyncset.s32 @!p0 $0xFFFFF086;
	s6 =	sadd.s32 @!p0 s3, s7;
	s7 =	simm.s32 @!p0 $0x108  }
0x21: {  	s3 =	sadd.s32 s3, s9;
	s6 =	sadd.s32 @!p0 $0x88, s6;
	s7 =	simm.s32 @p2 $0x1082  }
0x22: {  	[simem:s7], [sflag:s8] =	dma.local @!p0 [hbm:s6], $0xF7A  }
0x23: {  	s9 =	sor.u32 $0xD0000000, s2;
	s6 =	simm.s32 $0x108;
	_ =	swait.ge @!p0 [sflag:s8], $0x0  }
0x24: {  	s3 =	sadd.s32 $0x88, s3;
	s6 =	simm.s32 @!p1 $0x1082;
	[sflag:s4] =	ssyncset.s32 $0xFFFFF086  }
0x25: {  	[simem:s6], [sflag:s4] =	dma.local [hbm:s3], $0xF7A  }
0x26: {  	[smem:$0x3F98] =	sst s1;
	(tag) =	ssettag s2;
	_ =	strace s9  }
0x27: {  	s1 =	sld [smem:$0x3FA8]  }
0x28: {  	s2 =	sld [smem:$0x3FA9]  }
0x29: {  	s4 =	sld [smem:$0x3FAB]  }
0x2a: {  	p0 =	seq.s32 s5, $0x0;
	s5 =	sld [smem:$0x3FAC]  }
0x2b: {  	s6 =	sld [smem:$0x3FAD]  }
0x2c: {  	s7 =	sld [smem:$0x3FAE]  }
0x2d: {  	s3 =	simm.s32 $0x108;
	s8 =	sld [smem:$0x3FAF]  }
0x2e: {  	s3 =	simm.s32 @!p0 $0x1082;
	s9 =	sld [smem:$0x3FB0]  }
0x2f: {  	lr =	sadd.s32 s0, s3;
	s0 =	sld [smem:$0x3FA7]  }
0x30: {  	s3 =	sld [smem:$0x3FAA]  }
0x31: {  	[smem:$0x3FB3] =	sst s10  }
0x32: {  	s10 =	sld [smem:$0x3FB1];
	_ =	sdelay $0x3  }
0x33: {  	p0 =	seq.s32 s10, $0x1;
	s10 =	sld [smem:$0x3FB3];
	_ =	sdelay $0x3  }
0x34: {  	[smem:$0x3FB3] =	sst s10  }
0x35: {  	s10 =	sld [smem:$0x3FB2];
	_ =	sdelay $0x3  }
0x36: {  	p1 =	seq.s32 s10, $0x1;
	s10 =	sld [smem:$0x3FB3];
	_ =	sdelay $0x3  }
0x37: {  	[smem:$0x3FB3] =	sst s10  }
0x38: {  	s10 =	sld [smem:$0x3FB4]  }
0x39: {  	_ = 	snop;
	(pc) =	sbr.ind lr, $3  }
0x3a: {  	_ = 	snop  }
0x3b: {  	_ = 	snop  }
0x3c: {  	p2 =	seq.s32 s10, $0x1;
	s10 =	sld [smem:$0x3FB3]  }
0x3d: {  	_ =	shalt  }
0x3e: {  	_ =	shalt  }
0x3f: {  	_ =	shalt  }
0x40: {  	_ =	shalt  }
0x41: {  	_ =	shalt  }
0x42: {  	_ =	shalt  }
0x43: {  	_ =	shalt  }
0x44: {  	_ =	shalt  }
0x45: {  	_ =	shalt  }
0x46: {  	_ =	shalt  }
0x47: {  	_ =	shalt  }
0x48: {  	_ =	shalt  }
0x49: {  	_ =	shalt  }
0x4a: {  	_ =	shalt  }
0x4b: {  	_ =	shalt  }
0x4c: {  	_ =	shalt  }
0x4d: {  	_ =	shalt  }
0x4e: {  	_ =	shalt  }
0x4f: {  	_ =	shalt  }
0x50: {  	_ =	shalt  }
0x51: {  	_ =	shalt  }
0x52: {  	_ =	shalt  }
0x53: {  	_ =	shalt  }
0x54: {  	_ =	shalt  }
0x55: {  	_ =	shalt  }
0x56: {  	_ =	shalt  }
0x57: {  	_ =	shalt  }
0x58: {  	_ =	shalt  }
0x59: {  	_ =	shalt  }
0x5a: {  	_ =	shalt  }
0x5b: {  	_ =	shalt  }
0x5c: {  	_ =	shalt  }
0x5d: {  	_ =	shalt  }
0x5e: {  	_ =	shalt  }
0x5f: {  	_ =	shalt  }
0x60: {  	_ =	shalt  }
0x61: {  	_ =	shalt  }
0x62: {  	_ =	shalt  }
0x63: {  	_ =	shalt  }
0x64: {  	_ =	shalt  }
0x65: {  	_ =	shalt  }
0x66: {  	_ =	shalt  }
0x67: {  	_ =	shalt  }
0x68: {  	_ =	shalt  }
0x69: {  	_ =	shalt  }
0x6a: {  	_ =	shalt  }
0x6b: {  	_ =	shalt  }
0x6c: {  	_ =	shalt  }
0x6d: {  	_ =	shalt  }
0x6e: {  	_ =	shalt  }
0x6f: {  	_ =	shalt  }
0x70: {  	_ =	shalt  }
0x71: {  	_ =	shalt  }
0x72: {  	_ =	shalt  }
0x73: {  	_ =	shalt  }
0x74: {  	_ =	shalt  }
0x75: {  	_ =	shalt  }
0x76: {  	_ =	shalt  }
0x77: {  	_ =	shalt  }
0x78: {  	_ =	shalt  }
0x79: {  	_ =	shalt  }
0x7a: {  	_ =	shalt  }
0x7b: {  	_ =	shalt  }
0x7c: {  	_ =	shalt  }
0x7d: {  	_ =	shalt  }
0x7e: {  	_ =	shalt  }
0x7f: {  	_ =	shalt  }
0x80: {  	_ =	shalt  }
0x81: {  	_ =	shalt  }
0x82: {  	_ =	shalt  }
0x83: {  	_ =	shalt  }
0x84: {  	_ =	shalt  }
0x85: {  	_ =	shalt  }
0x86: {  	_ =	shalt  }
0x87: {  	_ =	shalt  }
.Lfunc_end0:
.L_simem_size_0:
called_computation_lowered:
.L_overlay_start_0:
0x88: {  	s2 =	sld [smem:$0x3FD9]  }
0x89: {  	s3 =	sld [smem:$0x3FFE];
	_ =	sdelay $0x1  }
0x8a: {  	s1 =	srdreg.scid  }
0x8b: {  	s0 =	sand.u32 $0x1, s1  }
0x8c: {  	s17 =	sshll.u32 s0, $0xA;
	s2 =	sadd.s32 s3, s2  }
0x8d: {  	s2 =	sadd.s32 s2, s17  }
0x8e: {  	[smem:$0x3FBF] =	sst s2  }
0x8f: {  	_ = 	snop  }
0x90: {  	s2 =	sld [smem:$0x3FC9]  }
0x91: {  	s18 =	sld [smem:$0x3FD0];
	(tm) =	ssettm $0x1  }
0x92: {  	s4 =	sld [smem:$0x3FFB];
	_ =	sdelay $0x3  }
0x93: {  	_ =	strace s4  }
0x94: {  	s4 =	sld [smem:$0x3FFC];
	_ =	sdelay $0x3  }
0x95: {  	_ =	strace s4  }
0x96: {  	s4 =	sld [smem:$0x3FFD];
	_ =	sdelay $0x3  }
0x97: {  	_ =	strace s4  }
0x98: {  	_ =	strace $0x8FFFFFFF  }
0x99: {  	s19 =	sld [smem:$0x3FDB];
	_ =	sdelay $0x1  }
0x9a: {  	s5 =	simm.s32 $_scs_section_size  }
0x9b: {  	s6 =	simm.s32 $_size__tile_overlayer_lowered;
	s7 =	simm.s32 $_tile_overlayer_lowered  }
0x9c: {  	s22 =	simm.s32 $0x1BFF;
	s21 =	sshll.u32 s7, $0x1;
	s4 =	sadd.s32 s5, s19  }
0x9d: {  	s8 =	simm.s32 $0x0;
	s20 =	sshll.u32 s6, $0x1;
	s6 =	sadd.s32 s21, s4  }
0x9e: {  	[timem:s8], [sflag:s22] =	dma.local [hbm:s6], s20  }
0x9f: {  	_ =	swait.ge [sflag:s22], s20  }
0xa0: {  	s5 =	ssub.s32 $0x0, s20;
	[sflag:s22] =	ssyncset.done $0x0  }
0xa1: {  	[sflag:s22] =	ssyncadd.s32 s5;
	_ =	sdelay $0x1  }
0xa2: {  	s23 =	simm.s32 $0x1B8B  }
0xa3: {  	_ =	swait.ge [sflag:s23], $0x1  }
0xa4: {  	[sflag:s23] =	ssyncset.done $0x0  }
0xa5: {  	s25 =	simm.s32 $0x1B8E;
	s24 =	sld [smem:$0x3FFE];
	[sflag:s23] =	ssyncadd.s32 $0xFFFFFFFF  }
0xa6: {  	s26 =	simm.s32 $execute0_lowered;
	[smem:$0x3FD2] =	sst s25  }
0xa7: {  	s6 =	sshll.u32 s26, $0x1;
	_ =	strace $0x80000046;
	[dreg:$0x1] =	wrdreg $0xFFFFFFFF  }
0xa8: {  	s28 =	simm.s32 $_size_execute0_lowered;
	s4 =	sadd.s32 s4, s6;
	[dreg:$0x0] =	wrdreg $0x0  }
0xa9: {  	s6 =	sshll.u32 s28, $0x1;
	[dreg:$0x2] =	wrdreg s4  }
0xaa: {  	[dreg:$0x3] =	wrdreg s6  }
0xab: {  	[dreg:$0x4] =	wrdreg $0xC0  }
0xac: {  	_ =	task [dreg:s8], $0x5FFFF  }
0xad: {  	[dreg:$0x1] =	wrdreg $0xFFFFFFFF  }
0xae: {  	[dreg:$0x0] =	wrdreg $0x60  }
0xaf: {  	[dreg:$0x2] =	wrdreg s2  }
0xb0: {  	[dreg:$0x3] =	wrdreg s18  }
0xb1: {  	[dreg:$0x4] =	wrdreg s24  }
0xb2: {  	[dreg:$0x5] =	wrdreg $0x9  }
0xb3: {  	_ =	task.clear_ibuf [dreg:s8], $0x6FFFF;
	_ =	strace $0x90000046  }
0xb4: {  	s29 =	simm.s32 $0x9;
	_ =	strace $0x80000048  }
0xb5: {  	_ =	swait.ge [sflag:s29], $0x1  }
0xb6: {  	[sflag:s29] =	ssyncadd.s32 $0xFFFFFFFF  }
0xb7: {  	_ =	strace $0x90000048  }
0xb8: {  	_ =	sfence  }
0xb9: {  	s30 =	sld [smem:$0x0];
	_ =	sdelay $0x2  }
0xba: {  	s31 =	sshll.u32 s1, $0xD;
	s1 =	sshrl.u32 s1, $0x2  }
0xbb: {  	s3 =	sand.u32 $0x4000, s31;
	s1 =	sadd.s32 s1, s30  }
0xbc: {  	s0 =	sor.u32 s3, s0;
	s1 =	sshll.u32 s1, $0x11  }
0xbd: {  	s0 =	sor.u32 s1, s0  }
0xbe: {  	s0 =	sadd.s32 $0x8F2B, s0  }
0xbf: {  	[sflag:s0] =	ssyncadd.remote.s32 $0x1  }
0xc0: {  	_ =	sfence.sel $0xFFFF  }
0xc1: {  	[dreg:$0x0] =	wrdreg $0xFFFFFFFF;
	(pc) =	sbr.abs _section_cstart, $3  }
0xc2: {  	[dreg:$0x1] =	wrdreg $0xFFFFFFFF  }
0xc3: {  	_ =	task.clear_ibuf [dreg:s8], $0x2FFFF;
	_ =	strace $0x9FFFFFFF  }
0xc4: {  	(tm) =	ssettm $0x7FFFFFFF  }
0xc5: {  	_ =	shalt  }
tec
execute0_lowered:
.L_overlay_start_1:
0x0: {  	(tag) =	ssettag $0x1  }
0x1: {  	s1 =	rddreg [dreg:$0x0]  }
0x2: {  	s6 =	rddreg [dreg:$0x1]  }
0x3: {  	s4 =	rddreg [dreg:$0x2];
	s3 =	simm.s32 $0x0  }
0x4: {  	s2 =	srdreg.scid;
	s14 =	simm.s32 $0x3;
	s15 =	simm.s32 $0x80  }
0x5: {  	s16 =	simm.s32 $0x1;
	s17 =	simm.s32 $0xB080;
	s18 =	simm.s32 $0xC080  }
0x6: {  	s19 =	simm.s32 $0xD080;
	s20 =	simm.s32 $0xE080;
	s21 =	simm.s32 $0xF080  }
0x7: {  	s22 =	simm.s32 $0x2;
	s23 =	simm.s32 $0x0;
	[smem:$0x7FF] =	sst s3  }
0x8: {  	s5 =	sand.u32 $0x1, s2;
	s2 =	stileid.u32;
	s4 =	sadd.s32 $0x1000, s4  }
0x9: {  	s7 =	ssub.s32 $0x2, s5;
	s5 =	sshll.u32 s5, $0x4;
	_ =	strace $0x80000047  }
0xa: {  	s8 =	sshrl.u32 s7, $0x1;
	s9 =	sor.u32 s2, s5;
	s5 =	sshll.u32 s2, $0x16  }
0xb: {  	s13 =	ssub.s32 s7, s8;
	s30 =	sshll.u32 s9, $0xC;
	s31 =	sshll.u32 s9, $0x4  }
0xc: {  	s7 =	sshll.u32 s9, $0xF;
	s12 =	sadd.s32 s30, s4;
	s6 =	sadd.s32 s6, s31  }
0xd: {  	v0 =	vlaneseq.u32;
	s13 =	smax.u32 s13, $0x1;
	s8 =	sadd.s32 $0x600, s12;
	s9 =	sadd.s32 $0x800, s12  }
0xe: {  	v0 =	vmul.u32 $0x4000, v0;
	s10 =	sadd.s32 $0xA00, s12;
	s11 =	sadd.s32 $0xC00, s12;
	s12 =	sadd.s32 $0xE00, s12  }
.LBB2_1:
0xf: {  	[tilespmem:s3], [sflag:$0x3] =	stream.linear.gather [hbm4b:s6+s3], $0x80, $0x38;
	[tilespmem:$0x10080] =	vst v63  }
0x10: {  	_ =	swait.ge [sflag:s14], $0x80  }
0x11: {  	[sflag:s14] =	ssyncset.done $0x0  }
0x12: {  	s24 =	simm.s32 $0x0;
	[sflag:s14] =	ssyncadd.s32 $0xFFFFFF80  }
.LBB2_2:
0x13: {  	s25 =	sshll.u32 s24, $0x4  }
0x14: {  	v1 =	vld [tilespmem:s25+$0x0];
	_ =	sdelay $0x4  }
0x15: {  	(v2sf) =	vpush v1, $0x0;
	_ =	sdelay $0xd  }
0x16: {  	s26 =	sshll.u32 s24, $0xC;
	s30 =	simm.s32 $0x0  }
0x17: {  	s28 =	sand.u32 $0x3FFFF000, s26;
	v2 =	vmov s30;
	s29 =	spop (v2sf)  }
0x18: {  	s0 =	sand.u32 $0x80, s30;
	v3 =	vshll.u32 v2, $0xE;
	s31 =	sadd.s32 s5, s29;
	s29 =	sor.u32 $0x80, s28  }
0x19: {  	v3 =	vor.u32 v0, v3;
	v2 =	vmov s31;
	s31 =	sand.u32 $0x70, s30;
	s0 =	sadd.s32 s0, s29  }
0x1a: {  	s30 =	simm.s32 $0x10;
	v3 =	vadd.s32 v2, v3;
	s31 =	sadd.s32 s31, s0  }
.LBB2_3:
0x1b: {  	p0 =	sne.s32 s30, $0xF0;
	[tilespmem:s31+$0x0] =	vst v3;
	s0 =	smov.u32 s30;
	s30 =	sadd.s32 $0x10, s30  }
.Ltmp0:
0x1c: {  	(pc) =	sbr.rel @p0 .LBB2_3-.Ltmp0, $4  }
0x1d: {  	v3 =	vmov s0  }
0x1e: {  	s31 =	sand.u32 $0x80, s0;
	v3 =	vshll.u32 v3, $0xE  }
0x1f: {  	s0 =	sand.u32 $0x70, s0;
	s31 =	sadd.s32 s31, s29;
	v3 =	vor.u32 v0, v3  }
0x20: {  	s31 =	sadd.s32 s0, s31;
	v3 =	vadd.s32 v2, v3  }
0x21: {  	(v2sf) =	vpush v1, $0x1;
	_ =	sdelay $0x9  }
0x22: {  	[tilespmem:s31+$0x0] =	vst v3;
	s0 =	sadd.s32 $0x8080, s26;
	s29 =	sor.u32 $0x80, s26  }
0x23: {  	[tilespmem:s0], [sflag:$0x1] =	stream.indirect.gather [hbm4b:s1+s15], $0x1, s29, s15, $0xb8;
	[tilespmem:$0x10080] =	vst v63  }
0x24: {  	s0 =	sadd.s32 $0x8480, s26;
	s29 =	sor.u32 $0x100, s26  }
0x25: {  	[tilespmem:s0], [sflag:$0x1] =	stream.indirect.gather [hbm4b:s1+s15], $0x1, s29, s15, $0xb8;
	[tilespmem:$0x10080] =	vst v63  }
0x26: {  	s0 =	simm.s32 $0x0  }
0x27: {  	v2 =	vmov s0;
	s29 =	spop (v2sf)  }
0x28: {  	s31 =	sand.u32 $0x80, s0;
	v3 =	vshll.u32 v2, $0xE;
	s30 =	sadd.s32 s5, s29;
	s29 =	sadd.s32 $0x180, s28  }
0x29: {  	s0 =	sand.u32 $0x70, s0;
	v3 =	vor.u32 v0, v3;
	v2 =	vmov s30;
	s31 =	sadd.s32 s31, s29  }
0x2a: {  	s30 =	simm.s32 $0x10;
	v3 =	vadd.s32 v2, v3;
	s31 =	sadd.s32 s0, s31  }
.LBB2_5:
0x2b: {  	p0 =	sne.s32 s30, $0xF0;
	[tilespmem:s31+$0x0] =	vst v3;
	s0 =	smov.u32 s30;
	s30 =	sadd.s32 $0x10, s30  }
.Ltmp1:
0x2c: {  	(pc) =	sbr.rel @p0 .LBB2_5-.Ltmp1, $4  }
0x2d: {  	v3 =	vmov s0  }
0x2e: {  	s31 =	sand.u32 $0x80, s0;
	v3 =	vshll.u32 v3, $0xE  }
0x2f: {  	s0 =	sand.u32 $0x70, s0;
	s31 =	sadd.s32 s31, s29;
	v3 =	vor.u32 v0, v3  }
0x30: {  	s31 =	sadd.s32 s0, s31;
	v3 =	vadd.s32 v2, v3  }
0x31: {  	(v2sf) =	vpush v1, $0x2;
	_ =	sdelay $0x9  }
0x32: {  	[tilespmem:s31+$0x0] =	vst v3;
	s0 =	sadd.s32 $0x8100, s26  }
0x33: {  	[tilespmem:s0], [sflag:$0x1] =	stream.indirect.gather [hbm4b:s1+s15], $0x1, s29, s15, $0xb8;
	[tilespmem:$0x10080] =	vst v63  }
0x34: {  	s0 =	sadd.s32 $0x8500, s26;
	s29 =	sadd.s32 $0x200, s28  }
0x35: {  	[tilespmem:s0], [sflag:$0x1] =	stream.indirect.gather [hbm4b:s1+s15], $0x1, s29, s15, $0xb8;
	[tilespmem:$0x10080] =	vst v63  }
0x36: {  	s0 =	simm.s32 $0x0  }
0x37: {  	v2 =	vmov s0;
	s29 =	spop (v2sf)  }
0x38: {  	s31 =	sand.u32 $0x80, s0;
	v3 =	vshll.u32 v2, $0xE;
	s30 =	sadd.s32 s5, s29;
	s29 =	sadd.s32 $0x280, s28  }
0x39: {  	s0 =	sand.u32 $0x70, s0;
	v3 =	vor.u32 v0, v3;
	v2 =	vmov s30;
	s31 =	sadd.s32 s31, s29  }
0x3a: {  	s30 =	simm.s32 $0x10;
	v3 =	vadd.s32 v2, v3;
	s31 =	sadd.s32 s0, s31  }
.LBB2_7:
0x3b: {  	p0 =	sne.s32 s30, $0xF0;
	[tilespmem:s31+$0x0] =	vst v3;
	s0 =	smov.u32 s30;
	s30 =	sadd.s32 $0x10, s30  }
.Ltmp2:
0x3c: {  	(pc) =	sbr.rel @p0 .LBB2_7-.Ltmp2, $4  }
0x3d: {  	v3 =	vmov s0  }
0x3e: {  	s31 =	sand.u32 $0x80, s0;
	v3 =	vshll.u32 v3, $0xE  }
0x3f: {  	s0 =	sand.u32 $0x70, s0;
	s31 =	sadd.s32 s31, s29;
	v3 =	vor.u32 v0, v3  }
0x40: {  	s31 =	sadd.s32 s0, s31;
	v3 =	vadd.s32 v2, v3  }
0x41: {  	(v2sf) =	vpush v1, $0x3;
	_ =	sdelay $0x9  }
0x42: {  	[tilespmem:s31+$0x0] =	vst v3;
	s0 =	sadd.s32 $0x8180, s26  }
0x43: {  	[tilespmem:s0], [sflag:$0x1] =	stream.indirect.gather [hbm4b:s1+s15], $0x1, s29, s15, $0xb8;
	[tilespmem:$0x10080] =	vst v63  }
0x44: {  	s0 =	sadd.s32 $0x8580, s26;
	s29 =	sadd.s32 $0x300, s28  }
0x45: {  	[tilespmem:s0], [sflag:$0x1] =	stream.indirect.gather [hbm4b:s1+s15], $0x1, s29, s15, $0xb8;
	[tilespmem:$0x10080] =	vst v63  }
0x46: {  	s0 =	simm.s32 $0x0  }
0x47: {  	v2 =	vmov s0;
	s29 =	spop (v2sf)  }
0x48: {  	s31 =	sand.u32 $0x80, s0;
	v3 =	vshll.u32 v2, $0xE;
	s30 =	sadd.s32 s5, s29;
	s29 =	sadd.s32 $0x380, s28  }
0x49: {  	s0 =	sand.u32 $0x70, s0;
	v3 =	vor.u32 v0, v3;
	v2 =	vmov s30;
	s31 =	sadd.s32 s31, s29  }
0x4a: {  	s30 =	simm.s32 $0x10;
	v3 =	vadd.s32 v2, v3;
	s31 =	sadd.s32 s0, s31  }
.LBB2_9:
0x4b: {  	p0 =	sne.s32 s30, $0xF0;
	[tilespmem:s31+$0x0] =	vst v3;
	s0 =	smov.u32 s30;
	s30 =	sadd.s32 $0x10, s30  }
.Ltmp3:
0x4c: {  	(pc) =	sbr.rel @p0 .LBB2_9-.Ltmp3, $4  }
0x4d: {  	v3 =	vmov s0  }
0x4e: {  	s31 =	sand.u32 $0x80, s0;
	v3 =	vshll.u32 v3, $0xE  }
0x4f: {  	s0 =	sand.u32 $0x70, s0;
	s31 =	sadd.s32 s31, s29;
	v3 =	vor.u32 v0, v3  }
0x50: {  	s31 =	sadd.s32 s0, s31;
	v3 =	vadd.s32 v2, v3  }
0x51: {  	(v2sf) =	vpush v1, $0x4;
	_ =	sdelay $0x9  }
0x52: {  	[tilespmem:s31+$0x0] =	vst v3;
	s0 =	sadd.s32 $0x8200, s26  }
0x53: {  	[tilespmem:s0], [sflag:$0x1] =	stream.indirect.gather [hbm4b:s1+s15], $0x1, s29, s15, $0xb8;
	[tilespmem:$0x10080] =	vst v63  }
0x54: {  	s0 =	sadd.s32 $0x8600, s26;
	s29 =	sadd.s32 $0x400, s28  }
0x55: {  	[tilespmem:s0], [sflag:$0x1] =	stream.indirect.gather [hbm4b:s1+s15], $0x1, s29, s15, $0xb8;
	[tilespmem:$0x10080] =	vst v63  }
0x56: {  	s0 =	simm.s32 $0x0  }
0x57: {  	v2 =	vmov s0;
	s29 =	spop (v2sf)  }
0x58: {  	s31 =	sand.u32 $0x80, s0;
	v3 =	vshll.u32 v2, $0xE;
	s30 =	sadd.s32 s5, s29;
	s29 =	sadd.s32 $0x480, s28  }
0x59: {  	s0 =	sand.u32 $0x70, s0;
	v3 =	vor.u32 v0, v3;
	v2 =	vmov s30;
	s31 =	sadd.s32 s31, s29  }
0x5a: {  	s30 =	simm.s32 $0x10;
	v3 =	vadd.s32 v2, v3;
	s31 =	sadd.s32 s0, s31  }
.LBB2_11:
0x5b: {  	p0 =	sne.s32 s30, $0xF0;
	[tilespmem:s31+$0x0] =	vst v3;
	s0 =	smov.u32 s30;
	s30 =	sadd.s32 $0x10, s30  }
.Ltmp4:
0x5c: {  	(pc) =	sbr.rel @p0 .LBB2_11-.Ltmp4, $4  }
0x5d: {  	v3 =	vmov s0  }
0x5e: {  	s31 =	sand.u32 $0x80, s0;
	v3 =	vshll.u32 v3, $0xE  }
0x5f: {  	s0 =	sand.u32 $0x70, s0;
	s31 =	sadd.s32 s31, s29;
	v3 =	vor.u32 v0, v3  }
0x60: {  	s31 =	sadd.s32 s0, s31;
	v3 =	vadd.s32 v2, v3  }
0x61: {  	(v2sf) =	vpush v1, $0x5;
	_ =	sdelay $0x9  }
0x62: {  	[tilespmem:s31+$0x0] =	vst v3;
	s0 =	sadd.s32 $0x8280, s26  }
0x63: {  	[tilespmem:s0], [sflag:$0x1] =	stream.indirect.gather [hbm4b:s1+s15], $0x1, s29, s15, $0xb8;
	[tilespmem:$0x10080] =	vst v63  }
0x64: {  	s0 =	sadd.s32 $0x8680, s26;
	s29 =	sadd.s32 $0x500, s28  }
0x65: {  	[tilespmem:s0], [sflag:$0x1] =	stream.indirect.gather [hbm4b:s1+s15], $0x1, s29, s15, $0xb8;
	[tilespmem:$0x10080] =	vst v63  }
0x66: {  	s0 =	simm.s32 $0x0  }
0x67: {  	v2 =	vmov s0;
	s29 =	spop (v2sf)  }
0x68: {  	s31 =	sand.u32 $0x80, s0;
	v3 =	vshll.u32 v2, $0xE;
	s30 =	sadd.s32 s5, s29;
	s29 =	sadd.s32 $0x580, s28  }
0x69: {  	s0 =	sand.u32 $0x70, s0;
	v3 =	vor.u32 v0, v3;
	v2 =	vmov s30;
	s31 =	sadd.s32 s31, s29  }
0x6a: {  	s30 =	simm.s32 $0x10;
	v3 =	vadd.s32 v2, v3;
	s31 =	sadd.s32 s0, s31  }
.LBB2_13:
0x6b: {  	p0 =	sne.s32 s30, $0xF0;
	[tilespmem:s31+$0x0] =	vst v3;
	s0 =	smov.u32 s30;
	s30 =	sadd.s32 $0x10, s30  }
.Ltmp5:
0x6c: {  	(pc) =	sbr.rel @p0 .LBB2_13-.Ltmp5, $4  }
0x6d: {  	v3 =	vmov s0  }
0x6e: {  	s31 =	sand.u32 $0x80, s0;
	v3 =	vshll.u32 v3, $0xE  }
0x6f: {  	s0 =	sand.u32 $0x70, s0;
	s31 =	sadd.s32 s31, s29;
	v3 =	vor.u32 v0, v3  }
0x70: {  	s31 =	sadd.s32 s0, s31;
	v3 =	vadd.s32 v2, v3  }
0x71: {  	(v2sf) =	vpush v1, $0x6;
	_ =	sdelay $0x9  }
0x72: {  	[tilespmem:s31+$0x0] =	vst v3;
	s0 =	sadd.s32 $0x8300, s26  }
0x73: {  	[tilespmem:s0], [sflag:$0x1] =	stream.indirect.gather [hbm4b:s1+s15], $0x1, s29, s15, $0xb8;
	[tilespmem:$0x10080] =	vst v63  }
0x74: {  	s0 =	sadd.s32 $0x8700, s26;
	s29 =	sadd.s32 $0x600, s28  }
0x75: {  	[tilespmem:s0], [sflag:$0x1] =	stream.indirect.gather [hbm4b:s1+s15], $0x1, s29, s15, $0xb8;
	[tilespmem:$0x10080] =	vst v63  }
0x76: {  	s0 =	simm.s32 $0x0  }
0x77: {  	v2 =	vmov s0;
	s29 =	spop (v2sf)  }
0x78: {  	s31 =	sand.u32 $0x80, s0;
	v3 =	vshll.u32 v2, $0xE;
	s30 =	sadd.s32 s5, s29;
	s29 =	sadd.s32 $0x680, s28  }
0x79: {  	s0 =	sand.u32 $0x70, s0;
	v3 =	vor.u32 v0, v3;
	v2 =	vmov s30;
	s31 =	sadd.s32 s31, s29  }
0x7a: {  	s30 =	simm.s32 $0x10;
	v3 =	vadd.s32 v2, v3;
	s31 =	sadd.s32 s0, s31  }
.LBB2_15:
0x7b: {  	p0 =	sne.s32 s30, $0xF0;
	[tilespmem:s31+$0x0] =	vst v3;
	s0 =	smov.u32 s30;
	s30 =	sadd.s32 $0x10, s30  }
.Ltmp6:
0x7c: {  	(pc) =	sbr.rel @p0 .LBB2_15-.Ltmp6, $4  }
0x7d: {  	v3 =	vmov s0  }
0x7e: {  	s31 =	sand.u32 $0x80, s0;
	v3 =	vshll.u32 v3, $0xE  }
0x7f: {  	s0 =	sand.u32 $0x70, s0;
	s31 =	sadd.s32 s31, s29;
	v3 =	vor.u32 v0, v3  }
0x80: {  	s31 =	sadd.s32 s0, s31;
	v3 =	vadd.s32 v2, v3  }
0x81: {  	(v2sf) =	vpush v1, $0x7;
	_ =	sdelay $0x9  }
0x82: {  	[tilespmem:s31+$0x0] =	vst v3;
	s0 =	sadd.s32 $0x8380, s26  }
0x83: {  	[tilespmem:s0], [sflag:$0x1] =	stream.indirect.gather [hbm4b:s1+s15], $0x1, s29, s15, $0xb8;
	[tilespmem:$0x10080] =	vst v63  }
0x84: {  	s0 =	sadd.s32 $0x8780, s26;
	s29 =	sadd.s32 $0x700, s28  }
0x85: {  	[tilespmem:s0], [sflag:$0x1] =	stream.indirect.gather [hbm4b:s1+s15], $0x1, s29, s15, $0xb8;
	[tilespmem:$0x10080] =	vst v63  }
0x86: {  	s0 =	simm.s32 $0x0  }
0x87: {  	v2 =	vmov s0;
	s29 =	spop (v2sf)  }
0x88: {  	s31 =	sand.u32 $0x80, s0;
	v3 =	vshll.u32 v2, $0xE;
	s30 =	sadd.s32 s5, s29;
	s29 =	sadd.s32 $0x780, s28  }
0x89: {  	s0 =	sand.u32 $0x70, s0;
	v3 =	vor.u32 v0, v3;
	v2 =	vmov s30;
	s31 =	sadd.s32 s31, s29  }
0x8a: {  	s30 =	simm.s32 $0x10;
	v3 =	vadd.s32 v2, v3;
	s31 =	sadd.s32 s0, s31  }
.LBB2_17:
0x8b: {  	p0 =	sne.s32 s30, $0xF0;
	[tilespmem:s31+$0x0] =	vst v3;
	s0 =	smov.u32 s30;
	s30 =	sadd.s32 $0x10, s30  }
.Ltmp7:
0x8c: {  	(pc) =	sbr.rel @p0 .LBB2_17-.Ltmp7, $4  }
0x8d: {  	v3 =	vmov s0  }
0x8e: {  	s31 =	sand.u32 $0x80, s0;
	v3 =	vshll.u32 v3, $0xE  }
0x8f: {  	s0 =	sand.u32 $0x70, s0;
	s31 =	sadd.s32 s31, s29;
	v3 =	vor.u32 v0, v3  }
0x90: {  	s31 =	sadd.s32 s0, s31;
	v3 =	vadd.s32 v2, v3  }
0x91: {  	(v2sf) =	vpush v1, $0x8;
	_ =	sdelay $0x8  }
0x92: {  	[tilespmem:s31+$0x0] =	vst v3;
	s0 =	sadd.s32 $0x8400, s26  }
0x93: {  	[tilespmem:s0], [sflag:$0x1] =	stream.indirect.gather [hbm4b:s1+s15], $0x1, s29, s15, $0xb8;
	[tilespmem:$0x10080] =	vst v63  }
0x94: {  	s26 =	sadd.s32 $0x8800, s26;
	s31 =	sadd.s32 $0x800, s28  }
0x95: {  	[tilespmem:s26], [sflag:$0x1] =	stream.indirect.gather [hbm4b:s1+s15], $0x1, s31, s15, $0xb8;
	[tilespmem:$0x10080] =	vst v63  }
0x96: {  	s26 =	sor.u32 $0x8, s25  }
0x97: {  	s31 =	simm.s32 $0x0;
	s26 =	sshll.u32 s26, $0x8  }
0x98: {  	v2 =	vmov s31;
	s29 =	sand.u32 $0x3FFFFF00, s26;
	s28 =	spop (v2sf)  }
0x99: {  	v3 =	vshll.u32 v2, $0xE;
	s30 =	sadd.s32 s5, s28;
	s28 =	sor.u32 $0x80, s29;
	s29 =	sand.u32 $0x80, s31  }
0x9a: {  	s0 =	sand.u32 $0x70, s31;
	v3 =	vor.u32 v0, v3;
	v2 =	vmov s30;
	s30 =	sadd.s32 s29, s28  }
0x9b: {  	s29 =	simm.s32 $0x10;
	v3 =	vadd.s32 v2, v3;
	s30 =	sadd.s32 s0, s30  }
.LBB2_19:
0x9c: {  	p0 =	sne.s32 s29, $0xF0;
	[tilespmem:s30+$0x0] =	vst v3;
	s0 =	smov.u32 s29;
	s29 =	sadd.s32 $0x10, s29  }
.Ltmp8:
0x9d: {  	(pc) =	sbr.rel @p0 .LBB2_19-.Ltmp8, $4  }
0x9e: {  	v3 =	vmov s0  }
0x9f: {  	s30 =	sand.u32 $0x80, s0;
	v3 =	vshll.u32 v3, $0xE  }
0xa0: {  	s0 =	sand.u32 $0x70, s0;
	s30 =	sadd.s32 s30, s28;
	v3 =	vor.u32 v0, v3  }
0xa1: {  	s30 =	sadd.s32 s0, s30;
	v3 =	vadd.s32 v2, v3  }
0xa2: {  	(v2sf) =	vpush v1, $0x9;
	_ =	sdelay $0x9  }
0xa3: {  	[tilespmem:s30+$0x0] =	vst v3;
	s0 =	sadd.s32 $0x8080, s26;
	s28 =	sor.u32 $0x80, s26  }
0xa4: {  	[tilespmem:s0], [sflag:$0x1] =	stream.indirect.gather [hbm4b:s1+s15], $0x1, s28, s15, $0xb8;
	[tilespmem:$0x10080] =	vst v63  }
0xa5: {  	s31 =	sadd.s32 $0x100, s26;
	s0 =	sadd.s32 $0x8480, s26;
	s26 =	sor.u32 $0x9, s25  }
0xa6: {  	[tilespmem:s0], [sflag:$0x1] =	stream.indirect.gather [hbm4b:s1+s15], $0x1, s31, s15, $0xb8;
	[tilespmem:$0x10080] =	vst v63  }
0xa7: {  	s26 =	sshll.u32 s26, $0x8;
	s31 =	simm.s32 $0x0  }
0xa8: {  	s29 =	sand.u32 $0x3FFFFF00, s26;
	v2 =	vmov s31;
	s28 =	spop (v2sf)  }
0xa9: {  	v3 =	vshll.u32 v2, $0xE;
	s30 =	sadd.s32 s5, s28;
	s28 =	sor.u32 $0x80, s29;
	s29 =	sand.u32 $0x80, s31  }
0xaa: {  	s0 =	sand.u32 $0x70, s31;
	v3 =	vor.u32 v0, v3;
	v2 =	vmov s30;
	s30 =	sadd.s32 s29, s28  }
0xab: {  	s29 =	simm.s32 $0x10;
	v3 =	vadd.s32 v2, v3;
	s30 =	sadd.s32 s0, s30  }
.LBB2_21:
0xac: {  	p0 =	sne.s32 s29, $0xF0;
	[tilespmem:s30+$0x0] =	vst v3;
	s0 =	smov.u32 s29;
	s29 =	sadd.s32 $0x10, s29  }
.Ltmp9:
0xad: {  	(pc) =	sbr.rel @p0 .LBB2_21-.Ltmp9, $4  }
0xae: {  	v3 =	vmov s0  }
0xaf: {  	s30 =	sand.u32 $0x80, s0;
	v3 =	vshll.u32 v3, $0xE  }
0xb0: {  	s0 =	sand.u32 $0x70, s0;
	s30 =	sadd.s32 s30, s28;
	v3 =	vor.u32 v0, v3  }
0xb1: {  	s30 =	sadd.s32 s0, s30;
	v3 =	vadd.s32 v2, v3  }
0xb2: {  	(v2sf) =	vpush v1, $0xA;
	_ =	sdelay $0x8  }
0xb3: {  	s0 =	sand.u32 $0x7800, s26  }
0xb4: {  	[tilespmem:s30+$0x0] =	vst v3;
	s29 =	sor.u32 $0x80, s26;
	s28 =	sor.u32 $0x8100, s0  }
0xb5: {  	[tilespmem:s28], [sflag:$0x1] =	stream.indirect.gather [hbm4b:s1+s15], $0x1, s29, s15, $0xb8;
	[tilespmem:$0x10080] =	vst v63  }
0xb6: {  	s31 =	sadd.s32 $0x100, s26;
	s26 =	sor.u32 $0xA, s25;
	s0 =	sor.u32 $0x8500, s0  }
0xb7: {  	[tilespmem:s0], [sflag:$0x1] =	stream.indirect.gather [hbm4b:s1+s15], $0x1, s31, s15, $0xb8;
	[tilespmem:$0x10080] =	vst v63  }
0xb8: {  	s26 =	sshll.u32 s26, $0x8;
	s31 =	simm.s32 $0x0  }
0xb9: {  	s29 =	sand.u32 $0x3FFFFF00, s26;
	v2 =	vmov s31;
	s28 =	spop (v2sf)  }
0xba: {  	v3 =	vshll.u32 v2, $0xE;
	s30 =	sadd.s32 s5, s28;
	s28 =	sor.u32 $0x80, s29;
	s29 =	sand.u32 $0x80, s31  }
0xbb: {  	s0 =	sand.u32 $0x70, s31;
	v3 =	vor.u32 v0, v3;
	v2 =	vmov s30;
	s30 =	sadd.s32 s29, s28  }
0xbc: {  	s29 =	simm.s32 $0x10;
	v3 =	vadd.s32 v2, v3;
	s30 =	sadd.s32 s0, s30  }
.LBB2_23:
0xbd: {  	p0 =	sne.s32 s29, $0xF0;
	[tilespmem:s30+$0x0] =	vst v3;
	s0 =	smov.u32 s29;
	s29 =	sadd.s32 $0x10, s29  }
.Ltmp10:
0xbe: {  	(pc) =	sbr.rel @p0 .LBB2_23-.Ltmp10, $4  }
0xbf: {  	v3 =	vmov s0  }
0xc0: {  	s30 =	sand.u32 $0x80, s0;
	v3 =	vshll.u32 v3, $0xE  }
0xc1: {  	s0 =	sand.u32 $0x70, s0;
	s30 =	sadd.s32 s30, s28;
	v3 =	vor.u32 v0, v3  }
0xc2: {  	s30 =	sadd.s32 s0, s30;
	v3 =	vadd.s32 v2, v3  }
0xc3: {  	(v2sf) =	vpush v1, $0xB;
	_ =	sdelay $0x8  }
0xc4: {  	s0 =	sand.u32 $0x7800, s26  }
0xc5: {  	[tilespmem:s30+$0x0] =	vst v3;
	s29 =	sor.u32 $0x80, s26;
	s28 =	sor.u32 $0x8180, s0  }
0xc6: {  	[tilespmem:s28], [sflag:$0x1] =	stream.indirect.gather [hbm4b:s1+s15], $0x1, s29, s15, $0xb8;
	[tilespmem:$0x10080] =	vst v63  }
0xc7: {  	s31 =	sadd.s32 $0x100, s26;
	s26 =	sor.u32 $0xB, s25;
	s0 =	sor.u32 $0x8580, s0  }
0xc8: {  	[tilespmem:s0], [sflag:$0x1] =	stream.indirect.gather [hbm4b:s1+s15], $0x1, s31, s15, $0xb8;
	[tilespmem:$0x10080] =	vst v63  }
0xc9: {  	s26 =	sshll.u32 s26, $0x8;
	s31 =	simm.s32 $0x0  }
0xca: {  	s29 =	sand.u32 $0x3FFFFF00, s26;
	v2 =	vmov s31;
	s28 =	spop (v2sf)  }
0xcb: {  	v3 =	vshll.u32 v2, $0xE;
	s30 =	sadd.s32 s5, s28;
	s28 =	sor.u32 $0x80, s29;
	s29 =	sand.u32 $0x80, s31  }
0xcc: {  	s0 =	sand.u32 $0x70, s31;
	v3 =	vor.u32 v0, v3;
	v2 =	vmov s30;
	s30 =	sadd.s32 s29, s28  }
0xcd: {  	s29 =	simm.s32 $0x10;
	v3 =	vadd.s32 v2, v3;
	s30 =	sadd.s32 s0, s30  }
.LBB2_25:
0xce: {  	p0 =	sne.s32 s29, $0xF0;
	[tilespmem:s30+$0x0] =	vst v3;
	s0 =	smov.u32 s29;
	s29 =	sadd.s32 $0x10, s29  }
.Ltmp11:
0xcf: {  	(pc) =	sbr.rel @p0 .LBB2_25-.Ltmp11, $4  }
0xd0: {  	v3 =	vmov s0  }
0xd1: {  	s30 =	sand.u32 $0x80, s0;
	v3 =	vshll.u32 v3, $0xE  }
0xd2: {  	s0 =	sand.u32 $0x70, s0;
	s30 =	sadd.s32 s30, s28;
	v3 =	vor.u32 v0, v3  }
0xd3: {  	s30 =	sadd.s32 s0, s30;
	v3 =	vadd.s32 v2, v3  }
0xd4: {  	(v2sf) =	vpush v1, $0xC;
	_ =	sdelay $0x8  }
0xd5: {  	s0 =	sand.u32 $0x7800, s26  }
0xd6: {  	[tilespmem:s30+$0x0] =	vst v3;
	s29 =	sor.u32 $0x80, s26;
	s28 =	sor.u32 $0x8200, s0  }
0xd7: {  	[tilespmem:s28], [sflag:$0x1] =	stream.indirect.gather [hbm4b:s1+s15], $0x1, s29, s15, $0xb8;
	[tilespmem:$0x10080] =	vst v63  }
0xd8: {  	s31 =	sadd.s32 $0x100, s26;
	s26 =	sor.u32 $0xC, s25;
	s0 =	sor.u32 $0x8600, s0  }
0xd9: {  	[tilespmem:s0], [sflag:$0x1] =	stream.indirect.gather [hbm4b:s1+s15], $0x1, s31, s15, $0xb8;
	[tilespmem:$0x10080] =	vst v63  }
0xda: {  	s26 =	sshll.u32 s26, $0x8;
	s31 =	simm.s32 $0x0  }
0xdb: {  	s29 =	sand.u32 $0x3FFFFF00, s26;
	v2 =	vmov s31;
	s28 =	spop (v2sf)  }
0xdc: {  	v3 =	vshll.u32 v2, $0xE;
	s30 =	sadd.s32 s5, s28;
	s28 =	sor.u32 $0x80, s29;
	s29 =	sand.u32 $0x80, s31  }
0xdd: {  	s0 =	sand.u32 $0x70, s31;
	v3 =	vor.u32 v0, v3;
	v2 =	vmov s30;
	s30 =	sadd.s32 s29, s28  }
0xde: {  	s29 =	simm.s32 $0x10;
	v3 =	vadd.s32 v2, v3;
	s30 =	sadd.s32 s0, s30  }
.LBB2_27:
0xdf: {  	p0 =	sne.s32 s29, $0xF0;
	[tilespmem:s30+$0x0] =	vst v3;
	s0 =	smov.u32 s29;
	s29 =	sadd.s32 $0x10, s29  }
.Ltmp12:
0xe0: {  	(pc) =	sbr.rel @p0 .LBB2_27-.Ltmp12, $4  }
0xe1: {  	v3 =	vmov s0  }
0xe2: {  	s30 =	sand.u32 $0x80, s0;
	v3 =	vshll.u32 v3, $0xE  }
0xe3: {  	s0 =	sand.u32 $0x70, s0;
	s30 =	sadd.s32 s30, s28;
	v3 =	vor.u32 v0, v3  }
0xe4: {  	s30 =	sadd.s32 s0, s30;
	v3 =	vadd.s32 v2, v3  }
0xe5: {  	(v2sf) =	vpush v1, $0xD;
	_ =	sdelay $0x8  }
0xe6: {  	s0 =	sand.u32 $0x7800, s26  }
0xe7: {  	[tilespmem:s30+$0x0] =	vst v3;
	s28 =	sor.u32 $0x80, s26;
	s0 =	sor.u32 $0x8280, s0  }
0xe8: {  	[tilespmem:s0], [sflag:$0x1] =	stream.indirect.gather [hbm4b:s1+s15], $0x1, s28, s15, $0xb8;
	[tilespmem:$0x10080] =	vst v63  }
0xe9: {  	s31 =	sadd.s32 $0x100, s26;
	s0 =	sadd.s32 $0x8280, s26;
	s26 =	sor.u32 $0xD, s25  }
0xea: {  	[tilespmem:s0], [sflag:$0x1] =	stream.indirect.gather [hbm4b:s1+s15], $0x1, s31, s15, $0xb8;
	[tilespmem:$0x10080] =	vst v63  }
0xeb: {  	s26 =	sshll.u32 s26, $0x8;
	s31 =	simm.s32 $0x0  }
0xec: {  	s29 =	sand.u32 $0x3FFFFF00, s26;
	v2 =	vmov s31;
	s28 =	spop (v2sf)  }
0xed: {  	v3 =	vshll.u32 v2, $0xE;
	s30 =	sadd.s32 s5, s28;
	s28 =	sor.u32 $0x80, s29;
	s29 =	sand.u32 $0x80, s31  }
0xee: {  	s0 =	sand.u32 $0x70, s31;
	v3 =	vor.u32 v0, v3;
	v2 =	vmov s30;
	s30 =	sadd.s32 s29, s28  }
0xef: {  	s29 =	simm.s32 $0x10;
	v3 =	vadd.s32 v2, v3;
	s30 =	sadd.s32 s0, s30  }
.LBB2_29:
0xf0: {  	p0 =	sne.s32 s29, $0xF0;
	[tilespmem:s30+$0x0] =	vst v3;
	s0 =	smov.u32 s29;
	s29 =	sadd.s32 $0x10, s29  }
.Ltmp13:
0xf1: {  	(pc) =	sbr.rel @p0 .LBB2_29-.Ltmp13, $4  }
0xf2: {  	v3 =	vmov s0  }
0xf3: {  	s30 =	sand.u32 $0x80, s0;
	v3 =	vshll.u32 v3, $0xE  }
0xf4: {  	s0 =	sand.u32 $0x70, s0;
	s30 =	sadd.s32 s30, s28;
	v3 =	vor.u32 v0, v3  }
0xf5: {  	s30 =	sadd.s32 s0, s30;
	v3 =	vadd.s32 v2, v3  }
0xf6: {  	(v2sf) =	vpush v1, $0xE;
	_ =	sdelay $0x8  }
0xf7: {  	s0 =	sand.u32 $0x7800, s26  }
0xf8: {  	[tilespmem:s30+$0x0] =	vst v3;
	s29 =	sor.u32 $0x80, s26;
	s28 =	sor.u32 $0x8300, s0  }
0xf9: {  	[tilespmem:s28], [sflag:$0x1] =	stream.indirect.gather [hbm4b:s1+s15], $0x1, s29, s15, $0xb8;
	[tilespmem:$0x10080] =	vst v63  }
0xfa: {  	s31 =	sadd.s32 $0x100, s26;
	s26 =	sor.u32 $0xE, s25;
	s0 =	sor.u32 $0x8700, s0  }
0xfb: {  	[tilespmem:s0], [sflag:$0x1] =	stream.indirect.gather [hbm4b:s1+s15], $0x1, s31, s15, $0xb8;
	[tilespmem:$0x10080] =	vst v63  }
0xfc: {  	s26 =	sshll.u32 s26, $0x8;
	s31 =	simm.s32 $0x0  }
0xfd: {  	s29 =	sand.u32 $0x3FFFFF00, s26;
	v2 =	vmov s31;
	s28 =	spop (v2sf)  }
0xfe: {  	v3 =	vshll.u32 v2, $0xE;
	s30 =	sadd.s32 s5, s28;
	s28 =	sor.u32 $0x80, s29;
	s29 =	sand.u32 $0x80, s31  }
0xff: {  	s0 =	sand.u32 $0x70, s31;
	v3 =	vor.u32 v0, v3;
	v2 =	vmov s30;
	s30 =	sadd.s32 s29, s28  }
0x100: {  	s29 =	simm.s32 $0x10;
	v3 =	vadd.s32 v2, v3;
	s30 =	sadd.s32 s0, s30  }
.LBB2_31:
0x101: {  	p0 =	sne.s32 s29, $0xF0;
	[tilespmem:s30+$0x0] =	vst v3;
	s0 =	smov.u32 s29;
	s29 =	sadd.s32 $0x10, s29  }
.Ltmp14:
0x102: {  	(pc) =	sbr.rel @p0 .LBB2_31-.Ltmp14, $4  }
0x103: {  	v3 =	vmov s0  }
0x104: {  	s30 =	sand.u32 $0x80, s0;
	v3 =	vshll.u32 v3, $0xE  }
0x105: {  	s0 =	sand.u32 $0x70, s0;
	s30 =	sadd.s32 s30, s28;
	v3 =	vor.u32 v0, v3  }
0x106: {  	s30 =	sadd.s32 s0, s30;
	v3 =	vadd.s32 v2, v3  }
0x107: {  	(v2sf) =	vpush v1, $0xF;
	_ =	sdelay $0x8  }
0x108: {  	s0 =	sand.u32 $0x7800, s26  }
0x109: {  	[tilespmem:s30+$0x0] =	vst v3;
	s28 =	sor.u32 $0x80, s26;
	s31 =	sor.u32 $0x700, s26;
	s0 =	sor.u32 $0x8380, s0  }
0x10a: {  	[tilespmem:s0], [sflag:$0x1] =	stream.indirect.gather [hbm4b:s1+s15], $0x1, s28, s15, $0xb8;
	[tilespmem:$0x10080] =	vst v63  }
0x10b: {  	s0 =	sadd.s32 $0x8080, s31;
	s31 =	sadd.s32 $0x100, s26;
	s26 =	sor.u32 $0xF, s25  }
0x10c: {  	[tilespmem:s0], [sflag:$0x1] =	stream.indirect.gather [hbm4b:s1+s15], $0x1, s31, s15, $0xb8;
	[tilespmem:$0x10080] =	vst v63  }
0x10d: {  	s26 =	sshll.u32 s26, $0x8;
	s31 =	simm.s32 $0x0  }
0x10e: {  	s29 =	sand.u32 $0x3FFFFF00, s26;
	v1 =	vmov s31;
	s28 =	spop (v2sf)  }
0x10f: {  	v2 =	vshll.u32 v1, $0xE;
	s30 =	sadd.s32 s5, s28;
	s28 =	sor.u32 $0x80, s29;
	s29 =	sand.u32 $0x80, s31  }
0x110: {  	s0 =	sand.u32 $0x70, s31;
	v2 =	vor.u32 v0, v2;
	v1 =	vmov s30;
	s30 =	sadd.s32 s29, s28  }
0x111: {  	s29 =	simm.s32 $0x10;
	v2 =	vadd.s32 v1, v2;
	s30 =	sadd.s32 s0, s30  }
.LBB2_33:
0x112: {  	p0 =	sne.s32 s29, $0xF0;
	[tilespmem:s30+$0x0] =	vst v2;
	s0 =	smov.u32 s29;
	s29 =	sadd.s32 $0x10, s29  }
.Ltmp15:
0x113: {  	(pc) =	sbr.rel @p0 .LBB2_33-.Ltmp15, $4  }
0x114: {  	v2 =	vmov s0  }
0x115: {  	s30 =	sand.u32 $0x80, s0;
	v2 =	vshll.u32 v2, $0xE  }
0x116: {  	s0 =	sand.u32 $0x70, s0;
	s30 =	sadd.s32 s30, s28;
	v2 =	vor.u32 v0, v2  }
0x117: {  	s30 =	sadd.s32 s0, s30;
	v2 =	vadd.s32 v1, v2  }
0x118: {  	s0 =	sand.u32 $0x7800, s26  }
0x119: {  	[tilespmem:s30+$0x0] =	vst v2;
	s28 =	sor.u32 $0x80, s26;
	s30 =	sor.u32 $0x780, s26;
	s0 =	sor.u32 $0x8400, s0  }
0x11a: {  	[tilespmem:s0], [sflag:$0x1] =	stream.indirect.gather [hbm4b:s1+s15], $0x1, s28, s15, $0xb8;
	[tilespmem:$0x10080] =	vst v63  }
0x11b: {  	s31 =	sadd.s32 $0x100, s26;
	p0 =	slt.u32 s24, $0x5;
	s0 =	sadd.s32 $0x8080, s30  }
0x11c: {  	[tilespmem:s0], [sflag:$0x1] =	stream.indirect.gather [hbm4b:s1+s15], $0x1, s31, s15, $0xb8;
	[tilespmem:$0x10080] =	vst v63  }
0x11d: {  	s0 =	simm.s32 @!p0 $0x1  }
0x11e: {  	_ =	swait.ge @!p0 [sflag:s0], $0x100  }
0x11f: {  	[sflag:s0] =	ssyncset.done @!p0 $0x0  }
0x120: {  	[sflag:s0] =	ssyncadd.s32 @!p0 $0xFFFFFF00  }
0x121: {  	_ =	swait.ge @!p0 [sflag:s0], $0x100  }
0x122: {  	[sflag:s0] =	ssyncset.done @!p0 $0x0  }
0x123: {  	[sflag:s0] =	ssyncadd.s32 @!p0 $0xFFFFFF00  }
0x124: {  	_ =	swait.ge @!p0 [sflag:s0], $0x100  }
0x125: {  	[sflag:s0] =	ssyncset.done @!p0 $0x0  }
0x126: {  	[sflag:s0] =	ssyncadd.s32 @!p0 $0xFFFFFF00  }
0x127: {  	_ =	swait.ge @!p0 [sflag:s0], $0x100  }
0x128: {  	[sflag:s0] =	ssyncset.done @!p0 $0x0  }
0x129: {  	[sflag:s0] =	ssyncadd.s32 @!p0 $0xFFFFFF00  }
0x12a: {  	_ =	swait.ge @!p0 [sflag:s0], $0x100  }
0x12b: {  	[sflag:s0] =	ssyncset.done @!p0 $0x0  }
0x12c: {  	[sflag:s0] =	ssyncadd.s32 @!p0 $0xFFFFFF00  }
0x12d: {  	_ =	swait.ge @!p0 [sflag:s0], $0x100  }
0x12e: {  	[sflag:s0] =	ssyncset.done @!p0 $0x0  }
0x12f: {  	[sflag:s0] =	ssyncadd.s32 @!p0 $0xFFFFFF00  }
0x130: {  	_ =	swait.ge @!p0 [sflag:s0], $0x100  }
0x131: {  	[sflag:s0] =	ssyncset.done @!p0 $0x0  }
0x132: {  	[sflag:s0] =	ssyncadd.s32 @!p0 $0xFFFFFF00  }
0x133: {  	_ =	swait.ge @!p0 [sflag:s0], $0x100  }
0x134: {  	[sflag:s0] =	ssyncset.done @!p0 $0x0  }
0x135: {  	[sflag:s0] =	ssyncadd.s32 @!p0 $0xFFFFFF00  }
0x136: {  	_ =	swait.ge @!p0 [sflag:s0], $0x100  }
0x137: {  	[sflag:s0] =	ssyncset.done @!p0 $0x0  }
0x138: {  	[sflag:s0] =	ssyncadd.s32 @!p0 $0xFFFFFF00  }
0x139: {  	_ =	swait.ge @!p0 [sflag:s0], $0x100  }
0x13a: {  	[sflag:s0] =	ssyncset.done @!p0 $0x0  }
0x13b: {  	[sflag:s0] =	ssyncadd.s32 @!p0 $0xFFFFFF00  }
0x13c: {  	_ =	swait.ge @!p0 [sflag:s0], $0x100  }
0x13d: {  	[sflag:s0] =	ssyncset.done @!p0 $0x0  }
0x13e: {  	[sflag:s0] =	ssyncadd.s32 @!p0 $0xFFFFFF00  }
0x13f: {  	_ =	swait.ge @!p0 [sflag:s0], $0x100  }
0x140: {  	[sflag:s0] =	ssyncset.done @!p0 $0x0  }
0x141: {  	[sflag:s0] =	ssyncadd.s32 @!p0 $0xFFFFFF00  }
0x142: {  	_ =	swait.ge @!p0 [sflag:s0], $0x100  }
0x143: {  	[sflag:s0] =	ssyncset.done @!p0 $0x0  }
0x144: {  	[sflag:s0] =	ssyncadd.s32 @!p0 $0xFFFFFF00  }
0x145: {  	_ =	swait.ge @!p0 [sflag:s0], $0x100  }
0x146: {  	[sflag:s0] =	ssyncset.done @!p0 $0x0  }
0x147: {  	[sflag:s0] =	ssyncadd.s32 @!p0 $0xFFFFFF00  }
0x148: {  	_ =	swait.ge @!p0 [sflag:s0], $0x100  }
0x149: {  	[sflag:s0] =	ssyncset.done @!p0 $0x0  }
0x14a: {  	s25 =	sshll.u32 @!p0 s25, $0x8;
	[sflag:s0] =	ssyncadd.s32 @!p0 $0xFFFFFF00  }
0x14b: {  	s25 =	sadd.s32 @!p0 $0xFFFFB000, s25;
	_ =	swait.ge @!p0 [sflag:s0], $0x100  }
0x14c: {  	s24 =	sadd.s32 $0x1, s24;
	s26 =	sadd.s32 @!p0 s7, s25;
	[sflag:s0] =	ssyncset.done @!p0 $0x0  }
0x14d: {  	[sflag:s0] =	ssyncadd.s32 @!p0 $0xFFFFFF00;
	s0 =	sand.u32 @!p0 $0x3FFFFF00, s25;
	s25 =	sshrl.u32 @!p0 s26, $0x3  }
0x14e: {  	s26 =	simm.s32 @!p0 $0x0;
	s0 =	sadd.s32 @!p0 $0x8080, s0;
	s25 =	sadd.s32 @!p0 s4, s25  }
0x14f: {  	[hbm4b:s25+s26] =	stream.linear.scatter @!p0 [tilespmem:s0], [sflag:$0x2], $0x1000, $0x38;
	[tilespmem:$0x10080] =	vst v63  }
0x150: {  	p0 =	sne.s32 s24, $0x8  }
.Ltmp16:
0x151: {  	_ = 	snop;
	(pc) =	sbr.rel @p0 .LBB2_2-.Ltmp16, $1  }
0x152: {  	_ =	sdelay $0x3  }
0x153: {  	_ =	swait.ge [sflag:s16], $0x100  }
0x154: {  	[sflag:s16] =	ssyncset.done $0x0  }
0x155: {  	[sflag:s16] =	ssyncadd.s32 $0xFFFFFF00  }
0x156: {  	_ =	swait.ge [sflag:s16], $0x100  }
0x157: {  	[sflag:s16] =	ssyncset.done $0x0  }
0x158: {  	[sflag:s16] =	ssyncadd.s32 $0xFFFFFF00  }
0x159: {  	_ =	swait.ge [sflag:s16], $0x100  }
0x15a: {  	[sflag:s16] =	ssyncset.done $0x0  }
0x15b: {  	[sflag:s16] =	ssyncadd.s32 $0xFFFFFF00  }
0x15c: {  	_ =	swait.ge [sflag:s16], $0x100  }
0x15d: {  	[sflag:s16] =	ssyncset.done $0x0  }
0x15e: {  	[sflag:s16] =	ssyncadd.s32 $0xFFFFFF00  }
0x15f: {  	_ =	swait.ge [sflag:s16], $0x100  }
0x160: {  	[sflag:s16] =	ssyncset.done $0x0  }
0x161: {  	[sflag:s16] =	ssyncadd.s32 $0xFFFFFF00  }
0x162: {  	_ =	swait.ge [sflag:s16], $0x100  }
0x163: {  	[sflag:s16] =	ssyncset.done $0x0  }
0x164: {  	[sflag:s16] =	ssyncadd.s32 $0xFFFFFF00  }
0x165: {  	_ =	swait.ge [sflag:s16], $0x100  }
0x166: {  	[sflag:s16] =	ssyncset.done $0x0  }
0x167: {  	[sflag:s16] =	ssyncadd.s32 $0xFFFFFF00  }
0x168: {  	_ =	swait.ge [sflag:s16], $0x100  }
0x169: {  	[sflag:s16] =	ssyncset.done $0x0  }
0x16a: {  	[sflag:s16] =	ssyncadd.s32 $0xFFFFFF00  }
0x16b: {  	_ =	swait.ge [sflag:s16], $0x100  }
0x16c: {  	[sflag:s16] =	ssyncset.done $0x0  }
0x16d: {  	[sflag:s16] =	ssyncadd.s32 $0xFFFFFF00  }
0x16e: {  	_ =	swait.ge [sflag:s16], $0x100  }
0x16f: {  	[sflag:s16] =	ssyncset.done $0x0  }
0x170: {  	[sflag:s16] =	ssyncadd.s32 $0xFFFFFF00  }
0x171: {  	_ =	swait.ge [sflag:s16], $0x100  }
0x172: {  	[sflag:s16] =	ssyncset.done $0x0  }
0x173: {  	[sflag:s16] =	ssyncadd.s32 $0xFFFFFF00  }
0x174: {  	_ =	swait.ge [sflag:s16], $0x100  }
0x175: {  	[sflag:s16] =	ssyncset.done $0x0  }
0x176: {  	[sflag:s16] =	ssyncadd.s32 $0xFFFFFF00  }
0x177: {  	_ =	swait.ge [sflag:s16], $0x100  }
0x178: {  	[sflag:s16] =	ssyncset.done $0x0  }
0x179: {  	[sflag:s16] =	ssyncadd.s32 $0xFFFFFF00  }
0x17a: {  	_ =	swait.ge [sflag:s16], $0x100  }
0x17b: {  	[sflag:s16] =	ssyncset.done $0x0  }
0x17c: {  	[sflag:s16] =	ssyncadd.s32 $0xFFFFFF00  }
0x17d: {  	_ =	swait.ge [sflag:s16], $0x100  }
0x17e: {  	[sflag:s16] =	ssyncset.done $0x0  }
0x17f: {  	[sflag:s16] =	ssyncadd.s32 $0xFFFFFF00  }
0x180: {  	_ =	swait.ge [sflag:s16], $0x100  }
0x181: {  	[sflag:s16] =	ssyncset.done $0x0  }
0x182: {  	[sflag:s16] =	ssyncadd.s32 $0xFFFFFF00  }
0x183: {  	_ =	swait.ge [sflag:s16], $0x100  }
0x184: {  	[sflag:s16] =	ssyncset.done $0x0  }
0x185: {  	[sflag:s16] =	ssyncadd.s32 $0xFFFFFF00  }
0x186: {  	_ =	swait.ge [sflag:s16], $0x100  }
0x187: {  	[sflag:s16] =	ssyncset.done $0x0  }
0x188: {  	[sflag:s16] =	ssyncadd.s32 $0xFFFFFF00  }
0x189: {  	_ =	swait.ge [sflag:s16], $0x100  }
0x18a: {  	[sflag:s16] =	ssyncset.done $0x0  }
0x18b: {  	[sflag:s16] =	ssyncadd.s32 $0xFFFFFF00  }
0x18c: {  	_ =	swait.ge [sflag:s16], $0x100  }
0x18d: {  	[sflag:s16] =	ssyncset.done $0x0  }
0x18e: {  	[sflag:s16] =	ssyncadd.s32 $0xFFFFFF00  }
0x18f: {  	_ =	swait.ge [sflag:s16], $0x100  }
0x190: {  	[sflag:s16] =	ssyncset.done $0x0  }
0x191: {  	[sflag:s16] =	ssyncadd.s32 $0xFFFFFF00  }
0x192: {  	_ =	swait.ge [sflag:s16], $0x100  }
0x193: {  	[sflag:s16] =	ssyncset.done $0x0  }
0x194: {  	[sflag:s16] =	ssyncadd.s32 $0xFFFFFF00  }
0x195: {  	_ =	swait.ge [sflag:s16], $0x100  }
0x196: {  	[sflag:s16] =	ssyncset.done $0x0  }
0x197: {  	[sflag:s16] =	ssyncadd.s32 $0xFFFFFF00  }
0x198: {  	_ =	swait.ge [sflag:s16], $0x100  }
0x199: {  	[sflag:s16] =	ssyncset.done $0x0  }
0x19a: {  	[sflag:s16] =	ssyncadd.s32 $0xFFFFFF00  }
0x19b: {  	_ =	swait.ge [sflag:s16], $0x100  }
0x19c: {  	[sflag:s16] =	ssyncset.done $0x0  }
0x19d: {  	[sflag:s16] =	ssyncadd.s32 $0xFFFFFF00  }
0x19e: {  	_ =	swait.ge [sflag:s16], $0x100  }
0x19f: {  	[sflag:s16] =	ssyncset.done $0x0  }
0x1a0: {  	[sflag:s16] =	ssyncadd.s32 $0xFFFFFF00  }
0x1a1: {  	_ =	swait.ge [sflag:s16], $0x100  }
0x1a2: {  	[sflag:s16] =	ssyncset.done $0x0  }
0x1a3: {  	[sflag:s16] =	ssyncadd.s32 $0xFFFFFF00  }
0x1a4: {  	_ =	swait.ge [sflag:s16], $0x100  }
0x1a5: {  	[sflag:s16] =	ssyncset.done $0x0  }
0x1a6: {  	[sflag:s16] =	ssyncadd.s32 $0xFFFFFF00  }
0x1a7: {  	_ =	swait.ge [sflag:s16], $0x100  }
0x1a8: {  	[sflag:s16] =	ssyncset.done $0x0  }
0x1a9: {  	[sflag:s16] =	ssyncadd.s32 $0xFFFFFF00  }
0x1aa: {  	_ =	swait.ge [sflag:s16], $0x100  }
0x1ab: {  	[sflag:s16] =	ssyncset.done $0x0  }
0x1ac: {  	[sflag:s16] =	ssyncadd.s32 $0xFFFFFF00  }
0x1ad: {  	_ =	swait.ge [sflag:s16], $0x100  }
0x1ae: {  	[sflag:s16] =	ssyncset.done $0x0  }
0x1af: {  	[sflag:s16] =	ssyncadd.s32 $0xFFFFFF00  }
0x1b0: {  	_ =	swait.ge [sflag:s16], $0x100  }
0x1b1: {  	[sflag:s16] =	ssyncset.done $0x0  }
0x1b2: {  	[sflag:s16] =	ssyncadd.s32 $0xFFFFFF00  }
0x1b3: {  	_ =	swait.ge [sflag:s16], $0x100  }
0x1b4: {  	[sflag:s16] =	ssyncset.done $0x0  }
0x1b5: {  	[sflag:s16] =	ssyncadd.s32 $0xFFFFFF00  }
0x1b6: {  	_ =	swait.ge [sflag:s16], $0x100  }
0x1b7: {  	[sflag:s16] =	ssyncset.done $0x0  }
0x1b8: {  	[sflag:s16] =	ssyncadd.s32 $0xFFFFFF00  }
0x1b9: {  	_ =	swait.ge [sflag:s16], $0x100  }
0x1ba: {  	[sflag:s16] =	ssyncset.done $0x0  }
0x1bb: {  	[sflag:s16] =	ssyncadd.s32 $0xFFFFFF00  }
0x1bc: {  	_ =	swait.ge [sflag:s16], $0x100  }
0x1bd: {  	[sflag:s16] =	ssyncset.done $0x0  }
0x1be: {  	[sflag:s16] =	ssyncadd.s32 $0xFFFFFF00  }
0x1bf: {  	_ =	swait.ge [sflag:s16], $0x100  }
0x1c0: {  	[sflag:s16] =	ssyncset.done $0x0  }
0x1c1: {  	[sflag:s16] =	ssyncadd.s32 $0xFFFFFF00  }
0x1c2: {  	_ =	swait.ge [sflag:s16], $0x100  }
0x1c3: {  	[sflag:s16] =	ssyncset.done $0x0  }
0x1c4: {  	[sflag:s16] =	ssyncadd.s32 $0xFFFFFF00  }
0x1c5: {  	_ =	swait.ge [sflag:s16], $0x100  }
0x1c6: {  	[sflag:s16] =	ssyncset.done $0x0  }
0x1c7: {  	[sflag:s16] =	ssyncadd.s32 $0xFFFFFF00  }
0x1c8: {  	_ =	swait.ge [sflag:s16], $0x100  }
0x1c9: {  	[sflag:s16] =	ssyncset.done $0x0  }
0x1ca: {  	[sflag:s16] =	ssyncadd.s32 $0xFFFFFF00  }
0x1cb: {  	_ =	swait.ge [sflag:s16], $0x100  }
0x1cc: {  	[sflag:s16] =	ssyncset.done $0x0  }
0x1cd: {  	[sflag:s16] =	ssyncadd.s32 $0xFFFFFF00  }
0x1ce: {  	_ =	swait.ge [sflag:s16], $0x100  }
0x1cf: {  	[sflag:s16] =	ssyncset.done $0x0  }
0x1d0: {  	[sflag:s16] =	ssyncadd.s32 $0xFFFFFF00  }
0x1d1: {  	_ =	swait.ge [sflag:s16], $0x100  }
0x1d2: {  	[sflag:s16] =	ssyncset.done $0x0  }
0x1d3: {  	[sflag:s16] =	ssyncadd.s32 $0xFFFFFF00  }
0x1d4: {  	_ =	swait.ge [sflag:s16], $0x100  }
0x1d5: {  	[sflag:s16] =	ssyncset.done $0x0  }
0x1d6: {  	[sflag:s16] =	ssyncadd.s32 $0xFFFFFF00  }
0x1d7: {  	_ =	swait.ge [sflag:s16], $0x100  }
0x1d8: {  	[sflag:s16] =	ssyncset.done $0x0  }
0x1d9: {  	[sflag:s16] =	ssyncadd.s32 $0xFFFFFF00  }
0x1da: {  	_ =	swait.ge [sflag:s16], $0x100  }
0x1db: {  	[sflag:s16] =	ssyncset.done $0x0  }
0x1dc: {  	[sflag:s16] =	ssyncadd.s32 $0xFFFFFF00  }
0x1dd: {  	_ =	swait.ge [sflag:s16], $0x100  }
0x1de: {  	[sflag:s16] =	ssyncset.done $0x0  }
0x1df: {  	[sflag:s16] =	ssyncadd.s32 $0xFFFFFF00  }
0x1e0: {  	_ =	swait.ge [sflag:s16], $0x100  }
0x1e1: {  	[sflag:s16] =	ssyncset.done $0x0  }
0x1e2: {  	[sflag:s16] =	ssyncadd.s32 $0xFFFFFF00  }
0x1e3: {  	_ =	swait.ge [sflag:s16], $0x100  }
0x1e4: {  	[sflag:s16] =	ssyncset.done $0x0  }
0x1e5: {  	[sflag:s16] =	ssyncadd.s32 $0xFFFFFF00  }
0x1e6: {  	_ =	swait.ge [sflag:s16], $0x100  }
0x1e7: {  	[sflag:s16] =	ssyncset.done $0x0  }
0x1e8: {  	[sflag:s16] =	ssyncadd.s32 $0xFFFFFF00  }
0x1e9: {  	_ =	swait.ge [sflag:s16], $0x100  }
0x1ea: {  	[sflag:s16] =	ssyncset.done $0x0  }
0x1eb: {  	[sflag:s16] =	ssyncadd.s32 $0xFFFFFF00  }
0x1ec: {  	_ =	swait.ge [sflag:s16], $0x100  }
0x1ed: {  	[sflag:s16] =	ssyncset.done $0x0  }
0x1ee: {  	[sflag:s16] =	ssyncadd.s32 $0xFFFFFF00  }
0x1ef: {  	_ =	swait.ge [sflag:s16], $0x100  }
0x1f0: {  	[sflag:s16] =	ssyncset.done $0x0  }
0x1f1: {  	[sflag:s16] =	ssyncadd.s32 $0xFFFFFF00  }
0x1f2: {  	_ =	swait.ge [sflag:s16], $0x100  }
0x1f3: {  	[sflag:s16] =	ssyncset.done $0x0  }
0x1f4: {  	[sflag:s16] =	ssyncadd.s32 $0xFFFFFF00  }
0x1f5: {  	_ =	swait.ge [sflag:s16], $0x100  }
0x1f6: {  	[sflag:s16] =	ssyncset.done $0x0  }
0x1f7: {  	[sflag:s16] =	ssyncadd.s32 $0xFFFFFF00  }
0x1f8: {  	_ =	swait.ge [sflag:s16], $0x100  }
0x1f9: {  	[sflag:s16] =	ssyncset.done $0x0  }
0x1fa: {  	[sflag:s16] =	ssyncadd.s32 $0xFFFFFF00  }
0x1fb: {  	_ =	swait.ge [sflag:s16], $0x100  }
0x1fc: {  	[sflag:s16] =	ssyncset.done $0x0  }
0x1fd: {  	[sflag:s16] =	ssyncadd.s32 $0xFFFFFF00  }
0x1fe: {  	_ =	swait.ge [sflag:s16], $0x100  }
0x1ff: {  	[sflag:s16] =	ssyncset.done $0x0  }
0x200: {  	[sflag:s16] =	ssyncadd.s32 $0xFFFFFF00  }
0x201: {  	_ =	swait.ge [sflag:s16], $0x100  }
0x202: {  	[sflag:s16] =	ssyncset.done $0x0  }
0x203: {  	[sflag:s16] =	ssyncadd.s32 $0xFFFFFF00  }
0x204: {  	_ =	swait.ge [sflag:s16], $0x100  }
0x205: {  	[sflag:s16] =	ssyncset.done $0x0  }
0x206: {  	[sflag:s16] =	ssyncadd.s32 $0xFFFFFF00  }
0x207: {  	_ =	swait.ge [sflag:s16], $0x100  }
0x208: {  	[sflag:s16] =	ssyncset.done $0x0  }
0x209: {  	[sflag:s16] =	ssyncadd.s32 $0xFFFFFF00  }
0x20a: {  	_ =	swait.ge [sflag:s16], $0x100  }
0x20b: {  	[sflag:s16] =	ssyncset.done $0x0  }
0x20c: {  	[sflag:s16] =	ssyncadd.s32 $0xFFFFFF00  }
0x20d: {  	_ =	swait.ge [sflag:s16], $0x100  }
0x20e: {  	[sflag:s16] =	ssyncset.done $0x0  }
0x20f: {  	[sflag:s16] =	ssyncadd.s32 $0xFFFFFF00  }
0x210: {  	_ =	swait.ge [sflag:s16], $0x100  }
0x211: {  	[sflag:s16] =	ssyncset.done $0x0  }
0x212: {  	[sflag:s16] =	ssyncadd.s32 $0xFFFFFF00  }
0x213: {  	_ =	swait.ge [sflag:s16], $0x100  }
0x214: {  	[sflag:s16] =	ssyncset.done $0x0  }
0x215: {  	[sflag:s16] =	ssyncadd.s32 $0xFFFFFF00  }
0x216: {  	_ =	swait.ge [sflag:s16], $0x100  }
0x217: {  	[sflag:s16] =	ssyncset.done $0x0  }
0x218: {  	[sflag:s16] =	ssyncadd.s32 $0xFFFFFF00  }
0x219: {  	_ =	swait.ge [sflag:s16], $0x100  }
0x21a: {  	[sflag:s16] =	ssyncset.done $0x0  }
0x21b: {  	[sflag:s16] =	ssyncadd.s32 $0xFFFFFF00  }
0x21c: {  	_ =	swait.ge [sflag:s16], $0x100  }
0x21d: {  	[sflag:s16] =	ssyncset.done $0x0  }
0x21e: {  	[sflag:s16] =	ssyncadd.s32 $0xFFFFFF00  }
0x21f: {  	_ =	swait.ge [sflag:s16], $0x100  }
0x220: {  	[sflag:s16] =	ssyncset.done $0x0  }
0x221: {  	[sflag:s16] =	ssyncadd.s32 $0xFFFFFF00  }
0x222: {  	_ =	swait.ge [sflag:s16], $0x100  }
0x223: {  	[sflag:s16] =	ssyncset.done $0x0  }
0x224: {  	[sflag:s16] =	ssyncadd.s32 $0xFFFFFF00  }
0x225: {  	_ =	swait.ge [sflag:s16], $0x100  }
0x226: {  	[sflag:s16] =	ssyncset.done $0x0  }
0x227: {  	[sflag:s16] =	ssyncadd.s32 $0xFFFFFF00  }
0x228: {  	_ =	swait.ge [sflag:s16], $0x100  }
0x229: {  	[sflag:s16] =	ssyncset.done $0x0  }
0x22a: {  	[sflag:s16] =	ssyncadd.s32 $0xFFFFFF00  }
0x22b: {  	_ =	swait.ge [sflag:s16], $0x100  }
0x22c: {  	[sflag:s16] =	ssyncset.done $0x0  }
0x22d: {  	[sflag:s16] =	ssyncadd.s32 $0xFFFFFF00  }
0x22e: {  	_ =	swait.ge [sflag:s16], $0x100  }
0x22f: {  	[sflag:s16] =	ssyncset.done $0x0  }
0x230: {  	[sflag:s16] =	ssyncadd.s32 $0xFFFFFF00  }
0x231: {  	_ =	swait.ge [sflag:s16], $0x100  }
0x232: {  	[sflag:s16] =	ssyncset.done $0x0  }
0x233: {  	[sflag:s16] =	ssyncadd.s32 $0xFFFFFF00  }
0x234: {  	_ =	swait.ge [sflag:s16], $0x100  }
0x235: {  	[sflag:s16] =	ssyncset.done $0x0  }
0x236: {  	[sflag:s16] =	ssyncadd.s32 $0xFFFFFF00  }
0x237: {  	_ =	swait.ge [sflag:s16], $0x100  }
0x238: {  	[sflag:s16] =	ssyncset.done $0x0  }
0x239: {  	[sflag:s16] =	ssyncadd.s32 $0xFFFFFF00  }
0x23a: {  	_ =	swait.ge [sflag:s16], $0x100  }
0x23b: {  	[sflag:s16] =	ssyncset.done $0x0  }
0x23c: {  	[sflag:s16] =	ssyncadd.s32 $0xFFFFFF00  }
0x23d: {  	_ =	swait.ge [sflag:s16], $0x100  }
0x23e: {  	[sflag:s16] =	ssyncset.done $0x0  }
0x23f: {  	[sflag:s16] =	ssyncadd.s32 $0xFFFFFF00  }
0x240: {  	_ =	swait.ge [sflag:s16], $0x100  }
0x241: {  	[sflag:s16] =	ssyncset.done $0x0  }
0x242: {  	[sflag:s16] =	ssyncadd.s32 $0xFFFFFF00  }
0x243: {  	[hbm4b:s8+s3] =	stream.linear.scatter [tilespmem:s17], [sflag:$0x2], $0x1000, $0x38;
	[tilespmem:$0x10080] =	vst v63  }
0x244: {  	_ = 	snop  }
0x245: {  	[hbm4b:s9+s3] =	stream.linear.scatter [tilespmem:s18], [sflag:$0x2], $0x1000, $0x38;
	[tilespmem:$0x10080] =	vst v63  }
0x246: {  	_ = 	snop  }
0x247: {  	[hbm4b:s10+s3] =	stream.linear.scatter [tilespmem:s19], [sflag:$0x2], $0x1000, $0x38;
	[tilespmem:$0x10080] =	vst v63  }
0x248: {  	_ = 	snop  }
0x249: {  	[hbm4b:s11+s3] =	stream.linear.scatter [tilespmem:s20], [sflag:$0x2], $0x1000, $0x38;
	[tilespmem:$0x10080] =	vst v63  }
0x24a: {  	_ = 	snop  }
0x24b: {  	[hbm4b:s12+s3] =	stream.linear.scatter [tilespmem:s21], [sflag:$0x2], $0x1000, $0x38;
	[tilespmem:$0x10080] =	vst v63  }
0x24c: {  	_ =	swait.ge [sflag:s22], $0x1000  }
0x24d: {  	[sflag:s22] =	ssyncset.done $0x0  }
0x24e: {  	[sflag:s22] =	ssyncadd.s32 $0xFFFFF000  }
0x24f: {  	_ =	swait.ge [sflag:s22], $0x1000  }
0x250: {  	[sflag:s22] =	ssyncset.done $0x0  }
0x251: {  	[sflag:s22] =	ssyncadd.s32 $0xFFFFF000  }
0x252: {  	_ =	swait.ge [sflag:s22], $0x1000  }
0x253: {  	[sflag:s22] =	ssyncset.done $0x0  }
0x254: {  	[sflag:s22] =	ssyncadd.s32 $0xFFFFF000  }
0x255: {  	_ =	swait.ge [sflag:s22], $0x1000  }
0x256: {  	[sflag:s22] =	ssyncset.done $0x0  }
0x257: {  	[sflag:s22] =	ssyncadd.s32 $0xFFFFF000  }
0x258: {  	_ =	swait.ge [sflag:s22], $0x1000  }
0x259: {  	[sflag:s22] =	ssyncset.done $0x0  }
0x25a: {  	[sflag:s22] =	ssyncadd.s32 $0xFFFFF000  }
0x25b: {  	_ =	swait.ge [sflag:s22], $0x1000  }
0x25c: {  	[sflag:s22] =	ssyncset.done $0x0  }
0x25d: {  	s23 =	sadd.s32 $0x1, s23;
	[sflag:s22] =	ssyncadd.s32 $0xFFFFF000  }
0x25e: {  	p0 =	sne.s32 s23, s13;
	_ =	swait.ge [sflag:s22], $0x1000  }
.Ltmp17:
0x25f: {  	[sflag:s22] =	ssyncset.done $0x0;
	(pc) =	sbr.rel @p0 .LBB2_1-.Ltmp17, $4  }
0x260: {  	[sflag:s22] =	ssyncadd.s32 $0xFFFFF000  }
0x261: {  	_ =	swait.ge [sflag:s22], $0x1000  }
0x262: {  	[sflag:s22] =	ssyncset.done $0x0  }
0x263: {  	[sflag:s22] =	ssyncadd.s32 $0xFFFFF000  }
0x264: {  	_ =	sfence.sel $0x180000  }
0x265: {  	[bflag:$0x0] =	sbarrier.arrive $0xFFFF  }
0x266: {  	_ =	strace $0x90000047  }
0x267: {  	[bflag:$0x2] =	sbarrier.arrive $0xFFFF  }
0x268: {  	p0 =	sne.s32 s2, $0x0;
	s0 =	rddreg [dreg:$0x3]  }
0x269: {  	s0 =	sadd.s32 @!p0 $0x100000, s0  }
0x26a: {  	[sflag:s0] =	ssyncadd.tile.s32 @!p0 $0x1;
	_ =	shalt  }
.Lfunc_end2:
_tile_overlayer_lowered:
.L_overlay_start_2:
0x26b: {  	(tag) =	ssettag $0x2  }
0x26c: {  	s0 =	rddreg [dreg:$0x0];
	s2 =	stileid.u32  }
0x26d: {  	s1 =	rddreg [dreg:$0x1];
	p0 =	sne.s32 s2, $0x0  }
0x26e: {  	s3 =	rddreg [dreg:$0x2];
	[bflag:$0x3] =	sbarrier.arrive $0xFFFF;
	s2 =	simm.s32 @!p0 $0x1C03  }
0x26f: {  	[timem:s3], [sflag:s2] =	dma.local @!p0 [hbm:s0], s1  }
0x270: {  	s0 =	simm.s32 @!p0 $0x3  }
0x271: {  	_ =	swait.ge @!p0 [sflag:s0], s1  }
0x272: {  	s1 =	ssub.s32 @!p0 $0x0, s1;
	[sflag:s0] =	ssyncset.done @!p0 $0x0  }
0x273: {  	[sflag:s0] =	ssyncadd.s32 @!p0 s1  }
0x274: {  	[bflag:$0x3] =	sbarrier.arrive $0xFFFF  }
0x275: {  	_ =	shalt  }

</sc_bundles>
